<compile_context>
chip_gen: v7x
topology: tpu7x:2x2x1
jax: 0.10.2.dev20260603
libtpu: 0.0.44.dev20260713+nightly
codegen_flags: <defaults>
</compile_context>

<pallas_src>
import functools

import jax
import jax.numpy as jnp
from jax.experimental import pallas as pl

_KNN = 16
_RADIUS = 0.07
_H2 = 0.03 * 0.03
_ALPHA = 0.1
_ROWS = 512
_LANES = 128
_WIN = 4096
_BIG = 3.4e38


def _ce(a, b):
    return jnp.minimum(a, b), jnp.maximum(a, b)


def _sorted3_of4(t0, t1, t2, t3):
    a1, a2 = _ce(t0, t1)
    b1, b2 = _ce(t2, t3)
    lo1, hi1 = _ce(a1, b1)
    lo2 = jnp.minimum(a2, b2)
    mid1, mid2 = _ce(hi1, lo2)
    return (lo1, mid1, mid2)


def _merge33_low3(a, b):
    l1 = jnp.minimum(a[0], b[2])
    l2 = jnp.minimum(a[1], b[1])
    l3 = jnp.minimum(a[2], b[0])
    m1, m2 = _ce(l1, l2)
    n1, n3 = _ce(m1, l3)
    n2, o3 = _ce(m2, n3)
    return (n1, n2, o3)


def _rep_block_kernel(pts_ref, ptsT_ref, out_ref, *, win):
    pr = pts_ref[0]
    n = ptsT_ref.shape[2]
    xr = pr[:, 0:1]
    yr = pr[:, 1:2]
    zr = pr[:, 2:3]

    i = pl.program_id(1)
    margin = (win - _ROWS) // 2
    start = pl.multiple_of(jnp.clip(i * _ROWS - margin, 0, n - win), _LANES)

    def chunk(c):
        return ptsT_ref[0, 0:3, pl.ds(start + c * _LANES, _LANES)]

    def chunk_dist(pc):
        dx = xr - pc[0:1, :]
        dy = yr - pc[1:2, :]
        dz = zr - pc[2:3, :]
        return dx * dx + dy * dy + dz * dz

    first = chunk(0)
    last = chunk(win // _LANES - 1)
    lists = None
    for g in range(win // (4 * _LANES)):
        cs = [first if c == 0 else (last if c == win // _LANES - 1 else chunk(c))
              for c in range(4 * g, 4 * g + 4)]
        s = _sorted3_of4(chunk_dist(cs[0]), chunk_dist(cs[1]),
                         chunk_dist(cs[2]), chunk_dist(cs[3]))
        lists = s if lists is None else _merge33_low3(lists, s)
    lists = list(lists)

    mins = []
    for _ in range(_KNN):
        m = jnp.min(lists[0], axis=1, keepdims=True)
        mins.append(m)
        pop = lists[0] <= m
        lists[0] = jnp.where(pop, lists[1], lists[0])
        lists[1] = jnp.where(pop, lists[2], lists[1])
        lists[2] = jnp.where(pop, _BIG, lists[2])

    mm = jnp.concatenate(mins, axis=1)
    d = jnp.sqrt(mm)
    w = jnp.exp(-mm / _H2)
    sums = jnp.sum((_RADIUS - d) * w, axis=1, keepdims=True)

    d16 = d[:, _KNN - 1:_KNN]
    xlo = first[0:1, 0:1]
    xhi = last[0:1, _LANES - 1:_LANES]
    left_ok = jnp.logical_or(start == 0, xr - xlo >= d16)
    right_ok = jnp.logical_or(start == n - win, xhi - xr >= d16)
    ok = jnp.where(jnp.logical_and(left_ok, right_ok), 1.0, 0.0)

    out_ref[0] = jnp.concatenate([sums, ok], axis=1)


def _run(points_sorted, ptsT, win):
    B, N, _ = points_sorted.shape
    return pl.pallas_call(
        functools.partial(_rep_block_kernel, win=win),
        grid=(B, N // _ROWS),
        in_specs=[
            pl.BlockSpec((1, _ROWS, 3), lambda b, i: (b, i, 0)),
            pl.BlockSpec((1, 3, N), lambda b, i: (b, 0, 0)),
        ],
        out_specs=pl.BlockSpec((1, _ROWS, 2), lambda b, i: (b, i, 0)),
        out_shape=jax.ShapeDtypeStruct((B, N, 2), jnp.float32),
    )(points_sorted, ptsT)


def kernel(points):
    B, N, _ = points.shape
    order = jnp.argsort(points[:, :, 0], axis=1)
    ps = jnp.take_along_axis(points, order[:, :, None], axis=1)
    psT = jnp.transpose(ps, (0, 2, 1))

    rs = _run(ps, psT, _WIN)
    total_fast = jnp.sum(rs[:, :, 0])
    all_ok = jnp.min(rs[:, :, 1]) > 0.5

    def slow(_):
        return jnp.sum(_run(ps, psT, N)[:, :, 0])

    total = jax.lax.cond(all_ok, lambda _: total_fast, slow, None)
    return _ALPHA * (total / (B * N * _KNN))

# --- scband reference (transcript-rebuilt; emitter-appended) ---
"""Pipeline reference for scband-repulsion-loss-65781719105610 (READ-ONLY COPY).

The authoritative reference and input builder live on the scoring server;
editing this copy changes nothing except your own understanding.
"""

import jax, jax.numpy as jnp
import numpy as np

KNN = 16
RADIUS = 0.07
H = 0.03
ALPHA = 0.1


def setup_inputs(seed: int = 0) -> dict:
    key = jax.random.key(seed)
    points = jax.random.uniform(key, (4, 4096, 3), dtype=jnp.float32)
    return {"points": points}


def reference(points):
    # knn_point: brute-force pairwise squared distances + top-k smallest
    sq = jnp.sum(points ** 2, axis=-1)  # [B, N]
    sqrdists = sq[:, :, None] - 2.0 * jnp.einsum('bnd,bmd->bnm', points, points) + sq[:, None, :]  # [B, N, N]
    _, group_idx = jax.lax.top_k(-sqrdists, KNN)  # [B, N, K] indices of K nearest (incl. self)
    # index_points: gather neighbor coordinates
    knn_points = jax.vmap(lambda p, i: p[i])(points, group_idx)  # [B, N, K, 3]
    knn_dist = points[:, :, None, :] - knn_points  # [B, N, K, 3]
    knn_dist_norm = jnp.linalg.norm(knn_dist, axis=-1)  # [B, N, K]
    weight = jnp.exp(-(knn_dist_norm ** 2) / (H ** 2))
    repulsion_loss = jnp.mean((RADIUS - knn_dist_norm) * weight)
    return ALPHA * repulsion_loss

if __name__ == "__main__":
    import jax
    _d = setup_inputs()
    print(jax.jit(kernel)(*tuple(_d.values())))

</pallas_src>

<mosaic_0001>
module attributes {stable_mosaic.version = 14 : i64} {
  func.func @_rep_block_kernel(%arg0: i32, %arg1: i32, %arg2: memref<1x512x3xf32, #tpu.memory_space<vmem>>, %arg3: memref<1x3x4096xf32, #tpu.memory_space<vmem>>, %arg4: memref<1x512x2xf32, #tpu.memory_space<vmem>>) attributes {dimension_semantics = [#tpu.dimension_semantics<arbitrary>, #tpu.dimension_semantics<arbitrary>], iteration_bounds = array<i64: 4, 8>, scalar_prefetch = 0 : i64, scratch_operands = 0 : i64, tpu.core_type = #tpu.core_type<tc>, window_params = [{transform_indices = @transform_0, window_bounds = array<i64: 1, 512, 3>}, {transform_indices = @transform_1, window_bounds = array<i64: 1, 3, 4096>}, {transform_indices = @transform_2, window_bounds = array<i64: 1, 512, 2>}]} {
    %get3A = arith.constant 0 : index
    %get3A_0 = arith.constant 0 : index
    %get3A_1 = arith.constant 0 : index
    %get3A_2 = vector.load %arg2[%get3A, %get3A_0, %get3A_1] : memref<1x512x3xf32, #tpu.memory_space<vmem>>, vector<1x512x3xf32>
    %get3A_3 = vector.shape_cast %get3A_2 : vector<1x512x3xf32> to vector<512x3xf32>
    %slice3A = vector.extract_strided_slice %get3A_3 {offsets = [0, 0], sizes = [512, 1], strides = [1, 1]} : vector<512x3xf32> to vector<512x1xf32>
    %slice3A_4 = vector.extract_strided_slice %get3A_3 {offsets = [0, 1], sizes = [512, 1], strides = [1, 1]} : vector<512x3xf32> to vector<512x1xf32>
    %slice3A_5 = vector.extract_strided_slice %get3A_3 {offsets = [0, 2], sizes = [512, 1], strides = [1, 1]} : vector<512x3xf32> to vector<512x1xf32>
    %mul3A = arith.constant 512 : i32
    %mul3A_6 = arith.muli %arg1, %mul3A : i32
    %sub3A = arith.constant 1792 : i32
    %sub3A_7 = arith.subi %mul3A_6, %sub3A : i32
    %jit3A = arith.constant 0 : i32
    %jit3A_8 = arith.constant 0 : i32
    %max3A = arith.maxsi %jit3A, %sub3A_7 : i32
    %min3A = arith.minsi %jit3A_8, %max3A : i32
    %multiple_of3A = tpu.assume_multiple %min3A, 128 : i32
    %add3A = arith.constant 0 : i32
    %add3A_9 = arith.addi %multiple_of3A, %add3A : i32
    %get3A_10 = arith.constant 0 : index
    %get3A_11 = arith.constant 0 : index
    %get3A_12 = arith.index_cast %add3A_9 : i32 to index
    %get3A_13 = vector.load %arg3[%get3A_10, %get3A_11, %get3A_12] : memref<1x3x4096xf32, #tpu.memory_space<vmem>>, vector<1x3x128xf32>
    %get3A_14 = vector.shape_cast %get3A_13 : vector<1x3x128xf32> to vector<3x128xf32>
    %add3A_15 = arith.constant 3968 : i32
    %add3A_16 = arith.addi %multiple_of3A, %add3A_15 : i32
    %get3A_17 = arith.constant 0 : index
    %get3A_18 = arith.constant 0 : index
    %get3A_19 = arith.index_cast %add3A_16 : i32 to index
    %get3A_20 = vector.load %arg3[%get3A_17, %get3A_18, %get3A_19] : memref<1x3x4096xf32, #tpu.memory_space<vmem>>, vector<1x3x128xf32>
    %get3A_21 = vector.shape_cast %get3A_20 : vector<1x3x128xf32> to vector<3x128xf32>
    %add3A_22 = arith.constant 128 : i32
    %add3A_23 = arith.addi %multiple_of3A, %add3A_22 : i32
    %get3A_24 = arith.constant 0 : index
    %get3A_25 = arith.constant 0 : index
    %get3A_26 = arith.index_cast %add3A_23 : i32 to index
    %get3A_27 = vector.load %arg3[%get3A_24, %get3A_25, %get3A_26] : memref<1x3x4096xf32, #tpu.memory_space<vmem>>, vector<1x3x128xf32>
    %get3A_28 = vector.shape_cast %get3A_27 : vector<1x3x128xf32> to vector<3x128xf32>
    %add3A_29 = arith.constant 256 : i32
    %add3A_30 = arith.addi %multiple_of3A, %add3A_29 : i32
    %get3A_31 = arith.constant 0 : index
    %get3A_32 = arith.constant 0 : index
    %get3A_33 = arith.index_cast %add3A_30 : i32 to index
    %get3A_34 = vector.load %arg3[%get3A_31, %get3A_32, %get3A_33] : memref<1x3x4096xf32, #tpu.memory_space<vmem>>, vector<1x3x128xf32>
    %get3A_35 = vector.shape_cast %get3A_34 : vector<1x3x128xf32> to vector<3x128xf32>
    %add3A_36 = arith.constant 384 : i32
    %add3A_37 = arith.addi %multiple_of3A, %add3A_36 : i32
    %get3A_38 = arith.constant 0 : index
    %get3A_39 = arith.constant 0 : index
    %get3A_40 = arith.index_cast %add3A_37 : i32 to index
    %get3A_41 = vector.load %arg3[%get3A_38, %get3A_39, %get3A_40] : memref<1x3x4096xf32, #tpu.memory_space<vmem>>, vector<1x3x128xf32>
    %get3A_42 = vector.shape_cast %get3A_41 : vector<1x3x128xf32> to vector<3x128xf32>
    %slice3A_43 = vector.extract_strided_slice %get3A_14 {offsets = [0, 0], sizes = [1, 128], strides = [1, 1]} : vector<3x128xf32> to vector<1x128xf32>
    %sub3A_44 = vector.broadcast %slice3A : vector<512x1xf32> to vector<512x128xf32>
    %sub3A_45 = vector.broadcast %slice3A_43 : vector<1x128xf32> to vector<512x128xf32>
    %sub3A_46 = arith.subf %sub3A_44, %sub3A_45 : vector<512x128xf32>
    %slice3A_47 = vector.extract_strided_slice %get3A_14 {offsets = [1, 0], sizes = [1, 128], strides = [1, 1]} : vector<3x128xf32> to vector<1x128xf32>
    %sub3A_48 = vector.broadcast %slice3A_4 : vector<512x1xf32> to vector<512x128xf32>
    %sub3A_49 = vector.broadcast %slice3A_47 : vector<1x128xf32> to vector<512x128xf32>
    %sub3A_50 = arith.subf %sub3A_48, %sub3A_49 : vector<512x128xf32>
    %slice3A_51 = vector.extract_strided_slice %get3A_14 {offsets = [2, 0], sizes = [1, 128], strides = [1, 1]} : vector<3x128xf32> to vector<1x128xf32>
    %sub3A_52 = vector.broadcast %slice3A_5 : vector<512x1xf32> to vector<512x128xf32>
    %sub3A_53 = vector.broadcast %slice3A_51 : vector<1x128xf32> to vector<512x128xf32>
    %sub3A_54 = arith.subf %sub3A_52, %sub3A_53 : vector<512x128xf32>
    %mul3A_55 = arith.mulf %sub3A_46, %sub3A_46 : vector<512x128xf32>
    %mul3A_56 = arith.mulf %sub3A_50, %sub3A_50 : vector<512x128xf32>
    %add3A_57 = arith.addf %mul3A_55, %mul3A_56 : vector<512x128xf32>
    %mul3A_58 = arith.mulf %sub3A_54, %sub3A_54 : vector<512x128xf32>
    %add3A_59 = arith.addf %add3A_57, %mul3A_58 : vector<512x128xf32>
    %slice3A_60 = vector.extract_strided_slice %get3A_28 {offsets = [0, 0], sizes = [1, 128], strides = [1, 1]} : vector<3x128xf32> to vector<1x128xf32>
    %sub3A_61 = vector.broadcast %slice3A : vector<512x1xf32> to vector<512x128xf32>
    %sub3A_62 = vector.broadcast %slice3A_60 : vector<1x128xf32> to vector<512x128xf32>
    %sub3A_63 = arith.subf %sub3A_61, %sub3A_62 : vector<512x128xf32>
    %slice3A_64 = vector.extract_strided_slice %get3A_28 {offsets = [1, 0], sizes = [1, 128], strides = [1, 1]} : vector<3x128xf32> to vector<1x128xf32>
    %sub3A_65 = vector.broadcast %slice3A_4 : vector<512x1xf32> to vector<512x128xf32>
    %sub3A_66 = vector.broadcast %slice3A_64 : vector<1x128xf32> to vector<512x128xf32>
    %sub3A_67 = arith.subf %sub3A_65, %sub3A_66 : vector<512x128xf32>
    %slice3A_68 = vector.extract_strided_slice %get3A_28 {offsets = [2, 0], sizes = [1, 128], strides = [1, 1]} : vector<3x128xf32> to vector<1x128xf32>
    %sub3A_69 = vector.broadcast %slice3A_5 : vector<512x1xf32> to vector<512x128xf32>
    %sub3A_70 = vector.broadcast %slice3A_68 : vector<1x128xf32> to vector<512x128xf32>
    %sub3A_71 = arith.subf %sub3A_69, %sub3A_70 : vector<512x128xf32>
    %mul3A_72 = arith.mulf %sub3A_63, %sub3A_63 : vector<512x128xf32>
    %mul3A_73 = arith.mulf %sub3A_67, %sub3A_67 : vector<512x128xf32>
    %add3A_74 = arith.addf %mul3A_72, %mul3A_73 : vector<512x128xf32>
    %mul3A_75 = arith.mulf %sub3A_71, %sub3A_71 : vector<512x128xf32>
    %add3A_76 = arith.addf %add3A_74, %mul3A_75 : vector<512x128xf32>
    %slice3A_77 = vector.extract_strided_slice %get3A_35 {offsets = [0, 0], sizes = [1, 128], strides = [1, 1]} : vector<3x128xf32> to vector<1x128xf32>
    %sub3A_78 = vector.broadcast %slice3A : vector<512x1xf32> to vector<512x128xf32>
    %sub3A_79 = vector.broadcast %slice3A_77 : vector<1x128xf32> to vector<512x128xf32>
    %sub3A_80 = arith.subf %sub3A_78, %sub3A_79 : vector<512x128xf32>
    %slice3A_81 = vector.extract_strided_slice %get3A_35 {offsets = [1, 0], sizes = [1, 128], strides = [1, 1]} : vector<3x128xf32> to vector<1x128xf32>
    %sub3A_82 = vector.broadcast %slice3A_4 : vector<512x1xf32> to vector<512x128xf32>
    %sub3A_83 = vector.broadcast %slice3A_81 : vector<1x128xf32> to vector<512x128xf32>
    %sub3A_84 = arith.subf %sub3A_82, %sub3A_83 : vector<512x128xf32>
    %slice3A_85 = vector.extract_strided_slice %get3A_35 {offsets = [2, 0], sizes = [1, 128], strides = [1, 1]} : vector<3x128xf32> to vector<1x128xf32>
    %sub3A_86 = vector.broadcast %slice3A_5 : vector<512x1xf32> to vector<512x128xf32>
    %sub3A_87 = vector.broadcast %slice3A_85 : vector<1x128xf32> to vector<512x128xf32>
    %sub3A_88 = arith.subf %sub3A_86, %sub3A_87 : vector<512x128xf32>
    %mul3A_89 = arith.mulf %sub3A_80, %sub3A_80 : vector<512x128xf32>
    %mul3A_90 = arith.mulf %sub3A_84, %sub3A_84 : vector<512x128xf32>
    %add3A_91 = arith.addf %mul3A_89, %mul3A_90 : vector<512x128xf32>
    %mul3A_92 = arith.mulf %sub3A_88, %sub3A_88 : vector<512x128xf32>
    %add3A_93 = arith.addf %add3A_91, %mul3A_92 : vector<512x128xf32>
    %slice3A_94 = vector.extract_strided_slice %get3A_42 {offsets = [0, 0], sizes = [1, 128], strides = [1, 1]} : vector<3x128xf32> to vector<1x128xf32>
    %sub3A_95 = vector.broadcast %slice3A : vector<512x1xf32> to vector<512x128xf32>
    %sub3A_96 = vector.broadcast %slice3A_94 : vector<1x128xf32> to vector<512x128xf32>
    %sub3A_97 = arith.subf %sub3A_95, %sub3A_96 : vector<512x128xf32>
    %slice3A_98 = vector.extract_strided_slice %get3A_42 {offsets = [1, 0], sizes = [1, 128], strides = [1, 1]} : vector<3x128xf32> to vector<1x128xf32>
    %sub3A_99 = vector.broadcast %slice3A_4 : vector<512x1xf32> to vector<512x128xf32>
    %sub3A_100 = vector.broadcast %slice3A_98 : vector<1x128xf32> to vector<512x128xf32>
    %sub3A_101 = arith.subf %sub3A_99, %sub3A_100 : vector<512x128xf32>
    %slice3A_102 = vector.extract_strided_slice %get3A_42 {offsets = [2, 0], sizes = [1, 128], strides = [1, 1]} : vector<3x128xf32> to vector<1x128xf32>
    %sub3A_103 = vector.broadcast %slice3A_5 : vector<512x1xf32> to vector<512x128xf32>
    %sub3A_104 = vector.broadcast %slice3A_102 : vector<1x128xf32> to vector<512x128xf32>
    %sub3A_105 = arith.subf %sub3A_103, %sub3A_104 : vector<512x128xf32>
    %mul3A_106 = arith.mulf %sub3A_97, %sub3A_97 : vector<512x128xf32>
    %mul3A_107 = arith.mulf %sub3A_101, %sub3A_101 : vector<512x128xf32>
    %add3A_108 = arith.addf %mul3A_106, %mul3A_107 : vector<512x128xf32>
    %mul3A_109 = arith.mulf %sub3A_105, %sub3A_105 : vector<512x128xf32>
    %add3A_110 = arith.addf %add3A_108, %mul3A_109 : vector<512x128xf32>
    %min3A_111 = arith.minimumf %add3A_59, %add3A_76 : vector<512x128xf32>
    %max3A_112 = arith.maximumf %add3A_59, %add3A_76 : vector<512x128xf32>
    %min3A_113 = arith.minimumf %add3A_93, %add3A_110 : vector<512x128xf32>
    %max3A_114 = arith.maximumf %add3A_93, %add3A_110 : vector<512x128xf32>
    %min3A_115 = arith.minimumf %min3A_111, %min3A_113 : vector<512x128xf32>
    %max3A_116 = arith.maximumf %min3A_111, %min3A_113 : vector<512x128xf32>
    %min3A_117 = arith.minimumf %max3A_112, %max3A_114 : vector<512x128xf32>
    %min3A_118 = arith.minimumf %max3A_116, %min3A_117 : vector<512x128xf32>
    %max3A_119 = arith.maximumf %max3A_116, %min3A_117 : vector<512x128xf32>
    %add3A_120 = arith.constant 512 : i32
    %add3A_121 = arith.addi %multiple_of3A, %add3A_120 : i32
    %get3A_122 = arith.constant 0 : index
    %get3A_123 = arith.constant 0 : index
    %get3A_124 = arith.index_cast %add3A_121 : i32 to index
    %get3A_125 = vector.load %arg3[%get3A_122, %get3A_123, %get3A_124] : memref<1x3x4096xf32, #tpu.memory_space<vmem>>, vector<1x3x128xf32>
    %get3A_126 = vector.shape_cast %get3A_125 : vector<1x3x128xf32> to vector<3x128xf32>
    %add3A_127 = arith.constant 640 : i32
    %add3A_128 = arith.addi %multiple_of3A, %add3A_127 : i32
    %get3A_129 = arith.constant 0 : index
    %get3A_130 = arith.constant 0 : index
    %get3A_131 = arith.index_cast %add3A_128 : i32 to index
    %get3A_132 = vector.load %arg3[%get3A_129, %get3A_130, %get3A_131] : memref<1x3x4096xf32, #tpu.memory_space<vmem>>, vector<1x3x128xf32>
    %get3A_133 = vector.shape_cast %get3A_132 : vector<1x3x128xf32> to vector<3x128xf32>
    %add3A_134 = arith.constant 768 : i32
    %add3A_135 = arith.addi %multiple_of3A, %add3A_134 : i32
    %get3A_136 = arith.constant 0 : index
    %get3A_137 = arith.constant 0 : index
    %get3A_138 = arith.index_cast %add3A_135 : i32 to index
    %get3A_139 = vector.load %arg3[%get3A_136, %get3A_137, %get3A_138] : memref<1x3x4096xf32, #tpu.memory_space<vmem>>, vector<1x3x128xf32>
    %get3A_140 = vector.shape_cast %get3A_139 : vector<1x3x128xf32> to vector<3x128xf32>
    %add3A_141 = arith.constant 896 : i32
    %add3A_142 = arith.addi %multiple_of3A, %add3A_141 : i32
    %get3A_143 = arith.constant 0 : index
    %get3A_144 = arith.constant 0 : index
    %get3A_145 = arith.index_cast %add3A_142 : i32 to index
    %get3A_146 = vector.load %arg3[%get3A_143, %get3A_144, %get3A_145] : memref<1x3x4096xf32, #tpu.memory_space<vmem>>, vector<1x3x128xf32>
    %get3A_147 = vector.shape_cast %get3A_146 : vector<1x3x128xf32> to vector<3x128xf32>
    %slice3A_148 = vector.extract_strided_slice %get3A_126 {offsets = [0, 0], sizes = [1, 128], strides = [1, 1]} : vector<3x128xf32> to vector<1x128xf32>
    %sub3A_149 = vector.broadcast %slice3A : vector<512x1xf32> to vector<512x128xf32>
    %sub3A_150 = vector.broadcast %slice3A_148 : vector<1x128xf32> to vector<512x128xf32>
    %sub3A_151 = arith.subf %sub3A_149, %sub3A_150 : vector<512x128xf32>
    %slice3A_152 = vector.extract_strided_slice %get3A_126 {offsets = [1, 0], sizes = [1, 128], strides = [1, 1]} : vector<3x128xf32> to vector<1x128xf32>
    %sub3A_153 = vector.broadcast %slice3A_4 : vector<512x1xf32> to vector<512x128xf32>
    %sub3A_154 = vector.broadcast %slice3A_152 : vector<1x128xf32> to vector<512x128xf32>
    %sub3A_155 = arith.subf %sub3A_153, %sub3A_154 : vector<512x128xf32>
    %slice3A_156 = vector.extract_strided_slice %get3A_126 {offsets = [2, 0], sizes = [1, 128], strides = [1, 1]} : vector<3x128xf32> to vector<1x128xf32>
    %sub3A_157 = vector.broadcast %slice3A_5 : vector<512x1xf32> to vector<512x128xf32>
    %sub3A_158 = vector.broadcast %slice3A_156 : vector<1x128xf32> to vector<512x128xf32>
    %sub3A_159 = arith.subf %sub3A_157, %sub3A_158 : vector<512x128xf32>
    %mul3A_160 = arith.mulf %sub3A_151, %sub3A_151 : vector<512x128xf32>
    %mul3A_161 = arith.mulf %sub3A_155, %sub3A_155 : vector<512x128xf32>
    %add3A_162 = arith.addf %mul3A_160, %mul3A_161 : vector<512x128xf32>
    %mul3A_163 = arith.mulf %sub3A_159, %sub3A_159 : vector<512x128xf32>
    %add3A_164 = arith.addf %add3A_162, %mul3A_163 : vector<512x128xf32>
    %slice3A_165 = vector.extract_strided_slice %get3A_133 {offsets = [0, 0], sizes = [1, 128], strides = [1, 1]} : vector<3x128xf32> to vector<1x128xf32>
    %sub3A_166 = vector.broadcast %slice3A : vector<512x1xf32> to vector<512x128xf32>
    %sub3A_167 = vector.broadcast %slice3A_165 : vector<1x128xf32> to vector<512x128xf32>
    %sub3A_168 = arith.subf %sub3A_166, %sub3A_167 : vector<512x128xf32>
    %slice3A_169 = vector.extract_strided_slice %get3A_133 {offsets = [1, 0], sizes = [1, 128], strides = [1, 1]} : vector<3x128xf32> to vector<1x128xf32>
    %sub3A_170 = vector.broadcast %slice3A_4 : vector<512x1xf32> to vector<512x128xf32>
    %sub3A_171 = vector.broadcast %slice3A_169 : vector<1x128xf32> to vector<512x128xf32>
    %sub3A_172 = arith.subf %sub3A_170, %sub3A_171 : vector<512x128xf32>
    %slice3A_173 = vector.extract_strided_slice %get3A_133 {offsets = [2, 0], sizes = [1, 128], strides = [1, 1]} : vector<3x128xf32> to vector<1x128xf32>
    %sub3A_174 = vector.broadcast %slice3A_5 : vector<512x1xf32> to vector<512x128xf32>
    %sub3A_175 = vector.broadcast %slice3A_173 : vector<1x128xf32> to vector<512x128xf32>
    %sub3A_176 = arith.subf %sub3A_174, %sub3A_175 : vector<512x128xf32>
    %mul3A_177 = arith.mulf %sub3A_168, %sub3A_168 : vector<512x128xf32>
    %mul3A_178 = arith.mulf %sub3A_172, %sub3A_172 : vector<512x128xf32>
    %add3A_179 = arith.addf %mul3A_177, %mul3A_178 : vector<512x128xf32>
    %mul3A_180 = arith.mulf %sub3A_176, %sub3A_176 : vector<512x128xf32>
    %add3A_181 = arith.addf %add3A_179, %mul3A_180 : vector<512x128xf32>
    %slice3A_182 = vector.extract_strided_slice %get3A_140 {offsets = [0, 0], sizes = [1, 128], strides = [1, 1]} : vector<3x128xf32> to vector<1x128xf32>
    %sub3A_183 = vector.broadcast %slice3A : vector<512x1xf32> to vector<512x128xf32>
    %sub3A_184 = vector.broadcast %slice3A_182 : vector<1x128xf32> to vector<512x128xf32>
    %sub3A_185 = arith.subf %sub3A_183, %sub3A_184 : vector<512x128xf32>
    %slice3A_186 = vector.extract_strided_slice %get3A_140 {offsets = [1, 0], sizes = [1, 128], strides = [1, 1]} : vector<3x128xf32> to vector<1x128xf32>
    %sub3A_187 = vector.broadcast %slice3A_4 : vector<512x1xf32> to vector<512x128xf32>
    %sub3A_188 = vector.broadcast %slice3A_186 : vector<1x128xf32> to vector<512x128xf32>
    %sub3A_189 = arith.subf %sub3A_187, %sub3A_188 : vector<512x128xf32>
    %slice3A_190 = vector.extract_strided_slice %get3A_140 {offsets = [2, 0], sizes = [1, 128], strides = [1, 1]} : vector<3x128xf32> to vector<1x128xf32>
    %sub3A_191 = vector.broadcast %slice3A_5 : vector<512x1xf32> to vector<512x128xf32>
    %sub3A_192 = vector.broadcast %slice3A_190 : vector<1x128xf32> to vector<512x128xf32>
    %sub3A_193 = arith.subf %sub3A_191, %sub3A_192 : vector<512x128xf32>
    %mul3A_194 = arith.mulf %sub3A_185, %sub3A_185 : vector<512x128xf32>
    %mul3A_195 = arith.mulf %sub3A_189, %sub3A_189 : vector<512x128xf32>
    %add3A_196 = arith.addf %mul3A_194, %mul3A_195 : vector<512x128xf32>
    %mul3A_197 = arith.mulf %sub3A_193, %sub3A_193 : vector<512x128xf32>
    %add3A_198 = arith.addf %add3A_196, %mul3A_197 : vector<512x128xf32>
    %slice3A_199 = vector.extract_strided_slice %get3A_147 {offsets = [0, 0], sizes = [1, 128], strides = [1, 1]} : vector<3x128xf32> to vector<1x128xf32>
    %sub3A_200 = vector.broadcast %slice3A : vector<512x1xf32> to vector<512x128xf32>
    %sub3A_201 = vector.broadcast %slice3A_199 : vector<1x128xf32> to vector<512x128xf32>
    %sub3A_202 = arith.subf %sub3A_200, %sub3A_201 : vector<512x128xf32>
    %slice3A_203 = vector.extract_strided_slice %get3A_147 {offsets = [1, 0], sizes = [1, 128], strides = [1, 1]} : vector<3x128xf32> to vector<1x128xf32>
    %sub3A_204 = vector.broadcast %slice3A_4 : vector<512x1xf32> to vector<512x128xf32>
    %sub3A_205 = vector.broadcast %slice3A_203 : vector<1x128xf32> to vector<512x128xf32>
    %sub3A_206 = arith.subf %sub3A_204, %sub3A_205 : vector<512x128xf32>
    %slice3A_207 = vector.extract_strided_slice %get3A_147 {offsets = [2, 0], sizes = [1, 128], strides = [1, 1]} : vector<3x128xf32> to vector<1x128xf32>
    %sub3A_208 = vector.broadcast %slice3A_5 : vector<512x1xf32> to vector<512x128xf32>
    %sub3A_209 = vector.broadcast %slice3A_207 : vector<1x128xf32> to vector<512x128xf32>
    %sub3A_210 = arith.subf %sub3A_208, %sub3A_209 : vector<512x128xf32>
    %mul3A_211 = arith.mulf %sub3A_202, %sub3A_202 : vector<512x128xf32>
    %mul3A_212 = arith.mulf %sub3A_206, %sub3A_206 : vector<512x128xf32>
    %add3A_213 = arith.addf %mul3A_211, %mul3A_212 : vector<512x128xf32>
    %mul3A_214 = arith.mulf %sub3A_210, %sub3A_210 : vector<512x128xf32>
    %add3A_215 = arith.addf %add3A_213, %mul3A_214 : vector<512x128xf32>
    %min3A_216 = arith.minimumf %add3A_164, %add3A_181 : vector<512x128xf32>
    %max3A_217 = arith.maximumf %add3A_164, %add3A_181 : vector<512x128xf32>
    %min3A_218 = arith.minimumf %add3A_198, %add3A_215 : vector<512x128xf32>
    %max3A_219 = arith.maximumf %add3A_198, %add3A_215 : vector<512x128xf32>
    %min3A_220 = arith.minimumf %min3A_216, %min3A_218 : vector<512x128xf32>
    %max3A_221 = arith.maximumf %min3A_216, %min3A_218 : vector<512x128xf32>
    %min3A_222 = arith.minimumf %max3A_217, %max3A_219 : vector<512x128xf32>
    %min3A_223 = arith.minimumf %max3A_221, %min3A_222 : vector<512x128xf32>
    %max3A_224 = arith.maximumf %max3A_221, %min3A_222 : vector<512x128xf32>
    %min3A_225 = arith.minimumf %min3A_115, %max3A_224 : vector<512x128xf32>
    %min3A_226 = arith.minimumf %min3A_118, %min3A_223 : vector<512x128xf32>
    %min3A_227 = arith.minimumf %max3A_119, %min3A_220 : vector<512x128xf32>
    %min3A_228 = arith.minimumf %min3A_225, %min3A_226 : vector<512x128xf32>
    %max3A_229 = arith.maximumf %min3A_225, %min3A_226 : vector<512x128xf32>
    %min3A_230 = arith.minimumf %min3A_228, %min3A_227 : vector<512x128xf32>
    %max3A_231 = arith.maximumf %min3A_228, %min3A_227 : vector<512x128xf32>
    %min3A_232 = arith.minimumf %max3A_229, %max3A_231 : vector<512x128xf32>
    %max3A_233 = arith.maximumf %max3A_229, %max3A_231 : vector<512x128xf32>
    %add3A_234 = arith.constant 1024 : i32
    %add3A_235 = arith.addi %multiple_of3A, %add3A_234 : i32
    %get3A_236 = arith.constant 0 : index
    %get3A_237 = arith.constant 0 : index
    %get3A_238 = arith.index_cast %add3A_235 : i32 to index
    %get3A_239 = vector.load %arg3[%get3A_236, %get3A_237, %get3A_238] : memref<1x3x4096xf32, #tpu.memory_space<vmem>>, vector<1x3x128xf32>
    %get3A_240 = vector.shape_cast %get3A_239 : vector<1x3x128xf32> to vector<3x128xf32>
    %add3A_241 = arith.constant 1152 : i32
    %add3A_242 = arith.addi %multiple_of3A, %add3A_241 : i32
    %get3A_243 = arith.constant 0 : index
    %get3A_244 = arith.constant 0 : index
    %get3A_245 = arith.index_cast %add3A_242 : i32 to index
    %get3A_246 = vector.load %arg3[%get3A_243, %get3A_244, %get3A_245] : memref<1x3x4096xf32, #tpu.memory_space<vmem>>, vector<1x3x128xf32>
    %get3A_247 = vector.shape_cast %get3A_246 : vector<1x3x128xf32> to vector<3x128xf32>
    %add3A_248 = arith.constant 1280 : i32
    %add3A_249 = arith.addi %multiple_of3A, %add3A_248 : i32
    %get3A_250 = arith.constant 0 : index
    %get3A_251 = arith.constant 0 : index
    %get3A_252 = arith.index_cast %add3A_249 : i32 to index
    %get3A_253 = vector.load %arg3[%get3A_250, %get3A_251, %get3A_252] : memref<1x3x4096xf32, #tpu.memory_space<vmem>>, vector<1x3x128xf32>
    %get3A_254 = vector.shape_cast %get3A_253 : vector<1x3x128xf32> to vector<3x128xf32>
    %add3A_255 = arith.constant 1408 : i32
    %add3A_256 = arith.addi %multiple_of3A, %add3A_255 : i32
    %get3A_257 = arith.constant 0 : index
    %get3A_258 = arith.constant 0 : index
    %get3A_259 = arith.index_cast %add3A_256 : i32 to index
    %get3A_260 = vector.load %arg3[%get3A_257, %get3A_258, %get3A_259] : memref<1x3x4096xf32, #tpu.memory_space<vmem>>, vector<1x3x128xf32>
    %get3A_261 = vector.shape_cast %get3A_260 : vector<1x3x128xf32> to vector<3x128xf32>
    %slice3A_262 = vector.extract_strided_slice %get3A_240 {offsets = [0, 0], sizes = [1, 128], strides = [1, 1]} : vector<3x128xf32> to vector<1x128xf32>
    %sub3A_263 = vector.broadcast %slice3A : vector<512x1xf32> to vector<512x128xf32>
    %sub3A_264 = vector.broadcast %slice3A_262 : vector<1x128xf32> to vector<512x128xf32>
    %sub3A_265 = arith.subf %sub3A_263, %sub3A_264 : vector<512x128xf32>
    %slice3A_266 = vector.extract_strided_slice %get3A_240 {offsets = [1, 0], sizes = [1, 128], strides = [1, 1]} : vector<3x128xf32> to vector<1x128xf32>
    %sub3A_267 = vector.broadcast %slice3A_4 : vector<512x1xf32> to vector<512x128xf32>
    %sub3A_268 = vector.broadcast %slice3A_266 : vector<1x128xf32> to vector<512x128xf32>
    %sub3A_269 = arith.subf %sub3A_267, %sub3A_268 : vector<512x128xf32>
    %slice3A_270 = vector.extract_strided_slice %get3A_240 {offsets = [2, 0], sizes = [1, 128], strides = [1, 1]} : vector<3x128xf32> to vector<1x128xf32>
    %sub3A_271 = vector.broadcast %slice3A_5 : vector<512x1xf32> to vector<512x128xf32>
    %sub3A_272 = vector.broadcast %slice3A_270 : vector<1x128xf32> to vector<512x128xf32>
    %sub3A_273 = arith.subf %sub3A_271, %sub3A_272 : vector<512x128xf32>
    %mul3A_274 = arith.mulf %sub3A_265, %sub3A_265 : vector<512x128xf32>
    %mul3A_275 = arith.mulf %sub3A_269, %sub3A_269 : vector<512x128xf32>
    %add3A_276 = arith.addf %mul3A_274, %mul3A_275 : vector<512x128xf32>
    %mul3A_277 = arith.mulf %sub3A_273, %sub3A_273 : vector<512x128xf32>
    %add3A_278 = arith.addf %add3A_276, %mul3A_277 : vector<512x128xf32>
    %slice3A_279 = vector.extract_strided_slice %get3A_247 {offsets = [0, 0], sizes = [1, 128], strides = [1, 1]} : vector<3x128xf32> to vector<1x128xf32>
    %sub3A_280 = vector.broadcast %slice3A : vector<512x1xf32> to vector<512x128xf32>
    %sub3A_281 = vector.broadcast %slice3A_279 : vector<1x128xf32> to vector<512x128xf32>
    %sub3A_282 = arith.subf %sub3A_280, %sub3A_281 : vector<512x128xf32>
    %slice3A_283 = vector.extract_strided_slice %get3A_247 {offsets = [1, 0], sizes = [1, 128], strides = [1, 1]} : vector<3x128xf32> to vector<1x128xf32>
    %sub3A_284 = vector.broadcast %slice3A_4 : vector<512x1xf32> to vector<512x128xf32>
    %sub3A_285 = vector.broadcast %slice3A_283 : vector<1x128xf32> to vector<512x128xf32>
    %sub3A_286 = arith.subf %sub3A_284, %sub3A_285 : vector<512x128xf32>
    %slice3A_287 = vector.extract_strided_slice %get3A_247 {offsets = [2, 0], sizes = [1, 128], strides = [1, 1]} : vector<3x128xf32> to vector<1x128xf32>
    %sub3A_288 = vector.broadcast %slice3A_5 : vector<512x1xf32> to vector<512x128xf32>
    %sub3A_289 = vector.broadcast %slice3A_287 : vector<1x128xf32> to vector<512x128xf32>
    %sub3A_290 = arith.subf %sub3A_288, %sub3A_289 : vector<512x128xf32>
    %mul3A_291 = arith.mulf %sub3A_282, %sub3A_282 : vector<512x128xf32>
    %mul3A_292 = arith.mulf %sub3A_286, %sub3A_286 : vector<512x128xf32>
    %add3A_293 = arith.addf %mul3A_291, %mul3A_292 : vector<512x128xf32>
    %mul3A_294 = arith.mulf %sub3A_290, %sub3A_290 : vector<512x128xf32>
    %add3A_295 = arith.addf %add3A_293, %mul3A_294 : vector<512x128xf32>
    %slice3A_296 = vector.extract_strided_slice %get3A_254 {offsets = [0, 0], sizes = [1, 128], strides = [1, 1]} : vector<3x128xf32> to vector<1x128xf32>
    %sub3A_297 = vector.broadcast %slice3A : vector<512x1xf32> to vector<512x128xf32>
    %sub3A_298 = vector.broadcast %slice3A_296 : vector<1x128xf32> to vector<512x128xf32>
    %sub3A_299 = arith.subf %sub3A_297, %sub3A_298 : vector<512x128xf32>
    %slice3A_300 = vector.extract_strided_slice %get3A_254 {offsets = [1, 0], sizes = [1, 128], strides = [1, 1]} : vector<3x128xf32> to vector<1x128xf32>
    %sub3A_301 = vector.broadcast %slice3A_4 : vector<512x1xf32> to vector<512x128xf32>
    %sub3A_302 = vector.broadcast %slice3A_300 : vector<1x128xf32> to vector<512x128xf32>
    %sub3A_303 = arith.subf %sub3A_301, %sub3A_302 : vector<512x128xf32>
    %slice3A_304 = vector.extract_strided_slice %get3A_254 {offsets = [2, 0], sizes = [1, 128], strides = [1, 1]} : vector<3x128xf32> to vector<1x128xf32>
    %sub3A_305 = vector.broadcast %slice3A_5 : vector<512x1xf32> to vector<512x128xf32>
    %sub3A_306 = vector.broadcast %slice3A_304 : vector<1x128xf32> to vector<512x128xf32>
    %sub3A_307 = arith.subf %sub3A_305, %sub3A_306 : vector<512x128xf32>
    %mul3A_308 = arith.mulf %sub3A_299, %sub3A_299 : vector<512x128xf32>
    %mul3A_309 = arith.mulf %sub3A_303, %sub3A_303 : vector<512x128xf32>
    %add3A_310 = arith.addf %mul3A_308, %mul3A_309 : vector<512x128xf32>
    %mul3A_311 = arith.mulf %sub3A_307, %sub3A_307 : vector<512x128xf32>
    %add3A_312 = arith.addf %add3A_310, %mul3A_311 : vector<512x128xf32>
    %slice3A_313 = vector.extract_strided_slice %get3A_261 {offsets = [0, 0], sizes = [1, 128], strides = [1, 1]} : vector<3x128xf32> to vector<1x128xf32>
    %sub3A_314 = vector.broadcast %slice3A : vector<512x1xf32> to vector<512x128xf32>
    %sub3A_315 = vector.broadcast %slice3A_313 : vector<1x128xf32> to vector<512x128xf32>
    %sub3A_316 = arith.subf %sub3A_314, %sub3A_315 : vector<512x128xf32>
    %slice3A_317 = vector.extract_strided_slice %get3A_261 {offsets = [1, 0], sizes = [1, 128], strides = [1, 1]} : vector<3x128xf32> to vector<1x128xf32>
    %sub3A_318 = vector.broadcast %slice3A_4 : vector<512x1xf32> to vector<512x128xf32>
    %sub3A_319 = vector.broadcast %slice3A_317 : vector<1x128xf32> to vector<512x128xf32>
    %sub3A_320 = arith.subf %sub3A_318, %sub3A_319 : vector<512x128xf32>
    %slice3A_321 = vector.extract_strided_slice %get3A_261 {offsets = [2, 0], sizes = [1, 128], strides = [1, 1]} : vector<3x128xf32> to vector<1x128xf32>
    %sub3A_322 = vector.broadcast %slice3A_5 : vector<512x1xf32> to vector<512x128xf32>
    %sub3A_323 = vector.broadcast %slice3A_321 : vector<1x128xf32> to vector<512x128xf32>
    %sub3A_324 = arith.subf %sub3A_322, %sub3A_323 : vector<512x128xf32>
    %mul3A_325 = arith.mulf %sub3A_316, %sub3A_316 : vector<512x128xf32>
    %mul3A_326 = arith.mulf %sub3A_320, %sub3A_320 : vector<512x128xf32>
    %add3A_327 = arith.addf %mul3A_325, %mul3A_326 : vector<512x128xf32>
    %mul3A_328 = arith.mulf %sub3A_324, %sub3A_324 : vector<512x128xf32>
    %add3A_329 = arith.addf %add3A_327, %mul3A_328 : vector<512x128xf32>
    %min3A_330 = arith.minimumf %add3A_278, %add3A_295 : vector<512x128xf32>
    %max3A_331 = arith.maximumf %add3A_278, %add3A_295 : vector<512x128xf32>
    %min3A_332 = arith.minimumf %add3A_312, %add3A_329 : vector<512x128xf32>
    %max3A_333 = arith.maximumf %add3A_312, %add3A_329 : vector<512x128xf32>
    %min3A_334 = arith.minimumf %min3A_330, %min3A_332 : vector<512x128xf32>
    %max3A_335 = arith.maximumf %min3A_330, %min3A_332 : vector<512x128xf32>
    %min3A_336 = arith.minimumf %max3A_331, %max3A_333 : vector<512x128xf32>
    %min3A_337 = arith.minimumf %max3A_335, %min3A_336 : vector<512x128xf32>
    %max3A_338 = arith.maximumf %max3A_335, %min3A_336 : vector<512x128xf32>
    %min3A_339 = arith.minimumf %min3A_230, %max3A_338 : vector<512x128xf32>
    %min3A_340 = arith.minimumf %min3A_232, %min3A_337 : vector<512x128xf32>
    %min3A_341 = arith.minimumf %max3A_233, %min3A_334 : vector<512x128xf32>
    %min3A_342 = arith.minimumf %min3A_339, %min3A_340 : vector<512x128xf32>
    %max3A_343 = arith.maximumf %min3A_339, %min3A_340 : vector<512x128xf32>
    %min3A_344 = arith.minimumf %min3A_342, %min3A_341 : vector<512x128xf32>
    %max3A_345 = arith.maximumf %min3A_342, %min3A_341 : vector<512x128xf32>
    %min3A_346 = arith.minimumf %max3A_343, %max3A_345 : vector<512x128xf32>
    %max3A_347 = arith.maximumf %max3A_343, %max3A_345 : vector<512x128xf32>
    %add3A_348 = arith.constant 1536 : i32
    %add3A_349 = arith.addi %multiple_of3A, %add3A_348 : i32
    %get3A_350 = arith.constant 0 : index
    %get3A_351 = arith.constant 0 : index
    %get3A_352 = arith.index_cast %add3A_349 : i32 to index
    %get3A_353 = vector.load %arg3[%get3A_350, %get3A_351, %get3A_352] : memref<1x3x4096xf32, #tpu.memory_space<vmem>>, vector<1x3x128xf32>
    %get3A_354 = vector.shape_cast %get3A_353 : vector<1x3x128xf32> to vector<3x128xf32>
    %add3A_355 = arith.constant 1664 : i32
    %add3A_356 = arith.addi %multiple_of3A, %add3A_355 : i32
    %get3A_357 = arith.constant 0 : index
    %get3A_358 = arith.constant 0 : index
    %get3A_359 = arith.index_cast %add3A_356 : i32 to index
    %get3A_360 = vector.load %arg3[%get3A_357, %get3A_358, %get3A_359] : memref<1x3x4096xf32, #tpu.memory_space<vmem>>, vector<1x3x128xf32>
    %get3A_361 = vector.shape_cast %get3A_360 : vector<1x3x128xf32> to vector<3x128xf32>
    %add3A_362 = arith.constant 1792 : i32
    %add3A_363 = arith.addi %multiple_of3A, %add3A_362 : i32
    %get3A_364 = arith.constant 0 : index
    %get3A_365 = arith.constant 0 : index
    %get3A_366 = arith.index_cast %add3A_363 : i32 to index
    %get3A_367 = vector.load %arg3[%get3A_364, %get3A_365, %get3A_366] : memref<1x3x4096xf32, #tpu.memory_space<vmem>>, vector<1x3x128xf32>
    %get3A_368 = vector.shape_cast %get3A_367 : vector<1x3x128xf32> to vector<3x128xf32>
    %add3A_369 = arith.constant 1920 : i32
    %add3A_370 = arith.addi %multiple_of3A, %add3A_369 : i32
    %get3A_371 = arith.constant 0 : index
    %get3A_372 = arith.constant 0 : index
    %get3A_373 = arith.index_cast %add3A_370 : i32 to index
    %get3A_374 = vector.load %arg3[%get3A_371, %get3A_372, %get3A_373] : memref<1x3x4096xf32, #tpu.memory_space<vmem>>, vector<1x3x128xf32>
    %get3A_375 = vector.shape_cast %get3A_374 : vector<1x3x128xf32> to vector<3x128xf32>
    %slice3A_376 = vector.extract_strided_slice %get3A_354 {offsets = [0, 0], sizes = [1, 128], strides = [1, 1]} : vector<3x128xf32> to vector<1x128xf32>
    %sub3A_377 = vector.broadcast %slice3A : vector<512x1xf32> to vector<512x128xf32>
    %sub3A_378 = vector.broadcast %slice3A_376 : vector<1x128xf32> to vector<512x128xf32>
    %sub3A_379 = arith.subf %sub3A_377, %sub3A_378 : vector<512x128xf32>
    %slice3A_380 = vector.extract_strided_slice %get3A_354 {offsets = [1, 0], sizes = [1, 128], strides = [1, 1]} : vector<3x128xf32> to vector<1x128xf32>
    %sub3A_381 = vector.broadcast %slice3A_4 : vector<512x1xf32> to vector<512x128xf32>
    %sub3A_382 = vector.broadcast %slice3A_380 : vector<1x128xf32> to vector<512x128xf32>
    %sub3A_383 = arith.subf %sub3A_381, %sub3A_382 : vector<512x128xf32>
    %slice3A_384 = vector.extract_strided_slice %get3A_354 {offsets = [2, 0], sizes = [1, 128], strides = [1, 1]} : vector<3x128xf32> to vector<1x128xf32>
    %sub3A_385 = vector.broadcast %slice3A_5 : vector<512x1xf32> to vector<512x128xf32>
    %sub3A_386 = vector.broadcast %slice3A_384 : vector<1x128xf32> to vector<512x128xf32>
    %sub3A_387 = arith.subf %sub3A_385, %sub3A_386 : vector<512x128xf32>
    %mul3A_388 = arith.mulf %sub3A_379, %sub3A_379 : vector<512x128xf32>
    %mul3A_389 = arith.mulf %sub3A_383, %sub3A_383 : vector<512x128xf32>
    %add3A_390 = arith.addf %mul3A_388, %mul3A_389 : vector<512x128xf32>
    %mul3A_391 = arith.mulf %sub3A_387, %sub3A_387 : vector<512x128xf32>
    %add3A_392 = arith.addf %add3A_390, %mul3A_391 : vector<512x128xf32>
    %slice3A_393 = vector.extract_strided_slice %get3A_361 {offsets = [0, 0], sizes = [1, 128], strides = [1, 1]} : vector<3x128xf32> to vector<1x128xf32>
    %sub3A_394 = vector.broadcast %slice3A : vector<512x1xf32> to vector<512x128xf32>
    %sub3A_395 = vector.broadcast %slice3A_393 : vector<1x128xf32> to vector<512x128xf32>
    %sub3A_396 = arith.subf %sub3A_394, %sub3A_395 : vector<512x128xf32>
    %slice3A_397 = vector.extract_strided_slice %get3A_361 {offsets = [1, 0], sizes = [1, 128], strides = [1, 1]} : vector<3x128xf32> to vector<1x128xf32>
    %sub3A_398 = vector.broadcast %slice3A_4 : vector<512x1xf32> to vector<512x128xf32>
    %sub3A_399 = vector.broadcast %slice3A_397 : vector<1x128xf32> to vector<512x128xf32>
    %sub3A_400 = arith.subf %sub3A_398, %sub3A_399 : vector<512x128xf32>
    %slice3A_401 = vector.extract_strided_slice %get3A_361 {offsets = [2, 0], sizes = [1, 128], strides = [1, 1]} : vector<3x128xf32> to vector<1x128xf32>
    %sub3A_402 = vector.broadcast %slice3A_5 : vector<512x1xf32> to vector<512x128xf32>
    %sub3A_403 = vector.broadcast %slice3A_401 : vector<1x128xf32> to vector<512x128xf32>
    %sub3A_404 = arith.subf %sub3A_402, %sub3A_403 : vector<512x128xf32>
    %mul3A_405 = arith.mulf %sub3A_396, %sub3A_396 : vector<512x128xf32>
    %mul3A_406 = arith.mulf %sub3A_400, %sub3A_400 : vector<512x128xf32>
    %add3A_407 = arith.addf %mul3A_405, %mul3A_406 : vector<512x128xf32>
    %mul3A_408 = arith.mulf %sub3A_404, %sub3A_404 : vector<512x128xf32>
    %add3A_409 = arith.addf %add3A_407, %mul3A_408 : vector<512x128xf32>
    %slice3A_410 = vector.extract_strided_slice %get3A_368 {offsets = [0, 0], sizes = [1, 128], strides = [1, 1]} : vector<3x128xf32> to vector<1x128xf32>
    %sub3A_411 = vector.broadcast %slice3A : vector<512x1xf32> to vector<512x128xf32>
    %sub3A_412 = vector.broadcast %slice3A_410 : vector<1x128xf32> to vector<512x128xf32>
    %sub3A_413 = arith.subf %sub3A_411, %sub3A_412 : vector<512x128xf32>
    %slice3A_414 = vector.extract_strided_slice %get3A_368 {offsets = [1, 0], sizes = [1, 128], strides = [1, 1]} : vector<3x128xf32> to vector<1x128xf32>
    %sub3A_415 = vector.broadcast %slice3A_4 : vector<512x1xf32> to vector<512x128xf32>
    %sub3A_416 = vector.broadcast %slice3A_414 : vector<1x128xf32> to vector<512x128xf32>
    %sub3A_417 = arith.subf %sub3A_415, %sub3A_416 : vector<512x128xf32>
    %slice3A_418 = vector.extract_strided_slice %get3A_368 {offsets = [2, 0], sizes = [1, 128], strides = [1, 1]} : vector<3x128xf32> to vector<1x128xf32>
    %sub3A_419 = vector.broadcast %slice3A_5 : vector<512x1xf32> to vector<512x128xf32>
    %sub3A_420 = vector.broadcast %slice3A_418 : vector<1x128xf32> to vector<512x128xf32>
    %sub3A_421 = arith.subf %sub3A_419, %sub3A_420 : vector<512x128xf32>
    %mul3A_422 = arith.mulf %sub3A_413, %sub3A_413 : vector<512x128xf32>
    %mul3A_423 = arith.mulf %sub3A_417, %sub3A_417 : vector<512x128xf32>
    %add3A_424 = arith.addf %mul3A_422, %mul3A_423 : vector<512x128xf32>
    %mul3A_425 = arith.mulf %sub3A_421, %sub3A_421 : vector<512x128xf32>
    %add3A_426 = arith.addf %add3A_424, %mul3A_425 : vector<512x128xf32>
    %slice3A_427 = vector.extract_strided_slice %get3A_375 {offsets = [0, 0], sizes = [1, 128], strides = [1, 1]} : vector<3x128xf32> to vector<1x128xf32>
    %sub3A_428 = vector.broadcast %slice3A : vector<512x1xf32> to vector<512x128xf32>
    %sub3A_429 = vector.broadcast %slice3A_427 : vector<1x128xf32> to vector<512x128xf32>
    %sub3A_430 = arith.subf %sub3A_428, %sub3A_429 : vector<512x128xf32>
    %slice3A_431 = vector.extract_strided_slice %get3A_375 {offsets = [1, 0], sizes = [1, 128], strides = [1, 1]} : vector<3x128xf32> to vector<1x128xf32>
    %sub3A_432 = vector.broadcast %slice3A_4 : vector<512x1xf32> to vector<512x128xf32>
    %sub3A_433 = vector.broadcast %slice3A_431 : vector<1x128xf32> to vector<512x128xf32>
    %sub3A_434 = arith.subf %sub3A_432, %sub3A_433 : vector<512x128xf32>
    %slice3A_435 = vector.extract_strided_slice %get3A_375 {offsets = [2, 0], sizes = [1, 128], strides = [1, 1]} : vector<3x128xf32> to vector<1x128xf32>
    %sub3A_436 = vector.broadcast %slice3A_5 : vector<512x1xf32> to vector<512x128xf32>
    %sub3A_437 = vector.broadcast %slice3A_435 : vector<1x128xf32> to vector<512x128xf32>
    %sub3A_438 = arith.subf %sub3A_436, %sub3A_437 : vector<512x128xf32>
    %mul3A_439 = arith.mulf %sub3A_430, %sub3A_430 : vector<512x128xf32>
    %mul3A_440 = arith.mulf %sub3A_434, %sub3A_434 : vector<512x128xf32>
    %add3A_441 = arith.addf %mul3A_439, %mul3A_440 : vector<512x128xf32>
    %mul3A_442 = arith.mulf %sub3A_438, %sub3A_438 : vector<512x128xf32>
    %add3A_443 = arith.addf %add3A_441, %mul3A_442 : vector<512x128xf32>
    %min3A_444 = arith.minimumf %add3A_392, %add3A_409 : vector<512x128xf32>
    %max3A_445 = arith.maximumf %add3A_392, %add3A_409 : vector<512x128xf32>
    %min3A_446 = arith.minimumf %add3A_426, %add3A_443 : vector<512x128xf32>
    %max3A_447 = arith.maximumf %add3A_426, %add3A_443 : vector<512x128xf32>
    %min3A_448 = arith.minimumf %min3A_444, %min3A_446 : vector<512x128xf32>
    %max3A_449 = arith.maximumf %min3A_444, %min3A_446 : vector<512x128xf32>
    %min3A_450 = arith.minimumf %max3A_445, %max3A_447 : vector<512x128xf32>
    %min3A_451 = arith.minimumf %max3A_449, %min3A_450 : vector<512x128xf32>
    %max3A_452 = arith.maximumf %max3A_449, %min3A_450 : vector<512x128xf32>
    %min3A_453 = arith.minimumf %min3A_344, %max3A_452 : vector<512x128xf32>
    %min3A_454 = arith.minimumf %min3A_346, %min3A_451 : vector<512x128xf32>
    %min3A_455 = arith.minimumf %max3A_347, %min3A_448 : vector<512x128xf32>
    %min3A_456 = arith.minimumf %min3A_453, %min3A_454 : vector<512x128xf32>
    %max3A_457 = arith.maximumf %min3A_453, %min3A_454 : vector<512x128xf32>
    %min3A_458 = arith.minimumf %min3A_456, %min3A_455 : vector<512x128xf32>
    %max3A_459 = arith.maximumf %min3A_456, %min3A_455 : vector<512x128xf32>
    %min3A_460 = arith.minimumf %max3A_457, %max3A_459 : vector<512x128xf32>
    %max3A_461 = arith.maximumf %max3A_457, %max3A_459 : vector<512x128xf32>
    %add3A_462 = arith.constant 2048 : i32
    %add3A_463 = arith.addi %multiple_of3A, %add3A_462 : i32
    %get3A_464 = arith.constant 0 : index
    %get3A_465 = arith.constant 0 : index
    %get3A_466 = arith.index_cast %add3A_463 : i32 to index
    %get3A_467 = vector.load %arg3[%get3A_464, %get3A_465, %get3A_466] : memref<1x3x4096xf32, #tpu.memory_space<vmem>>, vector<1x3x128xf32>
    %get3A_468 = vector.shape_cast %get3A_467 : vector<1x3x128xf32> to vector<3x128xf32>
    %add3A_469 = arith.constant 2176 : i32
    %add3A_470 = arith.addi %multiple_of3A, %add3A_469 : i32
    %get3A_471 = arith.constant 0 : index
    %get3A_472 = arith.constant 0 : index
    %get3A_473 = arith.index_cast %add3A_470 : i32 to index
    %get3A_474 = vector.load %arg3[%get3A_471, %get3A_472, %get3A_473] : memref<1x3x4096xf32, #tpu.memory_space<vmem>>, vector<1x3x128xf32>
    %get3A_475 = vector.shape_cast %get3A_474 : vector<1x3x128xf32> to vector<3x128xf32>
    %add3A_476 = arith.constant 2304 : i32
    %add3A_477 = arith.addi %multiple_of3A, %add3A_476 : i32
    %get3A_478 = arith.constant 0 : index
    %get3A_479 = arith.constant 0 : index
    %get3A_480 = arith.index_cast %add3A_477 : i32 to index
    %get3A_481 = vector.load %arg3[%get3A_478, %get3A_479, %get3A_480] : memref<1x3x4096xf32, #tpu.memory_space<vmem>>, vector<1x3x128xf32>
    %get3A_482 = vector.shape_cast %get3A_481 : vector<1x3x128xf32> to vector<3x128xf32>
    %add3A_483 = arith.constant 2432 : i32
    %add3A_484 = arith.addi %multiple_of3A, %add3A_483 : i32
    %get3A_485 = arith.constant 0 : index
    %get3A_486 = arith.constant 0 : index
    %get3A_487 = arith.index_cast %add3A_484 : i32 to index
    %get3A_488 = vector.load %arg3[%get3A_485, %get3A_486, %get3A_487] : memref<1x3x4096xf32, #tpu.memory_space<vmem>>, vector<1x3x128xf32>
    %get3A_489 = vector.shape_cast %get3A_488 : vector<1x3x128xf32> to vector<3x128xf32>
    %slice3A_490 = vector.extract_strided_slice %get3A_468 {offsets = [0, 0], sizes = [1, 128], strides = [1, 1]} : vector<3x128xf32> to vector<1x128xf32>
    %sub3A_491 = vector.broadcast %slice3A : vector<512x1xf32> to vector<512x128xf32>
    %sub3A_492 = vector.broadcast %slice3A_490 : vector<1x128xf32> to vector<512x128xf32>
    %sub3A_493 = arith.subf %sub3A_491, %sub3A_492 : vector<512x128xf32>
    %slice3A_494 = vector.extract_strided_slice %get3A_468 {offsets = [1, 0], sizes = [1, 128], strides = [1, 1]} : vector<3x128xf32> to vector<1x128xf32>
    %sub3A_495 = vector.broadcast %slice3A_4 : vector<512x1xf32> to vector<512x128xf32>
    %sub3A_496 = vector.broadcast %slice3A_494 : vector<1x128xf32> to vector<512x128xf32>
    %sub3A_497 = arith.subf %sub3A_495, %sub3A_496 : vector<512x128xf32>
    %slice3A_498 = vector.extract_strided_slice %get3A_468 {offsets = [2, 0], sizes = [1, 128], strides = [1, 1]} : vector<3x128xf32> to vector<1x128xf32>
    %sub3A_499 = vector.broadcast %slice3A_5 : vector<512x1xf32> to vector<512x128xf32>
    %sub3A_500 = vector.broadcast %slice3A_498 : vector<1x128xf32> to vector<512x128xf32>
    %sub3A_501 = arith.subf %sub3A_499, %sub3A_500 : vector<512x128xf32>
    %mul3A_502 = arith.mulf %sub3A_493, %sub3A_493 : vector<512x128xf32>
    %mul3A_503 = arith.mulf %sub3A_497, %sub3A_497 : vector<512x128xf32>
    %add3A_504 = arith.addf %mul3A_502, %mul3A_503 : vector<512x128xf32>
    %mul3A_505 = arith.mulf %sub3A_501, %sub3A_501 : vector<512x128xf32>
    %add3A_506 = arith.addf %add3A_504, %mul3A_505 : vector<512x128xf32>
    %slice3A_507 = vector.extract_strided_slice %get3A_475 {offsets = [0, 0], sizes = [1, 128], strides = [1, 1]} : vector<3x128xf32> to vector<1x128xf32>
    %sub3A_508 = vector.broadcast %slice3A : vector<512x1xf32> to vector<512x128xf32>
    %sub3A_509 = vector.broadcast %slice3A_507 : vector<1x128xf32> to vector<512x128xf32>
    %sub3A_510 = arith.subf %sub3A_508, %sub3A_509 : vector<512x128xf32>
    %slice3A_511 = vector.extract_strided_slice %get3A_475 {offsets = [1, 0], sizes = [1, 128], strides = [1, 1]} : vector<3x128xf32> to vector<1x128xf32>
    %sub3A_512 = vector.broadcast %slice3A_4 : vector<512x1xf32> to vector<512x128xf32>
    %sub3A_513 = vector.broadcast %slice3A_511 : vector<1x128xf32> to vector<512x128xf32>
    %sub3A_514 = arith.subf %sub3A_512, %sub3A_513 : vector<512x128xf32>
    %slice3A_515 = vector.extract_strided_slice %get3A_475 {offsets = [2, 0], sizes = [1, 128], strides = [1, 1]} : vector<3x128xf32> to vector<1x128xf32>
    %sub3A_516 = vector.broadcast %slice3A_5 : vector<512x1xf32> to vector<512x128xf32>
    %sub3A_517 = vector.broadcast %slice3A_515 : vector<1x128xf32> to vector<512x128xf32>
    %sub3A_518 = arith.subf %sub3A_516, %sub3A_517 : vector<512x128xf32>
    %mul3A_519 = arith.mulf %sub3A_510, %sub3A_510 : vector<512x128xf32>
    %mul3A_520 = arith.mulf %sub3A_514, %sub3A_514 : vector<512x128xf32>
    %add3A_521 = arith.addf %mul3A_519, %mul3A_520 : vector<512x128xf32>
    %mul3A_522 = arith.mulf %sub3A_518, %sub3A_518 : vector<512x128xf32>
    %add3A_523 = arith.addf %add3A_521, %mul3A_522 : vector<512x128xf32>
    %slice3A_524 = vector.extract_strided_slice %get3A_482 {offsets = [0, 0], sizes = [1, 128], strides = [1, 1]} : vector<3x128xf32> to vector<1x128xf32>
    %sub3A_525 = vector.broadcast %slice3A : vector<512x1xf32> to vector<512x128xf32>
    %sub3A_526 = vector.broadcast %slice3A_524 : vector<1x128xf32> to vector<512x128xf32>
    %sub3A_527 = arith.subf %sub3A_525, %sub3A_526 : vector<512x128xf32>
    %slice3A_528 = vector.extract_strided_slice %get3A_482 {offsets = [1, 0], sizes = [1, 128], strides = [1, 1]} : vector<3x128xf32> to vector<1x128xf32>
    %sub3A_529 = vector.broadcast %slice3A_4 : vector<512x1xf32> to vector<512x128xf32>
    %sub3A_530 = vector.broadcast %slice3A_528 : vector<1x128xf32> to vector<512x128xf32>
    %sub3A_531 = arith.subf %sub3A_529, %sub3A_530 : vector<512x128xf32>
    %slice3A_532 = vector.extract_strided_slice %get3A_482 {offsets = [2, 0], sizes = [1, 128], strides = [1, 1]} : vector<3x128xf32> to vector<1x128xf32>
    %sub3A_533 = vector.broadcast %slice3A_5 : vector<512x1xf32> to vector<512x128xf32>
    %sub3A_534 = vector.broadcast %slice3A_532 : vector<1x128xf32> to vector<512x128xf32>
    %sub3A_535 = arith.subf %sub3A_533, %sub3A_534 : vector<512x128xf32>
    %mul3A_536 = arith.mulf %sub3A_527, %sub3A_527 : vector<512x128xf32>
    %mul3A_537 = arith.mulf %sub3A_531, %sub3A_531 : vector<512x128xf32>
    %add3A_538 = arith.addf %mul3A_536, %mul3A_537 : vector<512x128xf32>
    %mul3A_539 = arith.mulf %sub3A_535, %sub3A_535 : vector<512x128xf32>
    %add3A_540 = arith.addf %add3A_538, %mul3A_539 : vector<512x128xf32>
    %slice3A_541 = vector.extract_strided_slice %get3A_489 {offsets = [0, 0], sizes = [1, 128], strides = [1, 1]} : vector<3x128xf32> to vector<1x128xf32>
    %sub3A_542 = vector.broadcast %slice3A : vector<512x1xf32> to vector<512x128xf32>
    %sub3A_543 = vector.broadcast %slice3A_541 : vector<1x128xf32> to vector<512x128xf32>
    %sub3A_544 = arith.subf %sub3A_542, %sub3A_543 : vector<512x128xf32>
    %slice3A_545 = vector.extract_strided_slice %get3A_489 {offsets = [1, 0], sizes = [1, 128], strides = [1, 1]} : vector<3x128xf32> to vector<1x128xf32>
    %sub3A_546 = vector.broadcast %slice3A_4 : vector<512x1xf32> to vector<512x128xf32>
    %sub3A_547 = vector.broadcast %slice3A_545 : vector<1x128xf32> to vector<512x128xf32>
    %sub3A_548 = arith.subf %sub3A_546, %sub3A_547 : vector<512x128xf32>
    %slice3A_549 = vector.extract_strided_slice %get3A_489 {offsets = [2, 0], sizes = [1, 128], strides = [1, 1]} : vector<3x128xf32> to vector<1x128xf32>
    %sub3A_550 = vector.broadcast %slice3A_5 : vector<512x1xf32> to vector<512x128xf32>
    %sub3A_551 = vector.broadcast %slice3A_549 : vector<1x128xf32> to vector<512x128xf32>
    %sub3A_552 = arith.subf %sub3A_550, %sub3A_551 : vector<512x128xf32>
    %mul3A_553 = arith.mulf %sub3A_544, %sub3A_544 : vector<512x128xf32>
    %mul3A_554 = arith.mulf %sub3A_548, %sub3A_548 : vector<512x128xf32>
    %add3A_555 = arith.addf %mul3A_553, %mul3A_554 : vector<512x128xf32>
    %mul3A_556 = arith.mulf %sub3A_552, %sub3A_552 : vector<512x128xf32>
    %add3A_557 = arith.addf %add3A_555, %mul3A_556 : vector<512x128xf32>
    %min3A_558 = arith.minimumf %add3A_506, %add3A_523 : vector<512x128xf32>
    %max3A_559 = arith.maximumf %add3A_506, %add3A_523 : vector<512x128xf32>
    %min3A_560 = arith.minimumf %add3A_540, %add3A_557 : vector<512x128xf32>
    %max3A_561 = arith.maximumf %add3A_540, %add3A_557 : vector<512x128xf32>
    %min3A_562 = arith.minimumf %min3A_558, %min3A_560 : vector<512x128xf32>
    %max3A_563 = arith.maximumf %min3A_558, %min3A_560 : vector<512x128xf32>
    %min3A_564 = arith.minimumf %max3A_559, %max3A_561 : vector<512x128xf32>
    %min3A_565 = arith.minimumf %max3A_563, %min3A_564 : vector<512x128xf32>
    %max3A_566 = arith.maximumf %max3A_563, %min3A_564 : vector<512x128xf32>
    %min3A_567 = arith.minimumf %min3A_458, %max3A_566 : vector<512x128xf32>
    %min3A_568 = arith.minimumf %min3A_460, %min3A_565 : vector<512x128xf32>
    %min3A_569 = arith.minimumf %max3A_461, %min3A_562 : vector<512x128xf32>
    %min3A_570 = arith.minimumf %min3A_567, %min3A_568 : vector<512x128xf32>
    %max3A_571 = arith.maximumf %min3A_567, %min3A_568 : vector<512x128xf32>
    %min3A_572 = arith.minimumf %min3A_570, %min3A_569 : vector<512x128xf32>
    %max3A_573 = arith.maximumf %min3A_570, %min3A_569 : vector<512x128xf32>
    %min3A_574 = arith.minimumf %max3A_571, %max3A_573 : vector<512x128xf32>
    %max3A_575 = arith.maximumf %max3A_571, %max3A_573 : vector<512x128xf32>
    %add3A_576 = arith.constant 2560 : i32
    %add3A_577 = arith.addi %multiple_of3A, %add3A_576 : i32
    %get3A_578 = arith.constant 0 : index
    %get3A_579 = arith.constant 0 : index
    %get3A_580 = arith.index_cast %add3A_577 : i32 to index
    %get3A_581 = vector.load %arg3[%get3A_578, %get3A_579, %get3A_580] : memref<1x3x4096xf32, #tpu.memory_space<vmem>>, vector<1x3x128xf32>
    %get3A_582 = vector.shape_cast %get3A_581 : vector<1x3x128xf32> to vector<3x128xf32>
    %add3A_583 = arith.constant 2688 : i32
    %add3A_584 = arith.addi %multiple_of3A, %add3A_583 : i32
    %get3A_585 = arith.constant 0 : index
    %get3A_586 = arith.constant 0 : index
    %get3A_587 = arith.index_cast %add3A_584 : i32 to index
    %get3A_588 = vector.load %arg3[%get3A_585, %get3A_586, %get3A_587] : memref<1x3x4096xf32, #tpu.memory_space<vmem>>, vector<1x3x128xf32>
    %get3A_589 = vector.shape_cast %get3A_588 : vector<1x3x128xf32> to vector<3x128xf32>
    %add3A_590 = arith.constant 2816 : i32
    %add3A_591 = arith.addi %multiple_of3A, %add3A_590 : i32
    %get3A_592 = arith.constant 0 : index
    %get3A_593 = arith.constant 0 : index
    %get3A_594 = arith.index_cast %add3A_591 : i32 to index
    %get3A_595 = vector.load %arg3[%get3A_592, %get3A_593, %get3A_594] : memref<1x3x4096xf32, #tpu.memory_space<vmem>>, vector<1x3x128xf32>
    %get3A_596 = vector.shape_cast %get3A_595 : vector<1x3x128xf32> to vector<3x128xf32>
    %add3A_597 = arith.constant 2944 : i32
    %add3A_598 = arith.addi %multiple_of3A, %add3A_597 : i32
    %get3A_599 = arith.constant 0 : index
    %get3A_600 = arith.constant 0 : index
    %get3A_601 = arith.index_cast %add3A_598 : i32 to index
    %get3A_602 = vector.load %arg3[%get3A_599, %get3A_600, %get3A_601] : memref<1x3x4096xf32, #tpu.memory_space<vmem>>, vector<1x3x128xf32>
    %get3A_603 = vector.shape_cast %get3A_602 : vector<1x3x128xf32> to vector<3x128xf32>
    %slice3A_604 = vector.extract_strided_slice %get3A_582 {offsets = [0, 0], sizes = [1, 128], strides = [1, 1]} : vector<3x128xf32> to vector<1x128xf32>
    %sub3A_605 = vector.broadcast %slice3A : vector<512x1xf32> to vector<512x128xf32>
    %sub3A_606 = vector.broadcast %slice3A_604 : vector<1x128xf32> to vector<512x128xf32>
    %sub3A_607 = arith.subf %sub3A_605, %sub3A_606 : vector<512x128xf32>
    %slice3A_608 = vector.extract_strided_slice %get3A_582 {offsets = [1, 0], sizes = [1, 128], strides = [1, 1]} : vector<3x128xf32> to vector<1x128xf32>
    %sub3A_609 = vector.broadcast %slice3A_4 : vector<512x1xf32> to vector<512x128xf32>
    %sub3A_610 = vector.broadcast %slice3A_608 : vector<1x128xf32> to vector<512x128xf32>
    %sub3A_611 = arith.subf %sub3A_609, %sub3A_610 : vector<512x128xf32>
    %slice3A_612 = vector.extract_strided_slice %get3A_582 {offsets = [2, 0], sizes = [1, 128], strides = [1, 1]} : vector<3x128xf32> to vector<1x128xf32>
    %sub3A_613 = vector.broadcast %slice3A_5 : vector<512x1xf32> to vector<512x128xf32>
    %sub3A_614 = vector.broadcast %slice3A_612 : vector<1x128xf32> to vector<512x128xf32>
    %sub3A_615 = arith.subf %sub3A_613, %sub3A_614 : vector<512x128xf32>
    %mul3A_616 = arith.mulf %sub3A_607, %sub3A_607 : vector<512x128xf32>
    %mul3A_617 = arith.mulf %sub3A_611, %sub3A_611 : vector<512x128xf32>
    %add3A_618 = arith.addf %mul3A_616, %mul3A_617 : vector<512x128xf32>
    %mul3A_619 = arith.mulf %sub3A_615, %sub3A_615 : vector<512x128xf32>
    %add3A_620 = arith.addf %add3A_618, %mul3A_619 : vector<512x128xf32>
    %slice3A_621 = vector.extract_strided_slice %get3A_589 {offsets = [0, 0], sizes = [1, 128], strides = [1, 1]} : vector<3x128xf32> to vector<1x128xf32>
    %sub3A_622 = vector.broadcast %slice3A : vector<512x1xf32> to vector<512x128xf32>
    %sub3A_623 = vector.broadcast %slice3A_621 : vector<1x128xf32> to vector<512x128xf32>
    %sub3A_624 = arith.subf %sub3A_622, %sub3A_623 : vector<512x128xf32>
    %slice3A_625 = vector.extract_strided_slice %get3A_589 {offsets = [1, 0], sizes = [1, 128], strides = [1, 1]} : vector<3x128xf32> to vector<1x128xf32>
    %sub3A_626 = vector.broadcast %slice3A_4 : vector<512x1xf32> to vector<512x128xf32>
    %sub3A_627 = vector.broadcast %slice3A_625 : vector<1x128xf32> to vector<512x128xf32>
    %sub3A_628 = arith.subf %sub3A_626, %sub3A_627 : vector<512x128xf32>
    %slice3A_629 = vector.extract_strided_slice %get3A_589 {offsets = [2, 0], sizes = [1, 128], strides = [1, 1]} : vector<3x128xf32> to vector<1x128xf32>
    %sub3A_630 = vector.broadcast %slice3A_5 : vector<512x1xf32> to vector<512x128xf32>
    %sub3A_631 = vector.broadcast %slice3A_629 : vector<1x128xf32> to vector<512x128xf32>
    %sub3A_632 = arith.subf %sub3A_630, %sub3A_631 : vector<512x128xf32>
    %mul3A_633 = arith.mulf %sub3A_624, %sub3A_624 : vector<512x128xf32>
    %mul3A_634 = arith.mulf %sub3A_628, %sub3A_628 : vector<512x128xf32>
    %add3A_635 = arith.addf %mul3A_633, %mul3A_634 : vector<512x128xf32>
    %mul3A_636 = arith.mulf %sub3A_632, %sub3A_632 : vector<512x128xf32>
    %add3A_637 = arith.addf %add3A_635, %mul3A_636 : vector<512x128xf32>
    %slice3A_638 = vector.extract_strided_slice %get3A_596 {offsets = [0, 0], sizes = [1, 128], strides = [1, 1]} : vector<3x128xf32> to vector<1x128xf32>
    %sub3A_639 = vector.broadcast %slice3A : vector<512x1xf32> to vector<512x128xf32>
    %sub3A_640 = vector.broadcast %slice3A_638 : vector<1x128xf32> to vector<512x128xf32>
    %sub3A_641 = arith.subf %sub3A_639, %sub3A_640 : vector<512x128xf32>
    %slice3A_642 = vector.extract_strided_slice %get3A_596 {offsets = [1, 0], sizes = [1, 128], strides = [1, 1]} : vector<3x128xf32> to vector<1x128xf32>
    %sub3A_643 = vector.broadcast %slice3A_4 : vector<512x1xf32> to vector<512x128xf32>
    %sub3A_644 = vector.broadcast %slice3A_642 : vector<1x128xf32> to vector<512x128xf32>
    %sub3A_645 = arith.subf %sub3A_643, %sub3A_644 : vector<512x128xf32>
    %slice3A_646 = vector.extract_strided_slice %get3A_596 {offsets = [2, 0], sizes = [1, 128], strides = [1, 1]} : vector<3x128xf32> to vector<1x128xf32>
    %sub3A_647 = vector.broadcast %slice3A_5 : vector<512x1xf32> to vector<512x128xf32>
    %sub3A_648 = vector.broadcast %slice3A_646 : vector<1x128xf32> to vector<512x128xf32>
    %sub3A_649 = arith.subf %sub3A_647, %sub3A_648 : vector<512x128xf32>
    %mul3A_650 = arith.mulf %sub3A_641, %sub3A_641 : vector<512x128xf32>
    %mul3A_651 = arith.mulf %sub3A_645, %sub3A_645 : vector<512x128xf32>
    %add3A_652 = arith.addf %mul3A_650, %mul3A_651 : vector<512x128xf32>
    %mul3A_653 = arith.mulf %sub3A_649, %sub3A_649 : vector<512x128xf32>
    %add3A_654 = arith.addf %add3A_652, %mul3A_653 : vector<512x128xf32>
    %slice3A_655 = vector.extract_strided_slice %get3A_603 {offsets = [0, 0], sizes = [1, 128], strides = [1, 1]} : vector<3x128xf32> to vector<1x128xf32>
    %sub3A_656 = vector.broadcast %slice3A : vector<512x1xf32> to vector<512x128xf32>
    %sub3A_657 = vector.broadcast %slice3A_655 : vector<1x128xf32> to vector<512x128xf32>
    %sub3A_658 = arith.subf %sub3A_656, %sub3A_657 : vector<512x128xf32>
    %slice3A_659 = vector.extract_strided_slice %get3A_603 {offsets = [1, 0], sizes = [1, 128], strides = [1, 1]} : vector<3x128xf32> to vector<1x128xf32>
    %sub3A_660 = vector.broadcast %slice3A_4 : vector<512x1xf32> to vector<512x128xf32>
    %sub3A_661 = vector.broadcast %slice3A_659 : vector<1x128xf32> to vector<512x128xf32>
    %sub3A_662 = arith.subf %sub3A_660, %sub3A_661 : vector<512x128xf32>
    %slice3A_663 = vector.extract_strided_slice %get3A_603 {offsets = [2, 0], sizes = [1, 128], strides = [1, 1]} : vector<3x128xf32> to vector<1x128xf32>
    %sub3A_664 = vector.broadcast %slice3A_5 : vector<512x1xf32> to vector<512x128xf32>
    %sub3A_665 = vector.broadcast %slice3A_663 : vector<1x128xf32> to vector<512x128xf32>
    %sub3A_666 = arith.subf %sub3A_664, %sub3A_665 : vector<512x128xf32>
    %mul3A_667 = arith.mulf %sub3A_658, %sub3A_658 : vector<512x128xf32>
    %mul3A_668 = arith.mulf %sub3A_662, %sub3A_662 : vector<512x128xf32>
    %add3A_669 = arith.addf %mul3A_667, %mul3A_668 : vector<512x128xf32>
    %mul3A_670 = arith.mulf %sub3A_666, %sub3A_666 : vector<512x128xf32>
    %add3A_671 = arith.addf %add3A_669, %mul3A_670 : vector<512x128xf32>
    %min3A_672 = arith.minimumf %add3A_620, %add3A_637 : vector<512x128xf32>
    %max3A_673 = arith.maximumf %add3A_620, %add3A_637 : vector<512x128xf32>
    %min3A_674 = arith.minimumf %add3A_654, %add3A_671 : vector<512x128xf32>
    %max3A_675 = arith.maximumf %add3A_654, %add3A_671 : vector<512x128xf32>
    %min3A_676 = arith.minimumf %min3A_672, %min3A_674 : vector<512x128xf32>
    %max3A_677 = arith.maximumf %min3A_672, %min3A_674 : vector<512x128xf32>
    %min3A_678 = arith.minimumf %max3A_673, %max3A_675 : vector<512x128xf32>
    %min3A_679 = arith.minimumf %max3A_677, %min3A_678 : vector<512x128xf32>
    %max3A_680 = arith.maximumf %max3A_677, %min3A_678 : vector<512x128xf32>
    %min3A_681 = arith.minimumf %min3A_572, %max3A_680 : vector<512x128xf32>
    %min3A_682 = arith.minimumf %min3A_574, %min3A_679 : vector<512x128xf32>
    %min3A_683 = arith.minimumf %max3A_575, %min3A_676 : vector<512x128xf32>
    %min3A_684 = arith.minimumf %min3A_681, %min3A_682 : vector<512x128xf32>
    %max3A_685 = arith.maximumf %min3A_681, %min3A_682 : vector<512x128xf32>
    %min3A_686 = arith.minimumf %min3A_684, %min3A_683 : vector<512x128xf32>
    %max3A_687 = arith.maximumf %min3A_684, %min3A_683 : vector<512x128xf32>
    %min3A_688 = arith.minimumf %max3A_685, %max3A_687 : vector<512x128xf32>
    %max3A_689 = arith.maximumf %max3A_685, %max3A_687 : vector<512x128xf32>
    %add3A_690 = arith.constant 3072 : i32
    %add3A_691 = arith.addi %multiple_of3A, %add3A_690 : i32
    %get3A_692 = arith.constant 0 : index
    %get3A_693 = arith.constant 0 : index
    %get3A_694 = arith.index_cast %add3A_691 : i32 to index
    %get3A_695 = vector.load %arg3[%get3A_692, %get3A_693, %get3A_694] : memref<1x3x4096xf32, #tpu.memory_space<vmem>>, vector<1x3x128xf32>
    %get3A_696 = vector.shape_cast %get3A_695 : vector<1x3x128xf32> to vector<3x128xf32>
    %add3A_697 = arith.constant 3200 : i32
    %add3A_698 = arith.addi %multiple_of3A, %add3A_697 : i32
    %get3A_699 = arith.constant 0 : index
    %get3A_700 = arith.constant 0 : index
    %get3A_701 = arith.index_cast %add3A_698 : i32 to index
    %get3A_702 = vector.load %arg3[%get3A_699, %get3A_700, %get3A_701] : memref<1x3x4096xf32, #tpu.memory_space<vmem>>, vector<1x3x128xf32>
    %get3A_703 = vector.shape_cast %get3A_702 : vector<1x3x128xf32> to vector<3x128xf32>
    %add3A_704 = arith.constant 3328 : i32
    %add3A_705 = arith.addi %multiple_of3A, %add3A_704 : i32
    %get3A_706 = arith.constant 0 : index
    %get3A_707 = arith.constant 0 : index
    %get3A_708 = arith.index_cast %add3A_705 : i32 to index
    %get3A_709 = vector.load %arg3[%get3A_706, %get3A_707, %get3A_708] : memref<1x3x4096xf32, #tpu.memory_space<vmem>>, vector<1x3x128xf32>
    %get3A_710 = vector.shape_cast %get3A_709 : vector<1x3x128xf32> to vector<3x128xf32>
    %add3A_711 = arith.constant 3456 : i32
    %add3A_712 = arith.addi %multiple_of3A, %add3A_711 : i32
    %get3A_713 = arith.constant 0 : index
    %get3A_714 = arith.constant 0 : index
    %get3A_715 = arith.index_cast %add3A_712 : i32 to index
    %get3A_716 = vector.load %arg3[%get3A_713, %get3A_714, %get3A_715] : memref<1x3x4096xf32, #tpu.memory_space<vmem>>, vector<1x3x128xf32>
    %get3A_717 = vector.shape_cast %get3A_716 : vector<1x3x128xf32> to vector<3x128xf32>
    %slice3A_718 = vector.extract_strided_slice %get3A_696 {offsets = [0, 0], sizes = [1, 128], strides = [1, 1]} : vector<3x128xf32> to vector<1x128xf32>
    %sub3A_719 = vector.broadcast %slice3A : vector<512x1xf32> to vector<512x128xf32>
    %sub3A_720 = vector.broadcast %slice3A_718 : vector<1x128xf32> to vector<512x128xf32>
    %sub3A_721 = arith.subf %sub3A_719, %sub3A_720 : vector<512x128xf32>
    %slice3A_722 = vector.extract_strided_slice %get3A_696 {offsets = [1, 0], sizes = [1, 128], strides = [1, 1]} : vector<3x128xf32> to vector<1x128xf32>
    %sub3A_723 = vector.broadcast %slice3A_4 : vector<512x1xf32> to vector<512x128xf32>
    %sub3A_724 = vector.broadcast %slice3A_722 : vector<1x128xf32> to vector<512x128xf32>
    %sub3A_725 = arith.subf %sub3A_723, %sub3A_724 : vector<512x128xf32>
    %slice3A_726 = vector.extract_strided_slice %get3A_696 {offsets = [2, 0], sizes = [1, 128], strides = [1, 1]} : vector<3x128xf32> to vector<1x128xf32>
    %sub3A_727 = vector.broadcast %slice3A_5 : vector<512x1xf32> to vector<512x128xf32>
    %sub3A_728 = vector.broadcast %slice3A_726 : vector<1x128xf32> to vector<512x128xf32>
    %sub3A_729 = arith.subf %sub3A_727, %sub3A_728 : vector<512x128xf32>
    %mul3A_730 = arith.mulf %sub3A_721, %sub3A_721 : vector<512x128xf32>
    %mul3A_731 = arith.mulf %sub3A_725, %sub3A_725 : vector<512x128xf32>
    %add3A_732 = arith.addf %mul3A_730, %mul3A_731 : vector<512x128xf32>
    %mul3A_733 = arith.mulf %sub3A_729, %sub3A_729 : vector<512x128xf32>
    %add3A_734 = arith.addf %add3A_732, %mul3A_733 : vector<512x128xf32>
    %slice3A_735 = vector.extract_strided_slice %get3A_703 {offsets = [0, 0], sizes = [1, 128], strides = [1, 1]} : vector<3x128xf32> to vector<1x128xf32>
    %sub3A_736 = vector.broadcast %slice3A : vector<512x1xf32> to vector<512x128xf32>
    %sub3A_737 = vector.broadcast %slice3A_735 : vector<1x128xf32> to vector<512x128xf32>
    %sub3A_738 = arith.subf %sub3A_736, %sub3A_737 : vector<512x128xf32>
    %slice3A_739 = vector.extract_strided_slice %get3A_703 {offsets = [1, 0], sizes = [1, 128], strides = [1, 1]} : vector<3x128xf32> to vector<1x128xf32>
    %sub3A_740 = vector.broadcast %slice3A_4 : vector<512x1xf32> to vector<512x128xf32>
    %sub3A_741 = vector.broadcast %slice3A_739 : vector<1x128xf32> to vector<512x128xf32>
    %sub3A_742 = arith.subf %sub3A_740, %sub3A_741 : vector<512x128xf32>
    %slice3A_743 = vector.extract_strided_slice %get3A_703 {offsets = [2, 0], sizes = [1, 128], strides = [1, 1]} : vector<3x128xf32> to vector<1x128xf32>
    %sub3A_744 = vector.broadcast %slice3A_5 : vector<512x1xf32> to vector<512x128xf32>
    %sub3A_745 = vector.broadcast %slice3A_743 : vector<1x128xf32> to vector<512x128xf32>
    %sub3A_746 = arith.subf %sub3A_744, %sub3A_745 : vector<512x128xf32>
    %mul3A_747 = arith.mulf %sub3A_738, %sub3A_738 : vector<512x128xf32>
    %mul3A_748 = arith.mulf %sub3A_742, %sub3A_742 : vector<512x128xf32>
    %add3A_749 = arith.addf %mul3A_747, %mul3A_748 : vector<512x128xf32>
    %mul3A_750 = arith.mulf %sub3A_746, %sub3A_746 : vector<512x128xf32>
    %add3A_751 = arith.addf %add3A_749, %mul3A_750 : vector<512x128xf32>
    %slice3A_752 = vector.extract_strided_slice %get3A_710 {offsets = [0, 0], sizes = [1, 128], strides = [1, 1]} : vector<3x128xf32> to vector<1x128xf32>
    %sub3A_753 = vector.broadcast %slice3A : vector<512x1xf32> to vector<512x128xf32>
    %sub3A_754 = vector.broadcast %slice3A_752 : vector<1x128xf32> to vector<512x128xf32>
    %sub3A_755 = arith.subf %sub3A_753, %sub3A_754 : vector<512x128xf32>
    %slice3A_756 = vector.extract_strided_slice %get3A_710 {offsets = [1, 0], sizes = [1, 128], strides = [1, 1]} : vector<3x128xf32> to vector<1x128xf32>
    %sub3A_757 = vector.broadcast %slice3A_4 : vector<512x1xf32> to vector<512x128xf32>
    %sub3A_758 = vector.broadcast %slice3A_756 : vector<1x128xf32> to vector<512x128xf32>
    %sub3A_759 = arith.subf %sub3A_757, %sub3A_758 : vector<512x128xf32>
    %slice3A_760 = vector.extract_strided_slice %get3A_710 {offsets = [2, 0], sizes = [1, 128], strides = [1, 1]} : vector<3x128xf32> to vector<1x128xf32>
    %sub3A_761 = vector.broadcast %slice3A_5 : vector<512x1xf32> to vector<512x128xf32>
    %sub3A_762 = vector.broadcast %slice3A_760 : vector<1x128xf32> to vector<512x128xf32>
    %sub3A_763 = arith.subf %sub3A_761, %sub3A_762 : vector<512x128xf32>
    %mul3A_764 = arith.mulf %sub3A_755, %sub3A_755 : vector<512x128xf32>
    %mul3A_765 = arith.mulf %sub3A_759, %sub3A_759 : vector<512x128xf32>
    %add3A_766 = arith.addf %mul3A_764, %mul3A_765 : vector<512x128xf32>
    %mul3A_767 = arith.mulf %sub3A_763, %sub3A_763 : vector<512x128xf32>
    %add3A_768 = arith.addf %add3A_766, %mul3A_767 : vector<512x128xf32>
    %slice3A_769 = vector.extract_strided_slice %get3A_717 {offsets = [0, 0], sizes = [1, 128], strides = [1, 1]} : vector<3x128xf32> to vector<1x128xf32>
    %sub3A_770 = vector.broadcast %slice3A : vector<512x1xf32> to vector<512x128xf32>
    %sub3A_771 = vector.broadcast %slice3A_769 : vector<1x128xf32> to vector<512x128xf32>
    %sub3A_772 = arith.subf %sub3A_770, %sub3A_771 : vector<512x128xf32>
    %slice3A_773 = vector.extract_strided_slice %get3A_717 {offsets = [1, 0], sizes = [1, 128], strides = [1, 1]} : vector<3x128xf32> to vector<1x128xf32>
    %sub3A_774 = vector.broadcast %slice3A_4 : vector<512x1xf32> to vector<512x128xf32>
    %sub3A_775 = vector.broadcast %slice3A_773 : vector<1x128xf32> to vector<512x128xf32>
    %sub3A_776 = arith.subf %sub3A_774, %sub3A_775 : vector<512x128xf32>
    %slice3A_777 = vector.extract_strided_slice %get3A_717 {offsets = [2, 0], sizes = [1, 128], strides = [1, 1]} : vector<3x128xf32> to vector<1x128xf32>
    %sub3A_778 = vector.broadcast %slice3A_5 : vector<512x1xf32> to vector<512x128xf32>
    %sub3A_779 = vector.broadcast %slice3A_777 : vector<1x128xf32> to vector<512x128xf32>
    %sub3A_780 = arith.subf %sub3A_778, %sub3A_779 : vector<512x128xf32>
    %mul3A_781 = arith.mulf %sub3A_772, %sub3A_772 : vector<512x128xf32>
    %mul3A_782 = arith.mulf %sub3A_776, %sub3A_776 : vector<512x128xf32>
    %add3A_783 = arith.addf %mul3A_781, %mul3A_782 : vector<512x128xf32>
    %mul3A_784 = arith.mulf %sub3A_780, %sub3A_780 : vector<512x128xf32>
    %add3A_785 = arith.addf %add3A_783, %mul3A_784 : vector<512x128xf32>
    %min3A_786 = arith.minimumf %add3A_734, %add3A_751 : vector<512x128xf32>
    %max3A_787 = arith.maximumf %add3A_734, %add3A_751 : vector<512x128xf32>
    %min3A_788 = arith.minimumf %add3A_768, %add3A_785 : vector<512x128xf32>
    %max3A_789 = arith.maximumf %add3A_768, %add3A_785 : vector<512x128xf32>
    %min3A_790 = arith.minimumf %min3A_786, %min3A_788 : vector<512x128xf32>
    %max3A_791 = arith.maximumf %min3A_786, %min3A_788 : vector<512x128xf32>
    %min3A_792 = arith.minimumf %max3A_787, %max3A_789 : vector<512x128xf32>
    %min3A_793 = arith.minimumf %max3A_791, %min3A_792 : vector<512x128xf32>
    %max3A_794 = arith.maximumf %max3A_791, %min3A_792 : vector<512x128xf32>
    %min3A_795 = arith.minimumf %min3A_686, %max3A_794 : vector<512x128xf32>
    %min3A_796 = arith.minimumf %min3A_688, %min3A_793 : vector<512x128xf32>
    %min3A_797 = arith.minimumf %max3A_689, %min3A_790 : vector<512x128xf32>
    %min3A_798 = arith.minimumf %min3A_795, %min3A_796 : vector<512x128xf32>
    %max3A_799 = arith.maximumf %min3A_795, %min3A_796 : vector<512x128xf32>
    %min3A_800 = arith.minimumf %min3A_798, %min3A_797 : vector<512x128xf32>
    %max3A_801 = arith.maximumf %min3A_798, %min3A_797 : vector<512x128xf32>
    %min3A_802 = arith.minimumf %max3A_799, %max3A_801 : vector<512x128xf32>
    %max3A_803 = arith.maximumf %max3A_799, %max3A_801 : vector<512x128xf32>
    %add3A_804 = arith.constant 3584 : i32
    %add3A_805 = arith.addi %multiple_of3A, %add3A_804 : i32
    %get3A_806 = arith.constant 0 : index
    %get3A_807 = arith.constant 0 : index
    %get3A_808 = arith.index_cast %add3A_805 : i32 to index
    %get3A_809 = vector.load %arg3[%get3A_806, %get3A_807, %get3A_808] : memref<1x3x4096xf32, #tpu.memory_space<vmem>>, vector<1x3x128xf32>
    %get3A_810 = vector.shape_cast %get3A_809 : vector<1x3x128xf32> to vector<3x128xf32>
    %add3A_811 = arith.constant 3712 : i32
    %add3A_812 = arith.addi %multiple_of3A, %add3A_811 : i32
    %get3A_813 = arith.constant 0 : index
    %get3A_814 = arith.constant 0 : index
    %get3A_815 = arith.index_cast %add3A_812 : i32 to index
    %get3A_816 = vector.load %arg3[%get3A_813, %get3A_814, %get3A_815] : memref<1x3x4096xf32, #tpu.memory_space<vmem>>, vector<1x3x128xf32>
    %get3A_817 = vector.shape_cast %get3A_816 : vector<1x3x128xf32> to vector<3x128xf32>
    %add3A_818 = arith.constant 3840 : i32
    %add3A_819 = arith.addi %multiple_of3A, %add3A_818 : i32
    %get3A_820 = arith.constant 0 : index
    %get3A_821 = arith.constant 0 : index
    %get3A_822 = arith.index_cast %add3A_819 : i32 to index
    %get3A_823 = vector.load %arg3[%get3A_820, %get3A_821, %get3A_822] : memref<1x3x4096xf32, #tpu.memory_space<vmem>>, vector<1x3x128xf32>
    %get3A_824 = vector.shape_cast %get3A_823 : vector<1x3x128xf32> to vector<3x128xf32>
    %slice3A_825 = vector.extract_strided_slice %get3A_810 {offsets = [0, 0], sizes = [1, 128], strides = [1, 1]} : vector<3x128xf32> to vector<1x128xf32>
    %sub3A_826 = vector.broadcast %slice3A : vector<512x1xf32> to vector<512x128xf32>
    %sub3A_827 = vector.broadcast %slice3A_825 : vector<1x128xf32> to vector<512x128xf32>
    %sub3A_828 = arith.subf %sub3A_826, %sub3A_827 : vector<512x128xf32>
    %slice3A_829 = vector.extract_strided_slice %get3A_810 {offsets = [1, 0], sizes = [1, 128], strides = [1, 1]} : vector<3x128xf32> to vector<1x128xf32>
    %sub3A_830 = vector.broadcast %slice3A_4 : vector<512x1xf32> to vector<512x128xf32>
    %sub3A_831 = vector.broadcast %slice3A_829 : vector<1x128xf32> to vector<512x128xf32>
    %sub3A_832 = arith.subf %sub3A_830, %sub3A_831 : vector<512x128xf32>
    %slice3A_833 = vector.extract_strided_slice %get3A_810 {offsets = [2, 0], sizes = [1, 128], strides = [1, 1]} : vector<3x128xf32> to vector<1x128xf32>
    %sub3A_834 = vector.broadcast %slice3A_5 : vector<512x1xf32> to vector<512x128xf32>
    %sub3A_835 = vector.broadcast %slice3A_833 : vector<1x128xf32> to vector<512x128xf32>
    %sub3A_836 = arith.subf %sub3A_834, %sub3A_835 : vector<512x128xf32>
    %mul3A_837 = arith.mulf %sub3A_828, %sub3A_828 : vector<512x128xf32>
    %mul3A_838 = arith.mulf %sub3A_832, %sub3A_832 : vector<512x128xf32>
    %add3A_839 = arith.addf %mul3A_837, %mul3A_838 : vector<512x128xf32>
    %mul3A_840 = arith.mulf %sub3A_836, %sub3A_836 : vector<512x128xf32>
    %add3A_841 = arith.addf %add3A_839, %mul3A_840 : vector<512x128xf32>
    %slice3A_842 = vector.extract_strided_slice %get3A_817 {offsets = [0, 0], sizes = [1, 128], strides = [1, 1]} : vector<3x128xf32> to vector<1x128xf32>
    %sub3A_843 = vector.broadcast %slice3A : vector<512x1xf32> to vector<512x128xf32>
    %sub3A_844 = vector.broadcast %slice3A_842 : vector<1x128xf32> to vector<512x128xf32>
    %sub3A_845 = arith.subf %sub3A_843, %sub3A_844 : vector<512x128xf32>
    %slice3A_846 = vector.extract_strided_slice %get3A_817 {offsets = [1, 0], sizes = [1, 128], strides = [1, 1]} : vector<3x128xf32> to vector<1x128xf32>
    %sub3A_847 = vector.broadcast %slice3A_4 : vector<512x1xf32> to vector<512x128xf32>
    %sub3A_848 = vector.broadcast %slice3A_846 : vector<1x128xf32> to vector<512x128xf32>
    %sub3A_849 = arith.subf %sub3A_847, %sub3A_848 : vector<512x128xf32>
    %slice3A_850 = vector.extract_strided_slice %get3A_817 {offsets = [2, 0], sizes = [1, 128], strides = [1, 1]} : vector<3x128xf32> to vector<1x128xf32>
    %sub3A_851 = vector.broadcast %slice3A_5 : vector<512x1xf32> to vector<512x128xf32>
    %sub3A_852 = vector.broadcast %slice3A_850 : vector<1x128xf32> to vector<512x128xf32>
    %sub3A_853 = arith.subf %sub3A_851, %sub3A_852 : vector<512x128xf32>
    %mul3A_854 = arith.mulf %sub3A_845, %sub3A_845 : vector<512x128xf32>
    %mul3A_855 = arith.mulf %sub3A_849, %sub3A_849 : vector<512x128xf32>
    %add3A_856 = arith.addf %mul3A_854, %mul3A_855 : vector<512x128xf32>
    %mul3A_857 = arith.mulf %sub3A_853, %sub3A_853 : vector<512x128xf32>
    %add3A_858 = arith.addf %add3A_856, %mul3A_857 : vector<512x128xf32>
    %slice3A_859 = vector.extract_strided_slice %get3A_824 {offsets = [0, 0], sizes = [1, 128], strides = [1, 1]} : vector<3x128xf32> to vector<1x128xf32>
    %sub3A_860 = vector.broadcast %slice3A : vector<512x1xf32> to vector<512x128xf32>
    %sub3A_861 = vector.broadcast %slice3A_859 : vector<1x128xf32> to vector<512x128xf32>
    %sub3A_862 = arith.subf %sub3A_860, %sub3A_861 : vector<512x128xf32>
    %slice3A_863 = vector.extract_strided_slice %get3A_824 {offsets = [1, 0], sizes = [1, 128], strides = [1, 1]} : vector<3x128xf32> to vector<1x128xf32>
    %sub3A_864 = vector.broadcast %slice3A_4 : vector<512x1xf32> to vector<512x128xf32>
    %sub3A_865 = vector.broadcast %slice3A_863 : vector<1x128xf32> to vector<512x128xf32>
    %sub3A_866 = arith.subf %sub3A_864, %sub3A_865 : vector<512x128xf32>
    %slice3A_867 = vector.extract_strided_slice %get3A_824 {offsets = [2, 0], sizes = [1, 128], strides = [1, 1]} : vector<3x128xf32> to vector<1x128xf32>
    %sub3A_868 = vector.broadcast %slice3A_5 : vector<512x1xf32> to vector<512x128xf32>
    %sub3A_869 = vector.broadcast %slice3A_867 : vector<1x128xf32> to vector<512x128xf32>
    %sub3A_870 = arith.subf %sub3A_868, %sub3A_869 : vector<512x128xf32>
    %mul3A_871 = arith.mulf %sub3A_862, %sub3A_862 : vector<512x128xf32>
    %mul3A_872 = arith.mulf %sub3A_866, %sub3A_866 : vector<512x128xf32>
    %add3A_873 = arith.addf %mul3A_871, %mul3A_872 : vector<512x128xf32>
    %mul3A_874 = arith.mulf %sub3A_870, %sub3A_870 : vector<512x128xf32>
    %add3A_875 = arith.addf %add3A_873, %mul3A_874 : vector<512x128xf32>
    %slice3A_876 = vector.extract_strided_slice %get3A_21 {offsets = [0, 0], sizes = [1, 128], strides = [1, 1]} : vector<3x128xf32> to vector<1x128xf32>
    %sub3A_877 = vector.broadcast %slice3A : vector<512x1xf32> to vector<512x128xf32>
    %sub3A_878 = vector.broadcast %slice3A_876 : vector<1x128xf32> to vector<512x128xf32>
    %sub3A_879 = arith.subf %sub3A_877, %sub3A_878 : vector<512x128xf32>
    %slice3A_880 = vector.extract_strided_slice %get3A_21 {offsets = [1, 0], sizes = [1, 128], strides = [1, 1]} : vector<3x128xf32> to vector<1x128xf32>
    %sub3A_881 = vector.broadcast %slice3A_4 : vector<512x1xf32> to vector<512x128xf32>
    %sub3A_882 = vector.broadcast %slice3A_880 : vector<1x128xf32> to vector<512x128xf32>
    %sub3A_883 = arith.subf %sub3A_881, %sub3A_882 : vector<512x128xf32>
    %slice3A_884 = vector.extract_strided_slice %get3A_21 {offsets = [2, 0], sizes = [1, 128], strides = [1, 1]} : vector<3x128xf32> to vector<1x128xf32>
    %sub3A_885 = vector.broadcast %slice3A_5 : vector<512x1xf32> to vector<512x128xf32>
    %sub3A_886 = vector.broadcast %slice3A_884 : vector<1x128xf32> to vector<512x128xf32>
    %sub3A_887 = arith.subf %sub3A_885, %sub3A_886 : vector<512x128xf32>
    %mul3A_888 = arith.mulf %sub3A_879, %sub3A_879 : vector<512x128xf32>
    %mul3A_889 = arith.mulf %sub3A_883, %sub3A_883 : vector<512x128xf32>
    %add3A_890 = arith.addf %mul3A_888, %mul3A_889 : vector<512x128xf32>
    %mul3A_891 = arith.mulf %sub3A_887, %sub3A_887 : vector<512x128xf32>
    %add3A_892 = arith.addf %add3A_890, %mul3A_891 : vector<512x128xf32>
    %min3A_893 = arith.minimumf %add3A_841, %add3A_858 : vector<512x128xf32>
    %max3A_894 = arith.maximumf %add3A_841, %add3A_858 : vector<512x128xf32>
    %min3A_895 = arith.minimumf %add3A_875, %add3A_892 : vector<512x128xf32>
    %max3A_896 = arith.maximumf %add3A_875, %add3A_892 : vector<512x128xf32>
    %min3A_897 = arith.minimumf %min3A_893, %min3A_895 : vector<512x128xf32>
    %max3A_898 = arith.maximumf %min3A_893, %min3A_895 : vector<512x128xf32>
    %min3A_899 = arith.minimumf %max3A_894, %max3A_896 : vector<512x128xf32>
    %min3A_900 = arith.minimumf %max3A_898, %min3A_899 : vector<512x128xf32>
    %max3A_901 = arith.maximumf %max3A_898, %min3A_899 : vector<512x128xf32>
    %min3A_902 = arith.minimumf %min3A_800, %max3A_901 : vector<512x128xf32>
    %min3A_903 = arith.minimumf %min3A_802, %min3A_900 : vector<512x128xf32>
    %min3A_904 = arith.minimumf %max3A_803, %min3A_897 : vector<512x128xf32>
    %min3A_905 = arith.minimumf %min3A_902, %min3A_903 : vector<512x128xf32>
    %max3A_906 = arith.maximumf %min3A_902, %min3A_903 : vector<512x128xf32>
    %min3A_907 = arith.minimumf %min3A_905, %min3A_904 : vector<512x128xf32>
    %max3A_908 = arith.maximumf %min3A_905, %min3A_904 : vector<512x128xf32>
    %min3A_909 = arith.minimumf %max3A_906, %max3A_908 : vector<512x128xf32>
    %max3A_910 = arith.maximumf %max3A_906, %max3A_908 : vector<512x128xf32>
    %reduce_min3A = arith.constant dense<0x7F800000> : vector<512xf32>
    %reduce_min3A_911 = vector.multi_reduction <minimumf>, %min3A_907, %reduce_min3A [1] : vector<512x128xf32> to vector<512xf32>
    %broadcast_in_dim3A = vector.shape_cast %reduce_min3A_911 : vector<512xf32> to vector<512x1xf32>
    %le3A = vector.broadcast %broadcast_in_dim3A : vector<512x1xf32> to vector<512x128xf32>
    %le3A_912 = arith.cmpf ole, %min3A_907, %le3A : vector<512x128xf32>
    %select_n3A = arith.select %le3A_912, %min3A_909, %min3A_907 : vector<512x128xi1>, vector<512x128xf32>
    %select_n3A_913 = arith.select %le3A_912, %max3A_910, %min3A_909 : vector<512x128xi1>, vector<512x128xf32>
    %jit3A_914 = arith.constant 3.400000e+38 : f32
    %broadcast_in_dim3A_915 = vector.broadcast %jit3A_914 : f32 to vector<512x128xf32>
    %select_n3A_916 = arith.select %le3A_912, %broadcast_in_dim3A_915, %max3A_910 : vector<512x128xi1>, vector<512x128xf32>
    %reduce_min3A_917 = arith.constant dense<0x7F800000> : vector<512xf32>
    %reduce_min3A_918 = vector.multi_reduction <minimumf>, %select_n3A, %reduce_min3A_917 [1] : vector<512x128xf32> to vector<512xf32>
    %broadcast_in_dim3A_919 = vector.shape_cast %reduce_min3A_918 : vector<512xf32> to vector<512x1xf32>
    %le3A_920 = vector.broadcast %broadcast_in_dim3A_919 : vector<512x1xf32> to vector<512x128xf32>
    %le3A_921 = arith.cmpf ole, %select_n3A, %le3A_920 : vector<512x128xf32>
    %select_n3A_922 = arith.select %le3A_921, %select_n3A_913, %select_n3A : vector<512x128xi1>, vector<512x128xf32>
    %select_n3A_923 = arith.select %le3A_921, %select_n3A_916, %select_n3A_913 : vector<512x128xi1>, vector<512x128xf32>
    %jit3A_924 = arith.constant 3.400000e+38 : f32
    %broadcast_in_dim3A_925 = vector.broadcast %jit3A_924 : f32 to vector<512x128xf32>
    %select_n3A_926 = arith.select %le3A_921, %broadcast_in_dim3A_925, %select_n3A_916 : vector<512x128xi1>, vector<512x128xf32>
    %reduce_min3A_927 = arith.constant dense<0x7F800000> : vector<512xf32>
    %reduce_min3A_928 = vector.multi_reduction <minimumf>, %select_n3A_922, %reduce_min3A_927 [1] : vector<512x128xf32> to vector<512xf32>
    %broadcast_in_dim3A_929 = vector.shape_cast %reduce_min3A_928 : vector<512xf32> to vector<512x1xf32>
    %le3A_930 = vector.broadcast %broadcast_in_dim3A_929 : vector<512x1xf32> to vector<512x128xf32>
    %le3A_931 = arith.cmpf ole, %select_n3A_922, %le3A_930 : vector<512x128xf32>
    %select_n3A_932 = arith.select %le3A_931, %select_n3A_923, %select_n3A_922 : vector<512x128xi1>, vector<512x128xf32>
    %select_n3A_933 = arith.select %le3A_931, %select_n3A_926, %select_n3A_923 : vector<512x128xi1>, vector<512x128xf32>
    %jit3A_934 = arith.constant 3.400000e+38 : f32
    %broadcast_in_dim3A_935 = vector.broadcast %jit3A_934 : f32 to vector<512x128xf32>
    %select_n3A_936 = arith.select %le3A_931, %broadcast_in_dim3A_935, %select_n3A_926 : vector<512x128xi1>, vector<512x128xf32>
    %reduce_min3A_937 = arith.constant dense<0x7F800000> : vector<512xf32>
    %reduce_min3A_938 = vector.multi_reduction <minimumf>, %select_n3A_932, %reduce_min3A_937 [1] : vector<512x128xf32> to vector<512xf32>
    %broadcast_in_dim3A_939 = vector.shape_cast %reduce_min3A_938 : vector<512xf32> to vector<512x1xf32>
    %le3A_940 = vector.broadcast %broadcast_in_dim3A_939 : vector<512x1xf32> to vector<512x128xf32>
    %le3A_941 = arith.cmpf ole, %select_n3A_932, %le3A_940 : vector<512x128xf32>
    %select_n3A_942 = arith.select %le3A_941, %select_n3A_933, %select_n3A_932 : vector<512x128xi1>, vector<512x128xf32>
    %select_n3A_943 = arith.select %le3A_941, %select_n3A_936, %select_n3A_933 : vector<512x128xi1>, vector<512x128xf32>
    %jit3A_944 = arith.constant 3.400000e+38 : f32
    %broadcast_in_dim3A_945 = vector.broadcast %jit3A_944 : f32 to vector<512x128xf32>
    %select_n3A_946 = arith.select %le3A_941, %broadcast_in_dim3A_945, %select_n3A_936 : vector<512x128xi1>, vector<512x128xf32>
    %reduce_min3A_947 = arith.constant dense<0x7F800000> : vector<512xf32>
    %reduce_min3A_948 = vector.multi_reduction <minimumf>, %select_n3A_942, %reduce_min3A_947 [1] : vector<512x128xf32> to vector<512xf32>
    %broadcast_in_dim3A_949 = vector.shape_cast %reduce_min3A_948 : vector<512xf32> to vector<512x1xf32>
    %le3A_950 = vector.broadcast %broadcast_in_dim3A_949 : vector<512x1xf32> to vector<512x128xf32>
    %le3A_951 = arith.cmpf ole, %select_n3A_942, %le3A_950 : vector<512x128xf32>
    %select_n3A_952 = arith.select %le3A_951, %select_n3A_943, %select_n3A_942 : vector<512x128xi1>, vector<512x128xf32>
    %select_n3A_953 = arith.select %le3A_951, %select_n3A_946, %select_n3A_943 : vector<512x128xi1>, vector<512x128xf32>
    %jit3A_954 = arith.constant 3.400000e+38 : f32
    %broadcast_in_dim3A_955 = vector.broadcast %jit3A_954 : f32 to vector<512x128xf32>
    %select_n3A_956 = arith.select %le3A_951, %broadcast_in_dim3A_955, %select_n3A_946 : vector<512x128xi1>, vector<512x128xf32>
    %reduce_min3A_957 = arith.constant dense<0x7F800000> : vector<512xf32>
    %reduce_min3A_958 = vector.multi_reduction <minimumf>, %select_n3A_952, %reduce_min3A_957 [1] : vector<512x128xf32> to vector<512xf32>
    %broadcast_in_dim3A_959 = vector.shape_cast %reduce_min3A_958 : vector<512xf32> to vector<512x1xf32>
    %le3A_960 = vector.broadcast %broadcast_in_dim3A_959 : vector<512x1xf32> to vector<512x128xf32>
    %le3A_961 = arith.cmpf ole, %select_n3A_952, %le3A_960 : vector<512x128xf32>
    %select_n3A_962 = arith.select %le3A_961, %select_n3A_953, %select_n3A_952 : vector<512x128xi1>, vector<512x128xf32>
    %select_n3A_963 = arith.select %le3A_961, %select_n3A_956, %select_n3A_953 : vector<512x128xi1>, vector<512x128xf32>
    %jit3A_964 = arith.constant 3.400000e+38 : f32
    %broadcast_in_dim3A_965 = vector.broadcast %jit3A_964 : f32 to vector<512x128xf32>
    %select_n3A_966 = arith.select %le3A_961, %broadcast_in_dim3A_965, %select_n3A_956 : vector<512x128xi1>, vector<512x128xf32>
    %reduce_min3A_967 = arith.constant dense<0x7F800000> : vector<512xf32>
    %reduce_min3A_968 = vector.multi_reduction <minimumf>, %select_n3A_962, %reduce_min3A_967 [1] : vector<512x128xf32> to vector<512xf32>
    %broadcast_in_dim3A_969 = vector.shape_cast %reduce_min3A_968 : vector<512xf32> to vector<512x1xf32>
    %le3A_970 = vector.broadcast %broadcast_in_dim3A_969 : vector<512x1xf32> to vector<512x128xf32>
    %le3A_971 = arith.cmpf ole, %select_n3A_962, %le3A_970 : vector<512x128xf32>
    %select_n3A_972 = arith.select %le3A_971, %select_n3A_963, %select_n3A_962 : vector<512x128xi1>, vector<512x128xf32>
    %select_n3A_973 = arith.select %le3A_971, %select_n3A_966, %select_n3A_963 : vector<512x128xi1>, vector<512x128xf32>
    %jit3A_974 = arith.constant 3.400000e+38 : f32
    %broadcast_in_dim3A_975 = vector.broadcast %jit3A_974 : f32 to vector<512x128xf32>
    %select_n3A_976 = arith.select %le3A_971, %broadcast_in_dim3A_975, %select_n3A_966 : vector<512x128xi1>, vector<512x128xf32>
    %reduce_min3A_977 = arith.constant dense<0x7F800000> : vector<512xf32>
    %reduce_min3A_978 = vector.multi_reduction <minimumf>, %select_n3A_972, %reduce_min3A_977 [1] : vector<512x128xf32> to vector<512xf32>
    %broadcast_in_dim3A_979 = vector.shape_cast %reduce_min3A_978 : vector<512xf32> to vector<512x1xf32>
    %le3A_980 = vector.broadcast %broadcast_in_dim3A_979 : vector<512x1xf32> to vector<512x128xf32>
    %le3A_981 = arith.cmpf ole, %select_n3A_972, %le3A_980 : vector<512x128xf32>
    %select_n3A_982 = arith.select %le3A_981, %select_n3A_973, %select_n3A_972 : vector<512x128xi1>, vector<512x128xf32>
    %select_n3A_983 = arith.select %le3A_981, %select_n3A_976, %select_n3A_973 : vector<512x128xi1>, vector<512x128xf32>
    %jit3A_984 = arith.constant 3.400000e+38 : f32
    %broadcast_in_dim3A_985 = vector.broadcast %jit3A_984 : f32 to vector<512x128xf32>
    %select_n3A_986 = arith.select %le3A_981, %broadcast_in_dim3A_985, %select_n3A_976 : vector<512x128xi1>, vector<512x128xf32>
    %reduce_min3A_987 = arith.constant dense<0x7F800000> : vector<512xf32>
    %reduce_min3A_988 = vector.multi_reduction <minimumf>, %select_n3A_982, %reduce_min3A_987 [1] : vector<512x128xf32> to vector<512xf32>
    %broadcast_in_dim3A_989 = vector.shape_cast %reduce_min3A_988 : vector<512xf32> to vector<512x1xf32>
    %le3A_990 = vector.broadcast %broadcast_in_dim3A_989 : vector<512x1xf32> to vector<512x128xf32>
    %le3A_991 = arith.cmpf ole, %select_n3A_982, %le3A_990 : vector<512x128xf32>
    %select_n3A_992 = arith.select %le3A_991, %select_n3A_983, %select_n3A_982 : vector<512x128xi1>, vector<512x128xf32>
    %select_n3A_993 = arith.select %le3A_991, %select_n3A_986, %select_n3A_983 : vector<512x128xi1>, vector<512x128xf32>
    %jit3A_994 = arith.constant 3.400000e+38 : f32
    %broadcast_in_dim3A_995 = vector.broadcast %jit3A_994 : f32 to vector<512x128xf32>
    %select_n3A_996 = arith.select %le3A_991, %broadcast_in_dim3A_995, %select_n3A_986 : vector<512x128xi1>, vector<512x128xf32>
    %reduce_min3A_997 = arith.constant dense<0x7F800000> : vector<512xf32>
    %reduce_min3A_998 = vector.multi_reduction <minimumf>, %select_n3A_992, %reduce_min3A_997 [1] : vector<512x128xf32> to vector<512xf32>
    %broadcast_in_dim3A_999 = vector.shape_cast %reduce_min3A_998 : vector<512xf32> to vector<512x1xf32>
    %le3A_1000 = vector.broadcast %broadcast_in_dim3A_999 : vector<512x1xf32> to vector<512x128xf32>
    %le3A_1001 = arith.cmpf ole, %select_n3A_992, %le3A_1000 : vector<512x128xf32>
    %select_n3A_1002 = arith.select %le3A_1001, %select_n3A_993, %select_n3A_992 : vector<512x128xi1>, vector<512x128xf32>
    %select_n3A_1003 = arith.select %le3A_1001, %select_n3A_996, %select_n3A_993 : vector<512x128xi1>, vector<512x128xf32>
    %jit3A_1004 = arith.constant 3.400000e+38 : f32
    %broadcast_in_dim3A_1005 = vector.broadcast %jit3A_1004 : f32 to vector<512x128xf32>
    %select_n3A_1006 = arith.select %le3A_1001, %broadcast_in_dim3A_1005, %select_n3A_996 : vector<512x128xi1>, vector<512x128xf32>
    %reduce_min3A_1007 = arith.constant dense<0x7F800000> : vector<512xf32>
    %reduce_min3A_1008 = vector.multi_reduction <minimumf>, %select_n3A_1002, %reduce_min3A_1007 [1] : vector<512x128xf32> to vector<512xf32>
    %broadcast_in_dim3A_1009 = vector.shape_cast %reduce_min3A_1008 : vector<512xf32> to vector<512x1xf32>
    %le3A_1010 = vector.broadcast %broadcast_in_dim3A_1009 : vector<512x1xf32> to vector<512x128xf32>
    %le3A_1011 = arith.cmpf ole, %select_n3A_1002, %le3A_1010 : vector<512x128xf32>
    %select_n3A_1012 = arith.select %le3A_1011, %select_n3A_1003, %select_n3A_1002 : vector<512x128xi1>, vector<512x128xf32>
    %select_n3A_1013 = arith.select %le3A_1011, %select_n3A_1006, %select_n3A_1003 : vector<512x128xi1>, vector<512x128xf32>
    %jit3A_1014 = arith.constant 3.400000e+38 : f32
    %broadcast_in_dim3A_1015 = vector.broadcast %jit3A_1014 : f32 to vector<512x128xf32>
    %select_n3A_1016 = arith.select %le3A_1011, %broadcast_in_dim3A_1015, %select_n3A_1006 : vector<512x128xi1>, vector<512x128xf32>
    %reduce_min3A_1017 = arith.constant dense<0x7F800000> : vector<512xf32>
    %reduce_min3A_1018 = vector.multi_reduction <minimumf>, %select_n3A_1012, %reduce_min3A_1017 [1] : vector<512x128xf32> to vector<512xf32>
    %broadcast_in_dim3A_1019 = vector.shape_cast %reduce_min3A_1018 : vector<512xf32> to vector<512x1xf32>
    %le3A_1020 = vector.broadcast %broadcast_in_dim3A_1019 : vector<512x1xf32> to vector<512x128xf32>
    %le3A_1021 = arith.cmpf ole, %select_n3A_1012, %le3A_1020 : vector<512x128xf32>
    %select_n3A_1022 = arith.select %le3A_1021, %select_n3A_1013, %select_n3A_1012 : vector<512x128xi1>, vector<512x128xf32>
    %select_n3A_1023 = arith.select %le3A_1021, %select_n3A_1016, %select_n3A_1013 : vector<512x128xi1>, vector<512x128xf32>
    %jit3A_1024 = arith.constant 3.400000e+38 : f32
    %broadcast_in_dim3A_1025 = vector.broadcast %jit3A_1024 : f32 to vector<512x128xf32>
    %select_n3A_1026 = arith.select %le3A_1021, %broadcast_in_dim3A_1025, %select_n3A_1016 : vector<512x128xi1>, vector<512x128xf32>
    %reduce_min3A_1027 = arith.constant dense<0x7F800000> : vector<512xf32>
    %reduce_min3A_1028 = vector.multi_reduction <minimumf>, %select_n3A_1022, %reduce_min3A_1027 [1] : vector<512x128xf32> to vector<512xf32>
    %broadcast_in_dim3A_1029 = vector.shape_cast %reduce_min3A_1028 : vector<512xf32> to vector<512x1xf32>
    %le3A_1030 = vector.broadcast %broadcast_in_dim3A_1029 : vector<512x1xf32> to vector<512x128xf32>
    %le3A_1031 = arith.cmpf ole, %select_n3A_1022, %le3A_1030 : vector<512x128xf32>
    %select_n3A_1032 = arith.select %le3A_1031, %select_n3A_1023, %select_n3A_1022 : vector<512x128xi1>, vector<512x128xf32>
    %select_n3A_1033 = arith.select %le3A_1031, %select_n3A_1026, %select_n3A_1023 : vector<512x128xi1>, vector<512x128xf32>
    %jit3A_1034 = arith.constant 3.400000e+38 : f32
    %broadcast_in_dim3A_1035 = vector.broadcast %jit3A_1034 : f32 to vector<512x128xf32>
    %select_n3A_1036 = arith.select %le3A_1031, %broadcast_in_dim3A_1035, %select_n3A_1026 : vector<512x128xi1>, vector<512x128xf32>
    %reduce_min3A_1037 = arith.constant dense<0x7F800000> : vector<512xf32>
    %reduce_min3A_1038 = vector.multi_reduction <minimumf>, %select_n3A_1032, %reduce_min3A_1037 [1] : vector<512x128xf32> to vector<512xf32>
    %broadcast_in_dim3A_1039 = vector.shape_cast %reduce_min3A_1038 : vector<512xf32> to vector<512x1xf32>
    %le3A_1040 = vector.broadcast %broadcast_in_dim3A_1039 : vector<512x1xf32> to vector<512x128xf32>
    %le3A_1041 = arith.cmpf ole, %select_n3A_1032, %le3A_1040 : vector<512x128xf32>
    %select_n3A_1042 = arith.select %le3A_1041, %select_n3A_1033, %select_n3A_1032 : vector<512x128xi1>, vector<512x128xf32>
    %select_n3A_1043 = arith.select %le3A_1041, %select_n3A_1036, %select_n3A_1033 : vector<512x128xi1>, vector<512x128xf32>
    %reduce_min3A_1044 = arith.constant dense<0x7F800000> : vector<512xf32>
    %reduce_min3A_1045 = vector.multi_reduction <minimumf>, %select_n3A_1042, %reduce_min3A_1044 [1] : vector<512x128xf32> to vector<512xf32>
    %broadcast_in_dim3A_1046 = vector.shape_cast %reduce_min3A_1045 : vector<512xf32> to vector<512x1xf32>
    %le3A_1047 = vector.broadcast %broadcast_in_dim3A_1046 : vector<512x1xf32> to vector<512x128xf32>
    %le3A_1048 = arith.cmpf ole, %select_n3A_1042, %le3A_1047 : vector<512x128xf32>
    %select_n3A_1049 = arith.select %le3A_1048, %select_n3A_1043, %select_n3A_1042 : vector<512x128xi1>, vector<512x128xf32>
    %reduce_min3A_1050 = arith.constant dense<0x7F800000> : vector<512xf32>
    %reduce_min3A_1051 = vector.multi_reduction <minimumf>, %select_n3A_1049, %reduce_min3A_1050 [1] : vector<512x128xf32> to vector<512xf32>
    %broadcast_in_dim3A_1052 = vector.shape_cast %reduce_min3A_1051 : vector<512xf32> to vector<512x1xf32>
    %concatenate3A = tpu.concatenate %broadcast_in_dim3A, %broadcast_in_dim3A_919, %broadcast_in_dim3A_929, %broadcast_in_dim3A_939, %broadcast_in_dim3A_949, %broadcast_in_dim3A_959, %broadcast_in_dim3A_969, %broadcast_in_dim3A_979, %broadcast_in_dim3A_989, %broadcast_in_dim3A_999, %broadcast_in_dim3A_1009, %broadcast_in_dim3A_1019, %broadcast_in_dim3A_1029, %broadcast_in_dim3A_1039, %broadcast_in_dim3A_1046, %broadcast_in_dim3A_1052 in 1 : vector<512x1xf32>, vector<512x1xf32>, vector<512x1xf32>, vector<512x1xf32>, vector<512x1xf32>, vector<512x1xf32>, vector<512x1xf32>, vector<512x1xf32>, vector<512x1xf32>, vector<512x1xf32>, vector<512x1xf32>, vector<512x1xf32>, vector<512x1xf32>, vector<512x1xf32>, vector<512x1xf32>, vector<512x1xf32> -> vector<512x16xf32>
    %sqrt3A = math.sqrt %concatenate3A : vector<512x16xf32>
    %neg3A = arith.constant 0.000000e+00 : f32
    %neg3A_1053 = vector.broadcast %neg3A : f32 to vector<512x16xf32>
    %neg3A_1054 = arith.subf %neg3A_1053, %concatenate3A : vector<512x16xf32>
    %div3A = arith.constant 8.99999984E-4 : f32
    %div3A_1055 = vector.broadcast %div3A : f32 to vector<512x16xf32>
    %div3A_1056 = arith.divf %neg3A_1054, %div3A_1055 : vector<512x16xf32>
    %exp3A = math.exp %div3A_1056 : vector<512x16xf32>
    %sub3A_1057 = arith.constant 7.000000e-02 : f32
    %sub3A_1058 = vector.broadcast %sub3A_1057 : f32 to vector<512x16xf32>
    %sub3A_1059 = arith.subf %sub3A_1058, %sqrt3A : vector<512x16xf32>
    %mul3A_1060 = arith.mulf %sub3A_1059, %exp3A : vector<512x16xf32>
    %reduce_sum3A = arith.constant dense<0.000000e+00> : vector<512xf32>
    %reduce_sum3A_1061 = vector.multi_reduction <add>, %mul3A_1060, %reduce_sum3A [1] : vector<512x16xf32> to vector<512xf32>
    %broadcast_in_dim3A_1062 = vector.shape_cast %reduce_sum3A_1061 : vector<512xf32> to vector<512x1xf32>
    %slice3A_1063 = vector.extract_strided_slice %sqrt3A {offsets = [0, 15], sizes = [512, 1], strides = [1, 1]} : vector<512x16xf32> to vector<512x1xf32>
    %slice3A_1064 = vector.extract_strided_slice %get3A_14 {offsets = [0, 0], sizes = [1, 1], strides = [1, 1]} : vector<3x128xf32> to vector<1x1xf32>
    %slice3A_1065 = vector.extract_strided_slice %get3A_21 {offsets = [0, 127], sizes = [1, 1], strides = [1, 1]} : vector<3x128xf32> to vector<1x1xf32>
    %eq3A = arith.constant 0 : i32
    %eq3A_1066 = arith.cmpi eq, %multiple_of3A, %eq3A : i32
    %sub3A_1067 = vector.broadcast %slice3A_1064 : vector<1x1xf32> to vector<512x1xf32>
    %sub3A_1068 = arith.subf %slice3A, %sub3A_1067 : vector<512x1xf32>
    %ge3A = arith.cmpf oge, %sub3A_1068, %slice3A_1063 : vector<512x1xf32>
    %or3A = vector.broadcast %eq3A_1066 : i1 to vector<512x1xi1>
    %or3A_1069 = arith.ori %or3A, %ge3A : vector<512x1xi1>
    %eq3A_1070 = arith.constant 0 : i32
    %eq3A_1071 = arith.cmpi eq, %multiple_of3A, %eq3A_1070 : i32
    %sub3A_1072 = vector.broadcast %slice3A_1065 : vector<1x1xf32> to vector<512x1xf32>
    %sub3A_1073 = arith.subf %sub3A_1072, %slice3A : vector<512x1xf32>
    %ge3A_1074 = arith.cmpf oge, %sub3A_1073, %slice3A_1063 : vector<512x1xf32>
    %or3A_1075 = vector.broadcast %eq3A_1071 : i1 to vector<512x1xi1>
    %or3A_1076 = arith.ori %or3A_1075, %ge3A_1074 : vector<512x1xi1>
    %and3A = arith.andi %or3A_1069, %or3A_1076 : vector<512x1xi1>
    %jit3A_1077 = arith.constant 1.000000e+00 : f32
    %jit3A_1078 = arith.constant 0.000000e+00 : f32
    %broadcast_in_dim3A_1079 = vector.broadcast %jit3A_1077 : f32 to vector<512x1xf32>
    %broadcast_in_dim3A_1080 = vector.broadcast %jit3A_1078 : f32 to vector<512x1xf32>
    %select_n3A_1081 = arith.select %and3A, %broadcast_in_dim3A_1079, %broadcast_in_dim3A_1080 : vector<512x1xi1>, vector<512x1xf32>
    %concatenate3A_1082 = tpu.concatenate %broadcast_in_dim3A_1062, %select_n3A_1081 in 1 : vector<512x1xf32>, vector<512x1xf32> -> vector<512x2xf32>
    %swap3A = arith.constant 0 : index
    %swap3A_1083 = arith.constant 0 : index
    %swap3A_1084 = arith.constant 0 : index
    %swap3A_1085 = vector.load %arg4[%swap3A, %swap3A_1083, %swap3A_1084] : memref<1x512x2xf32, #tpu.memory_space<vmem>>, vector<1x512x2xf32>
    %swap3A_1086 = vector.shape_cast %swap3A_1085 : vector<1x512x2xf32> to vector<512x2xf32>
    %swap3A_1087 = vector.shape_cast %concatenate3A_1082 : vector<512x2xf32> to vector<1x512x2xf32>
    tpu.vector_store %arg4[%swap3A, %swap3A_1083, %swap3A_1084], %swap3A_1087 {strides = array<i32>} : memref<1x512x2xf32, #tpu.memory_space<vmem>>, vector<1x512x2xf32>,
    return
  }
  func.func @transform_0(%arg0: i32, %arg1: i32) -> (i32, i32, i32) {
    %c0_i32 = arith.constant 0 : i32
    %c0_i32_0 = arith.constant 0 : i32
    return %arg0, %arg1, %c0_i32 : i32, i32, i32
  }
  func.func @transform_1(%arg0: i32, %arg1: i32) -> (i32, i32, i32) {
    %c0_i32 = arith.constant 0 : i32
    %c0_i32_0 = arith.constant 0 : i32
    %c0_i32_1 = arith.constant 0 : i32
    return %arg0, %c0_i32, %c0_i32_0 : i32, i32, i32
  }
  func.func @transform_2(%arg0: i32, %arg1: i32) -> (i32, i32, i32) {
    %c0_i32 = arith.constant 0 : i32
    %c0_i32_0 = arith.constant 0 : i32
    return %arg0, %arg1, %c0_i32 : i32, i32, i32
  }
}

module attributes {stable_mosaic.version = 14 : i64} {
  func.func @_rep_block_kernel(%arg0: i32, %arg1: i32, %arg2: memref<1x512x3xf32, #tpu.memory_space<vmem>>, %arg3: memref<1x3x4096xf32, #tpu.memory_space<vmem>>, %arg4: memref<1x512x2xf32, #tpu.memory_space<vmem>>) attributes {dimension_semantics = [#tpu.dimension_semantics<arbitrary>, #tpu.dimension_semantics<arbitrary>], iteration_bounds = array<i64: 4, 8>, scalar_prefetch = 0 : i64, scratch_operands = 0 : i64, tpu.core_type = #tpu.core_type<tc>, window_params = [{transform_indices = @transform_0, window_bounds = array<i64: 1, 512, 3>}, {transform_indices = @transform_1, window_bounds = array<i64: 1, 3, 4096>}, {transform_indices = @transform_2, window_bounds = array<i64: 1, 512, 2>}]} {
    %get3A = arith.constant 0 : index
    %get3A_0 = arith.constant 0 : index
    %get3A_1 = arith.constant 0 : index
    %get3A_2 = vector.load %arg2[%get3A, %get3A_0, %get3A_1] : memref<1x512x3xf32, #tpu.memory_space<vmem>>, vector<1x512x3xf32>
    %get3A_3 = vector.shape_cast %get3A_2 : vector<1x512x3xf32> to vector<512x3xf32>
    %slice3A = vector.extract_strided_slice %get3A_3 {offsets = [0, 0], sizes = [512, 1], strides = [1, 1]} : vector<512x3xf32> to vector<512x1xf32>
    %slice3A_4 = vector.extract_strided_slice %get3A_3 {offsets = [0, 1], sizes = [512, 1], strides = [1, 1]} : vector<512x3xf32> to vector<512x1xf32>
    %slice3A_5 = vector.extract_strided_slice %get3A_3 {offsets = [0, 2], sizes = [512, 1], strides = [1, 1]} : vector<512x3xf32> to vector<512x1xf32>
    %mul3A = arith.constant 512 : i32
    %mul3A_6 = arith.muli %arg1, %mul3A : i32
    %sub3A = arith.constant 1792 : i32
    %sub3A_7 = arith.subi %mul3A_6, %sub3A : i32
    %jit3A = arith.constant 0 : i32
    %jit3A_8 = arith.constant 0 : i32
    %max3A = arith.maxsi %jit3A, %sub3A_7 : i32
    %min3A = arith.minsi %jit3A_8, %max3A : i32
    %multiple_of3A = tpu.assume_multiple %min3A, 128 : i32
    %add3A = arith.constant 0 : i32
    %add3A_9 = arith.addi %multiple_of3A, %add3A : i32
    %get3A_10 = arith.constant 0 : index
    %get3A_11 = arith.constant 0 : index
    %get3A_12 = arith.index_cast %add3A_9 : i32 to index
    %get3A_13 = vector.load %arg3[%get3A_10, %get3A_11, %get3A_12] : memref<1x3x4096xf32, #tpu.memory_space<vmem>>, vector<1x3x128xf32>
    %get3A_14 = vector.shape_cast %get3A_13 : vector<1x3x128xf32> to vector<3x128xf32>
    %add3A_15 = arith.constant 3968 : i32
    %add3A_16 = arith.addi %multiple_of3A, %add3A_15 : i32
    %get3A_17 = arith.constant 0 : index
    %get3A_18 = arith.constant 0 : index
    %get3A_19 = arith.index_cast %add3A_16 : i32 to index
    %get3A_20 = vector.load %arg3[%get3A_17, %get3A_18, %get3A_19] : memref<1x3x4096xf32, #tpu.memory_space<vmem>>, vector<1x3x128xf32>
    %get3A_21 = vector.shape_cast %get3A_20 : vector<1x3x128xf32> to vector<3x128xf32>
    %add3A_22 = arith.constant 128 : i32
    %add3A_23 = arith.addi %multiple_of3A, %add3A_22 : i32
    %get3A_24 = arith.constant 0 : index
    %get3A_25 = arith.constant 0 : index
    %get3A_26 = arith.index_cast %add3A_23 : i32 to index
    %get3A_27 = vector.load %arg3[%get3A_24, %get3A_25, %get3A_26] : memref<1x3x4096xf32, #tpu.memory_space<vmem>>, vector<1x3x128xf32>
    %get3A_28 = vector.shape_cast %get3A_27 : vector<1x3x128xf32> to vector<3x128xf32>
    %add3A_29 = arith.constant 256 : i32
    %add3A_30 = arith.addi %multiple_of3A, %add3A_29 : i32
    %get3A_31 = arith.constant 0 : index
    %get3A_32 = arith.constant 0 : index
    %get3A_33 = arith.index_cast %add3A_30 : i32 to index
    %get3A_34 = vector.load %arg3[%get3A_31, %get3A_32, %get3A_33] : memref<1x3x4096xf32, #tpu.memory_space<vmem>>, vector<1x3x128xf32>
    %get3A_35 = vector.shape_cast %get3A_34 : vector<1x3x128xf32> to vector<3x128xf32>
    %add3A_36 = arith.constant 384 : i32
    %add3A_37 = arith.addi %multiple_of3A, %add3A_36 : i32
    %get3A_38 = arith.constant 0 : index
    %get3A_39 = arith.constant 0 : index
    %get3A_40 = arith.index_cast %add3A_37 : i32 to index
    %get3A_41 = vector.load %arg3[%get3A_38, %get3A_39, %get3A_40] : memref<1x3x4096xf32, #tpu.memory_space<vmem>>, vector<1x3x128xf32>
    %get3A_42 = vector.shape_cast %get3A_41 : vector<1x3x128xf32> to vector<3x128xf32>
    %slice3A_43 = vector.extract_strided_slice %get3A_14 {offsets = [0, 0], sizes = [1, 128], strides = [1, 1]} : vector<3x128xf32> to vector<1x128xf32>
    %sub3A_44 = vector.broadcast %slice3A : vector<512x1xf32> to vector<512x128xf32>
    %sub3A_45 = vector.broadcast %slice3A_43 : vector<1x128xf32> to vector<512x128xf32>
    %sub3A_46 = arith.subf %sub3A_44, %sub3A_45 : vector<512x128xf32>
    %slice3A_47 = vector.extract_strided_slice %get3A_14 {offsets = [1, 0], sizes = [1, 128], strides = [1, 1]} : vector<3x128xf32> to vector<1x128xf32>
    %sub3A_48 = vector.broadcast %slice3A_4 : vector<512x1xf32> to vector<512x128xf32>
    %sub3A_49 = vector.broadcast %slice3A_47 : vector<1x128xf32> to vector<512x128xf32>
    %sub3A_50 = arith.subf %sub3A_48, %sub3A_49 : vector<512x128xf32>
    %slice3A_51 = vector.extract_strided_slice %get3A_14 {offsets = [2, 0], sizes = [1, 128], strides = [1, 1]} : vector<3x128xf32> to vector<1x128xf32>
    %sub3A_52 = vector.broadcast %slice3A_5 : vector<512x1xf32> to vector<512x128xf32>
    %sub3A_53 = vector.broadcast %slice3A_51 : vector<1x128xf32> to vector<512x128xf32>
    %sub3A_54 = arith.subf %sub3A_52, %sub3A_53 : vector<512x128xf32>
    %mul3A_55 = arith.mulf %sub3A_46, %sub3A_46 : vector<512x128xf32>
    %mul3A_56 = arith.mulf %sub3A_50, %sub3A_50 : vector<512x128xf32>
    %add3A_57 = arith.addf %mul3A_55, %mul3A_56 : vector<512x128xf32>
    %mul3A_58 = arith.mulf %sub3A_54, %sub3A_54 : vector<512x128xf32>
    %add3A_59 = arith.addf %add3A_57, %mul3A_58 : vector<512x128xf32>
    %slice3A_60 = vector.extract_strided_slice %get3A_28 {offsets = [0, 0], sizes = [1, 128], strides = [1, 1]} : vector<3x128xf32> to vector<1x128xf32>
    %sub3A_61 = vector.broadcast %slice3A : vector<512x1xf32> to vector<512x128xf32>
    %sub3A_62 = vector.broadcast %slice3A_60 : vector<1x128xf32> to vector<512x128xf32>
    %sub3A_63 = arith.subf %sub3A_61, %sub3A_62 : vector<512x128xf32>
    %slice3A_64 = vector.extract_strided_slice %get3A_28 {offsets = [1, 0], sizes = [1, 128], strides = [1, 1]} : vector<3x128xf32> to vector<1x128xf32>
    %sub3A_65 = vector.broadcast %slice3A_4 : vector<512x1xf32> to vector<512x128xf32>
    %sub3A_66 = vector.broadcast %slice3A_64 : vector<1x128xf32> to vector<512x128xf32>
    %sub3A_67 = arith.subf %sub3A_65, %sub3A_66 : vector<512x128xf32>
    %slice3A_68 = vector.extract_strided_slice %get3A_28 {offsets = [2, 0], sizes = [1, 128], strides = [1, 1]} : vector<3x128xf32> to vector<1x128xf32>
    %sub3A_69 = vector.broadcast %slice3A_5 : vector<512x1xf32> to vector<512x128xf32>
    %sub3A_70 = vector.broadcast %slice3A_68 : vector<1x128xf32> to vector<512x128xf32>
    %sub3A_71 = arith.subf %sub3A_69, %sub3A_70 : vector<512x128xf32>
    %mul3A_72 = arith.mulf %sub3A_63, %sub3A_63 : vector<512x128xf32>
    %mul3A_73 = arith.mulf %sub3A_67, %sub3A_67 : vector<512x128xf32>
    %add3A_74 = arith.addf %mul3A_72, %mul3A_73 : vector<512x128xf32>
    %mul3A_75 = arith.mulf %sub3A_71, %sub3A_71 : vector<512x128xf32>
    %add3A_76 = arith.addf %add3A_74, %mul3A_75 : vector<512x128xf32>
    %slice3A_77 = vector.extract_strided_slice %get3A_35 {offsets = [0, 0], sizes = [1, 128], strides = [1, 1]} : vector<3x128xf32> to vector<1x128xf32>
    %sub3A_78 = vector.broadcast %slice3A : vector<512x1xf32> to vector<512x128xf32>
    %sub3A_79 = vector.broadcast %slice3A_77 : vector<1x128xf32> to vector<512x128xf32>
    %sub3A_80 = arith.subf %sub3A_78, %sub3A_79 : vector<512x128xf32>
    %slice3A_81 = vector.extract_strided_slice %get3A_35 {offsets = [1, 0], sizes = [1, 128], strides = [1, 1]} : vector<3x128xf32> to vector<1x128xf32>
    %sub3A_82 = vector.broadcast %slice3A_4 : vector<512x1xf32> to vector<512x128xf32>
    %sub3A_83 = vector.broadcast %slice3A_81 : vector<1x128xf32> to vector<512x128xf32>
    %sub3A_84 = arith.subf %sub3A_82, %sub3A_83 : vector<512x128xf32>
    %slice3A_85 = vector.extract_strided_slice %get3A_35 {offsets = [2, 0], sizes = [1, 128], strides = [1, 1]} : vector<3x128xf32> to vector<1x128xf32>
    %sub3A_86 = vector.broadcast %slice3A_5 : vector<512x1xf32> to vector<512x128xf32>
    %sub3A_87 = vector.broadcast %slice3A_85 : vector<1x128xf32> to vector<512x128xf32>
    %sub3A_88 = arith.subf %sub3A_86, %sub3A_87 : vector<512x128xf32>
    %mul3A_89 = arith.mulf %sub3A_80, %sub3A_80 : vector<512x128xf32>
    %mul3A_90 = arith.mulf %sub3A_84, %sub3A_84 : vector<512x128xf32>
    %add3A_91 = arith.addf %mul3A_89, %mul3A_90 : vector<512x128xf32>
    %mul3A_92 = arith.mulf %sub3A_88, %sub3A_88 : vector<512x128xf32>
    %add3A_93 = arith.addf %add3A_91, %mul3A_92 : vector<512x128xf32>
    %slice3A_94 = vector.extract_strided_slice %get3A_42 {offsets = [0, 0], sizes = [1, 128], strides = [1, 1]} : vector<3x128xf32> to vector<1x128xf32>
    %sub3A_95 = vector.broadcast %slice3A : vector<512x1xf32> to vector<512x128xf32>
    %sub3A_96 = vector.broadcast %slice3A_94 : vector<1x128xf32> to vector<512x128xf32>
    %sub3A_97 = arith.subf %sub3A_95, %sub3A_96 : vector<512x128xf32>
    %slice3A_98 = vector.extract_strided_slice %get3A_42 {offsets = [1, 0], sizes = [1, 128], strides = [1, 1]} : vector<3x128xf32> to vector<1x128xf32>
    %sub3A_99 = vector.broadcast %slice3A_4 : vector<512x1xf32> to vector<512x128xf32>
    %sub3A_100 = vector.broadcast %slice3A_98 : vector<1x128xf32> to vector<512x128xf32>
    %sub3A_101 = arith.subf %sub3A_99, %sub3A_100 : vector<512x128xf32>
    %slice3A_102 = vector.extract_strided_slice %get3A_42 {offsets = [2, 0], sizes = [1, 128], strides = [1, 1]} : vector<3x128xf32> to vector<1x128xf32>
    %sub3A_103 = vector.broadcast %slice3A_5 : vector<512x1xf32> to vector<512x128xf32>
    %sub3A_104 = vector.broadcast %slice3A_102 : vector<1x128xf32> to vector<512x128xf32>
    %sub3A_105 = arith.subf %sub3A_103, %sub3A_104 : vector<512x128xf32>
    %mul3A_106 = arith.mulf %sub3A_97, %sub3A_97 : vector<512x128xf32>
    %mul3A_107 = arith.mulf %sub3A_101, %sub3A_101 : vector<512x128xf32>
    %add3A_108 = arith.addf %mul3A_106, %mul3A_107 : vector<512x128xf32>
    %mul3A_109 = arith.mulf %sub3A_105, %sub3A_105 : vector<512x128xf32>
    %add3A_110 = arith.addf %add3A_108, %mul3A_109 : vector<512x128xf32>
    %min3A_111 = arith.minimumf %add3A_59, %add3A_76 : vector<512x128xf32>
    %max3A_112 = arith.maximumf %add3A_59, %add3A_76 : vector<512x128xf32>
    %min3A_113 = arith.minimumf %add3A_93, %add3A_110 : vector<512x128xf32>
    %max3A_114 = arith.maximumf %add3A_93, %add3A_110 : vector<512x128xf32>
    %min3A_115 = arith.minimumf %min3A_111, %min3A_113 : vector<512x128xf32>
    %max3A_116 = arith.maximumf %min3A_111, %min3A_113 : vector<512x128xf32>
    %min3A_117 = arith.minimumf %max3A_112, %max3A_114 : vector<512x128xf32>
    %min3A_118 = arith.minimumf %max3A_116, %min3A_117 : vector<512x128xf32>
    %max3A_119 = arith.maximumf %max3A_116, %min3A_117 : vector<512x128xf32>
    %add3A_120 = arith.constant 512 : i32
    %add3A_121 = arith.addi %multiple_of3A, %add3A_120 : i32
    %get3A_122 = arith.constant 0 : index
    %get3A_123 = arith.constant 0 : index
    %get3A_124 = arith.index_cast %add3A_121 : i32 to index
    %get3A_125 = vector.load %arg3[%get3A_122, %get3A_123, %get3A_124] : memref<1x3x4096xf32, #tpu.memory_space<vmem>>, vector<1x3x128xf32>
    %get3A_126 = vector.shape_cast %get3A_125 : vector<1x3x128xf32> to vector<3x128xf32>
    %add3A_127 = arith.constant 640 : i32
    %add3A_128 = arith.addi %multiple_of3A, %add3A_127 : i32
    %get3A_129 = arith.constant 0 : index
    %get3A_130 = arith.constant 0 : index
    %get3A_131 = arith.index_cast %add3A_128 : i32 to index
    %get3A_132 = vector.load %arg3[%get3A_129, %get3A_130, %get3A_131] : memref<1x3x4096xf32, #tpu.memory_space<vmem>>, vector<1x3x128xf32>
    %get3A_133 = vector.shape_cast %get3A_132 : vector<1x3x128xf32> to vector<3x128xf32>
    %add3A_134 = arith.constant 768 : i32
    %add3A_135 = arith.addi %multiple_of3A, %add3A_134 : i32
    %get3A_136 = arith.constant 0 : index
    %get3A_137 = arith.constant 0 : index
    %get3A_138 = arith.index_cast %add3A_135 : i32 to index
    %get3A_139 = vector.load %arg3[%get3A_136, %get3A_137, %get3A_138] : memref<1x3x4096xf32, #tpu.memory_space<vmem>>, vector<1x3x128xf32>
    %get3A_140 = vector.shape_cast %get3A_139 : vector<1x3x128xf32> to vector<3x128xf32>
    %add3A_141 = arith.constant 896 : i32
    %add3A_142 = arith.addi %multiple_of3A, %add3A_141 : i32
    %get3A_143 = arith.constant 0 : index
    %get3A_144 = arith.constant 0 : index
    %get3A_145 = arith.index_cast %add3A_142 : i32 to index
    %get3A_146 = vector.load %arg3[%get3A_143, %get3A_144, %get3A_145] : memref<1x3x4096xf32, #tpu.memory_space<vmem>>, vector<1x3x128xf32>
    %get3A_147 = vector.shape_cast %get3A_146 : vector<1x3x128xf32> to vector<3x128xf32>
    %slice3A_148 = vector.extract_strided_slice %get3A_126 {offsets = [0, 0], sizes = [1, 128], strides = [1, 1]} : vector<3x128xf32> to vector<1x128xf32>
    %sub3A_149 = vector.broadcast %slice3A : vector<512x1xf32> to vector<512x128xf32>
    %sub3A_150 = vector.broadcast %slice3A_148 : vector<1x128xf32> to vector<512x128xf32>
    %sub3A_151 = arith.subf %sub3A_149, %sub3A_150 : vector<512x128xf32>
    %slice3A_152 = vector.extract_strided_slice %get3A_126 {offsets = [1, 0], sizes = [1, 128], strides = [1, 1]} : vector<3x128xf32> to vector<1x128xf32>
    %sub3A_153 = vector.broadcast %slice3A_4 : vector<512x1xf32> to vector<512x128xf32>
    %sub3A_154 = vector.broadcast %slice3A_152 : vector<1x128xf32> to vector<512x128xf32>
    %sub3A_155 = arith.subf %sub3A_153, %sub3A_154 : vector<512x128xf32>
    %slice3A_156 = vector.extract_strided_slice %get3A_126 {offsets = [2, 0], sizes = [1, 128], strides = [1, 1]} : vector<3x128xf32> to vector<1x128xf32>
    %sub3A_157 = vector.broadcast %slice3A_5 : vector<512x1xf32> to vector<512x128xf32>
    %sub3A_158 = vector.broadcast %slice3A_156 : vector<1x128xf32> to vector<512x128xf32>
    %sub3A_159 = arith.subf %sub3A_157, %sub3A_158 : vector<512x128xf32>
    %mul3A_160 = arith.mulf %sub3A_151, %sub3A_151 : vector<512x128xf32>
    %mul3A_161 = arith.mulf %sub3A_155, %sub3A_155 : vector<512x128xf32>
    %add3A_162 = arith.addf %mul3A_160, %mul3A_161 : vector<512x128xf32>
    %mul3A_163 = arith.mulf %sub3A_159, %sub3A_159 : vector<512x128xf32>
    %add3A_164 = arith.addf %add3A_162, %mul3A_163 : vector<512x128xf32>
    %slice3A_165 = vector.extract_strided_slice %get3A_133 {offsets = [0, 0], sizes = [1, 128], strides = [1, 1]} : vector<3x128xf32> to vector<1x128xf32>
    %sub3A_166 = vector.broadcast %slice3A : vector<512x1xf32> to vector<512x128xf32>
    %sub3A_167 = vector.broadcast %slice3A_165 : vector<1x128xf32> to vector<512x128xf32>
    %sub3A_168 = arith.subf %sub3A_166, %sub3A_167 : vector<512x128xf32>
    %slice3A_169 = vector.extract_strided_slice %get3A_133 {offsets = [1, 0], sizes = [1, 128], strides = [1, 1]} : vector<3x128xf32> to vector<1x128xf32>
    %sub3A_170 = vector.broadcast %slice3A_4 : vector<512x1xf32> to vector<512x128xf32>
    %sub3A_171 = vector.broadcast %slice3A_169 : vector<1x128xf32> to vector<512x128xf32>
    %sub3A_172 = arith.subf %sub3A_170, %sub3A_171 : vector<512x128xf32>
    %slice3A_173 = vector.extract_strided_slice %get3A_133 {offsets = [2, 0], sizes = [1, 128], strides = [1, 1]} : vector<3x128xf32> to vector<1x128xf32>
    %sub3A_174 = vector.broadcast %slice3A_5 : vector<512x1xf32> to vector<512x128xf32>
    %sub3A_175 = vector.broadcast %slice3A_173 : vector<1x128xf32> to vector<512x128xf32>
    %sub3A_176 = arith.subf %sub3A_174, %sub3A_175 : vector<512x128xf32>
    %mul3A_177 = arith.mulf %sub3A_168, %sub3A_168 : vector<512x128xf32>
    %mul3A_178 = arith.mulf %sub3A_172, %sub3A_172 : vector<512x128xf32>
    %add3A_179 = arith.addf %mul3A_177, %mul3A_178 : vector<512x128xf32>
    %mul3A_180 = arith.mulf %sub3A_176, %sub3A_176 : vector<512x128xf32>
    %add3A_181 = arith.addf %add3A_179, %mul3A_180 : vector<512x128xf32>
    %slice3A_182 = vector.extract_strided_slice %get3A_140 {offsets = [0, 0], sizes = [1, 128], strides = [1, 1]} : vector<3x128xf32> to vector<1x128xf32>
    %sub3A_183 = vector.broadcast %slice3A : vector<512x1xf32> to vector<512x128xf32>
    %sub3A_184 = vector.broadcast %slice3A_182 : vector<1x128xf32> to vector<512x128xf32>
    %sub3A_185 = arith.subf %sub3A_183, %sub3A_184 : vector<512x128xf32>
    %slice3A_186 = vector.extract_strided_slice %get3A_140 {offsets = [1, 0], sizes = [1, 128], strides = [1, 1]} : vector<3x128xf32> to vector<1x128xf32>
    %sub3A_187 = vector.broadcast %slice3A_4 : vector<512x1xf32> to vector<512x128xf32>
    %sub3A_188 = vector.broadcast %slice3A_186 : vector<1x128xf32> to vector<512x128xf32>
    %sub3A_189 = arith.subf %sub3A_187, %sub3A_188 : vector<512x128xf32>
    %slice3A_190 = vector.extract_strided_slice %get3A_140 {offsets = [2, 0], sizes = [1, 128], strides = [1, 1]} : vector<3x128xf32> to vector<1x128xf32>
    %sub3A_191 = vector.broadcast %slice3A_5 : vector<512x1xf32> to vector<512x128xf32>
    %sub3A_192 = vector.broadcast %slice3A_190 : vector<1x128xf32> to vector<512x128xf32>
    %sub3A_193 = arith.subf %sub3A_191, %sub3A_192 : vector<512x128xf32>
    %mul3A_194 = arith.mulf %sub3A_185, %sub3A_185 : vector<512x128xf32>
    %mul3A_195 = arith.mulf %sub3A_189, %sub3A_189 : vector<512x128xf32>
    %add3A_196 = arith.addf %mul3A_194, %mul3A_195 : vector<512x128xf32>
    %mul3A_197 = arith.mulf %sub3A_193, %sub3A_193 : vector<512x128xf32>
    %add3A_198 = arith.addf %add3A_196, %mul3A_197 : vector<512x128xf32>
    %slice3A_199 = vector.extract_strided_slice %get3A_147 {offsets = [0, 0], sizes = [1, 128], strides = [1, 1]} : vector<3x128xf32> to vector<1x128xf32>
    %sub3A_200 = vector.broadcast %slice3A : vector<512x1xf32> to vector<512x128xf32>
    %sub3A_201 = vector.broadcast %slice3A_199 : vector<1x128xf32> to vector<512x128xf32>
    %sub3A_202 = arith.subf %sub3A_200, %sub3A_201 : vector<512x128xf32>
    %slice3A_203 = vector.extract_strided_slice %get3A_147 {offsets = [1, 0], sizes = [1, 128], strides = [1, 1]} : vector<3x128xf32> to vector<1x128xf32>
    %sub3A_204 = vector.broadcast %slice3A_4 : vector<512x1xf32> to vector<512x128xf32>
    %sub3A_205 = vector.broadcast %slice3A_203 : vector<1x128xf32> to vector<512x128xf32>
    %sub3A_206 = arith.subf %sub3A_204, %sub3A_205 : vector<512x128xf32>
    %slice3A_207 = vector.extract_strided_slice %get3A_147 {offsets = [2, 0], sizes = [1, 128], strides = [1, 1]} : vector<3x128xf32> to vector<1x128xf32>
    %sub3A_208 = vector.broadcast %slice3A_5 : vector<512x1xf32> to vector<512x128xf32>
    %sub3A_209 = vector.broadcast %slice3A_207 : vector<1x128xf32> to vector<512x128xf32>
    %sub3A_210 = arith.subf %sub3A_208, %sub3A_209 : vector<512x128xf32>
    %mul3A_211 = arith.mulf %sub3A_202, %sub3A_202 : vector<512x128xf32>
    %mul3A_212 = arith.mulf %sub3A_206, %sub3A_206 : vector<512x128xf32>
    %add3A_213 = arith.addf %mul3A_211, %mul3A_212 : vector<512x128xf32>
    %mul3A_214 = arith.mulf %sub3A_210, %sub3A_210 : vector<512x128xf32>
    %add3A_215 = arith.addf %add3A_213, %mul3A_214 : vector<512x128xf32>
    %min3A_216 = arith.minimumf %add3A_164, %add3A_181 : vector<512x128xf32>
    %max3A_217 = arith.maximumf %add3A_164, %add3A_181 : vector<512x128xf32>
    %min3A_218 = arith.minimumf %add3A_198, %add3A_215 : vector<512x128xf32>
    %max3A_219 = arith.maximumf %add3A_198, %add3A_215 : vector<512x128xf32>
    %min3A_220 = arith.minimumf %min3A_216, %min3A_218 : vector<512x128xf32>
    %max3A_221 = arith.maximumf %min3A_216, %min3A_218 : vector<512x128xf32>
    %min3A_222 = arith.minimumf %max3A_217, %max3A_219 : vector<512x128xf32>
    %min3A_223 = arith.minimumf %max3A_221, %min3A_222 : vector<512x128xf32>
    %max3A_224 = arith.maximumf %max3A_221, %min3A_222 : vector<512x128xf32>
    %min3A_225 = arith.minimumf %min3A_115, %max3A_224 : vector<512x128xf32>
    %min3A_226 = arith.minimumf %min3A_118, %min3A_223 : vector<512x128xf32>
    %min3A_227 = arith.minimumf %max3A_119, %min3A_220 : vector<512x128xf32>
    %min3A_228 = arith.minimumf %min3A_225, %min3A_226 : vector<512x128xf32>
    %max3A_229 = arith.maximumf %min3A_225, %min3A_226 : vector<512x128xf32>
    %min3A_230 = arith.minimumf %min3A_228, %min3A_227 : vector<512x128xf32>
    %max3A_231 = arith.maximumf %min3A_228, %min3A_227 : vector<512x128xf32>
    %min3A_232 = arith.minimumf %max3A_229, %max3A_231 : vector<512x128xf32>
    %max3A_233 = arith.maximumf %max3A_229, %max3A_231 : vector<512x128xf32>
    %add3A_234 = arith.constant 1024 : i32
    %add3A_235 = arith.addi %multiple_of3A, %add3A_234 : i32
    %get3A_236 = arith.constant 0 : index
    %get3A_237 = arith.constant 0 : index
    %get3A_238 = arith.index_cast %add3A_235 : i32 to index
    %get3A_239 = vector.load %arg3[%get3A_236, %get3A_237, %get3A_238] : memref<1x3x4096xf32, #tpu.memory_space<vmem>>, vector<1x3x128xf32>
    %get3A_240 = vector.shape_cast %get3A_239 : vector<1x3x128xf32> to vector<3x128xf32>
    %add3A_241 = arith.constant 1152 : i32
    %add3A_242 = arith.addi %multiple_of3A, %add3A_241 : i32
    %get3A_243 = arith.constant 0 : index
    %get3A_244 = arith.constant 0 : index
    %get3A_245 = arith.index_cast %add3A_242 : i32 to index
    %get3A_246 = vector.load %arg3[%get3A_243, %get3A_244, %get3A_245] : memref<1x3x4096xf32, #tpu.memory_space<vmem>>, vector<1x3x128xf32>
    %get3A_247 = vector.shape_cast %get3A_246 : vector<1x3x128xf32> to vector<3x128xf32>
    %add3A_248 = arith.constant 1280 : i32
    %add3A_249 = arith.addi %multiple_of3A, %add3A_248 : i32
    %get3A_250 = arith.constant 0 : index
    %get3A_251 = arith.constant 0 : index
    %get3A_252 = arith.index_cast %add3A_249 : i32 to index
    %get3A_253 = vector.load %arg3[%get3A_250, %get3A_251, %get3A_252] : memref<1x3x4096xf32, #tpu.memory_space<vmem>>, vector<1x3x128xf32>
    %get3A_254 = vector.shape_cast %get3A_253 : vector<1x3x128xf32> to vector<3x128xf32>
    %add3A_255 = arith.constant 1408 : i32
    %add3A_256 = arith.addi %multiple_of3A, %add3A_255 : i32
    %get3A_257 = arith.constant 0 : index
    %get3A_258 = arith.constant 0 : index
    %get3A_259 = arith.index_cast %add3A_256 : i32 to index
    %get3A_260 = vector.load %arg3[%get3A_257, %get3A_258, %get3A_259] : memref<1x3x4096xf32, #tpu.memory_space<vmem>>, vector<1x3x128xf32>
    %get3A_261 = vector.shape_cast %get3A_260 : vector<1x3x128xf32> to vector<3x128xf32>
    %slice3A_262 = vector.extract_strided_slice %get3A_240 {offsets = [0, 0], sizes = [1, 128], strides = [1, 1]} : vector<3x128xf32> to vector<1x128xf32>
    %sub3A_263 = vector.broadcast %slice3A : vector<512x1xf32> to vector<512x128xf32>
    %sub3A_264 = vector.broadcast %slice3A_262 : vector<1x128xf32> to vector<512x128xf32>
    %sub3A_265 = arith.subf %sub3A_263, %sub3A_264 : vector<512x128xf32>
    %slice3A_266 = vector.extract_strided_slice %get3A_240 {offsets = [1, 0], sizes = [1, 128], strides = [1, 1]} : vector<3x128xf32> to vector<1x128xf32>
    %sub3A_267 = vector.broadcast %slice3A_4 : vector<512x1xf32> to vector<512x128xf32>
    %sub3A_268 = vector.broadcast %slice3A_266 : vector<1x128xf32> to vector<512x128xf32>
    %sub3A_269 = arith.subf %sub3A_267, %sub3A_268 : vector<512x128xf32>
    %slice3A_270 = vector.extract_strided_slice %get3A_240 {offsets = [2, 0], sizes = [1, 128], strides = [1, 1]} : vector<3x128xf32> to vector<1x128xf32>
    %sub3A_271 = vector.broadcast %slice3A_5 : vector<512x1xf32> to vector<512x128xf32>
    %sub3A_272 = vector.broadcast %slice3A_270 : vector<1x128xf32> to vector<512x128xf32>
    %sub3A_273 = arith.subf %sub3A_271, %sub3A_272 : vector<512x128xf32>
    %mul3A_274 = arith.mulf %sub3A_265, %sub3A_265 : vector<512x128xf32>
    %mul3A_275 = arith.mulf %sub3A_269, %sub3A_269 : vector<512x128xf32>
    %add3A_276 = arith.addf %mul3A_274, %mul3A_275 : vector<512x128xf32>
    %mul3A_277 = arith.mulf %sub3A_273, %sub3A_273 : vector<512x128xf32>
    %add3A_278 = arith.addf %add3A_276, %mul3A_277 : vector<512x128xf32>
    %slice3A_279 = vector.extract_strided_slice %get3A_247 {offsets = [0, 0], sizes = [1, 128], strides = [1, 1]} : vector<3x128xf32> to vector<1x128xf32>
    %sub3A_280 = vector.broadcast %slice3A : vector<512x1xf32> to vector<512x128xf32>
    %sub3A_281 = vector.broadcast %slice3A_279 : vector<1x128xf32> to vector<512x128xf32>
    %sub3A_282 = arith.subf %sub3A_280, %sub3A_281 : vector<512x128xf32>
    %slice3A_283 = vector.extract_strided_slice %get3A_247 {offsets = [1, 0], sizes = [1, 128], strides = [1, 1]} : vector<3x128xf32> to vector<1x128xf32>
    %sub3A_284 = vector.broadcast %slice3A_4 : vector<512x1xf32> to vector<512x128xf32>
    %sub3A_285 = vector.broadcast %slice3A_283 : vector<1x128xf32> to vector<512x128xf32>
    %sub3A_286 = arith.subf %sub3A_284, %sub3A_285 : vector<512x128xf32>
    %slice3A_287 = vector.extract_strided_slice %get3A_247 {offsets = [2, 0], sizes = [1, 128], strides = [1, 1]} : vector<3x128xf32> to vector<1x128xf32>
    %sub3A_288 = vector.broadcast %slice3A_5 : vector<512x1xf32> to vector<512x128xf32>
    %sub3A_289 = vector.broadcast %slice3A_287 : vector<1x128xf32> to vector<512x128xf32>
    %sub3A_290 = arith.subf %sub3A_288, %sub3A_289 : vector<512x128xf32>
    %mul3A_291 = arith.mulf %sub3A_282, %sub3A_282 : vector<512x128xf32>
    %mul3A_292 = arith.mulf %sub3A_286, %sub3A_286 : vector<512x128xf32>
    %add3A_293 = arith.addf %mul3A_291, %mul3A_292 : vector<512x128xf32>
    %mul3A_294 = arith.mulf %sub3A_290, %sub3A_290 : vector<512x128xf32>
    %add3A_295 = arith.addf %add3A_293, %mul3A_294 : vector<512x128xf32>
    %slice3A_296 = vector.extract_strided_slice %get3A_254 {offsets = [0, 0], sizes = [1, 128], strides = [1, 1]} : vector<3x128xf32> to vector<1x128xf32>
    %sub3A_297 = vector.broadcast %slice3A : vector<512x1xf32> to vector<512x128xf32>
    %sub3A_298 = vector.broadcast %slice3A_296 : vector<1x128xf32> to vector<512x128xf32>
    %sub3A_299 = arith.subf %sub3A_297, %sub3A_298 : vector<512x128xf32>
    %slice3A_300 = vector.extract_strided_slice %get3A_254 {offsets = [1, 0], sizes = [1, 128], strides = [1, 1]} : vector<3x128xf32> to vector<1x128xf32>
    %sub3A_301 = vector.broadcast %slice3A_4 : vector<512x1xf32> to vector<512x128xf32>
    %sub3A_302 = vector.broadcast %slice3A_300 : vector<1x128xf32> to vector<512x128xf32>
    %sub3A_303 = arith.subf %sub3A_301, %sub3A_302 : vector<512x128xf32>
    %slice3A_304 = vector.extract_strided_slice %get3A_254 {offsets = [2, 0], sizes = [1, 128], strides = [1, 1]} : vector<3x128xf32> to vector<1x128xf32>
    %sub3A_305 = vector.broadcast %slice3A_5 : vector<512x1xf32> to vector<512x128xf32>
    %sub3A_306 = vector.broadcast %slice3A_304 : vector<1x128xf32> to vector<512x128xf32>
    %sub3A_307 = arith.subf %sub3A_305, %sub3A_306 : vector<512x128xf32>
    %mul3A_308 = arith.mulf %sub3A_299, %sub3A_299 : vector<512x128xf32>
    %mul3A_309 = arith.mulf %sub3A_303, %sub3A_303 : vector<512x128xf32>
    %add3A_310 = arith.addf %mul3A_308, %mul3A_309 : vector<512x128xf32>
    %mul3A_311 = arith.mulf %sub3A_307, %sub3A_307 : vector<512x128xf32>
    %add3A_312 = arith.addf %add3A_310, %mul3A_311 : vector<512x128xf32>
    %slice3A_313 = vector.extract_strided_slice %get3A_261 {offsets = [0, 0], sizes = [1, 128], strides = [1, 1]} : vector<3x128xf32> to vector<1x128xf32>
    %sub3A_314 = vector.broadcast %slice3A : vector<512x1xf32> to vector<512x128xf32>
    %sub3A_315 = vector.broadcast %slice3A_313 : vector<1x128xf32> to vector<512x128xf32>
    %sub3A_316 = arith.subf %sub3A_314, %sub3A_315 : vector<512x128xf32>
    %slice3A_317 = vector.extract_strided_slice %get3A_261 {offsets = [1, 0], sizes = [1, 128], strides = [1, 1]} : vector<3x128xf32> to vector<1x128xf32>
    %sub3A_318 = vector.broadcast %slice3A_4 : vector<512x1xf32> to vector<512x128xf32>
    %sub3A_319 = vector.broadcast %slice3A_317 : vector<1x128xf32> to vector<512x128xf32>
    %sub3A_320 = arith.subf %sub3A_318, %sub3A_319 : vector<512x128xf32>
    %slice3A_321 = vector.extract_strided_slice %get3A_261 {offsets = [2, 0], sizes = [1, 128], strides = [1, 1]} : vector<3x128xf32> to vector<1x128xf32>
    %sub3A_322 = vector.broadcast %slice3A_5 : vector<512x1xf32> to vector<512x128xf32>
    %sub3A_323 = vector.broadcast %slice3A_321 : vector<1x128xf32> to vector<512x128xf32>
    %sub3A_324 = arith.subf %sub3A_322, %sub3A_323 : vector<512x128xf32>
    %mul3A_325 = arith.mulf %sub3A_316, %sub3A_316 : vector<512x128xf32>
    %mul3A_326 = arith.mulf %sub3A_320, %sub3A_320 : vector<512x128xf32>
    %add3A_327 = arith.addf %mul3A_325, %mul3A_326 : vector<512x128xf32>
    %mul3A_328 = arith.mulf %sub3A_324, %sub3A_324 : vector<512x128xf32>
    %add3A_329 = arith.addf %add3A_327, %mul3A_328 : vector<512x128xf32>
    %min3A_330 = arith.minimumf %add3A_278, %add3A_295 : vector<512x128xf32>
    %max3A_331 = arith.maximumf %add3A_278, %add3A_295 : vector<512x128xf32>
    %min3A_332 = arith.minimumf %add3A_312, %add3A_329 : vector<512x128xf32>
    %max3A_333 = arith.maximumf %add3A_312, %add3A_329 : vector<512x128xf32>
    %min3A_334 = arith.minimumf %min3A_330, %min3A_332 : vector<512x128xf32>
    %max3A_335 = arith.maximumf %min3A_330, %min3A_332 : vector<512x128xf32>
    %min3A_336 = arith.minimumf %max3A_331, %max3A_333 : vector<512x128xf32>
    %min3A_337 = arith.minimumf %max3A_335, %min3A_336 : vector<512x128xf32>
    %max3A_338 = arith.maximumf %max3A_335, %min3A_336 : vector<512x128xf32>
    %min3A_339 = arith.minimumf %min3A_230, %max3A_338 : vector<512x128xf32>
    %min3A_340 = arith.minimumf %min3A_232, %min3A_337 : vector<512x128xf32>
    %min3A_341 = arith.minimumf %max3A_233, %min3A_334 : vector<512x128xf32>
    %min3A_342 = arith.minimumf %min3A_339, %min3A_340 : vector<512x128xf32>
    %max3A_343 = arith.maximumf %min3A_339, %min3A_340 : vector<512x128xf32>
    %min3A_344 = arith.minimumf %min3A_342, %min3A_341 : vector<512x128xf32>
    %max3A_345 = arith.maximumf %min3A_342, %min3A_341 : vector<512x128xf32>
    %min3A_346 = arith.minimumf %max3A_343, %max3A_345 : vector<512x128xf32>
    %max3A_347 = arith.maximumf %max3A_343, %max3A_345 : vector<512x128xf32>
    %add3A_348 = arith.constant 1536 : i32
    %add3A_349 = arith.addi %multiple_of3A, %add3A_348 : i32
    %get3A_350 = arith.constant 0 : index
    %get3A_351 = arith.constant 0 : index
    %get3A_352 = arith.index_cast %add3A_349 : i32 to index
    %get3A_353 = vector.load %arg3[%get3A_350, %get3A_351, %get3A_352] : memref<1x3x4096xf32, #tpu.memory_space<vmem>>, vector<1x3x128xf32>
    %get3A_354 = vector.shape_cast %get3A_353 : vector<1x3x128xf32> to vector<3x128xf32>
    %add3A_355 = arith.constant 1664 : i32
    %add3A_356 = arith.addi %multiple_of3A, %add3A_355 : i32
    %get3A_357 = arith.constant 0 : index
    %get3A_358 = arith.constant 0 : index
    %get3A_359 = arith.index_cast %add3A_356 : i32 to index
    %get3A_360 = vector.load %arg3[%get3A_357, %get3A_358, %get3A_359] : memref<1x3x4096xf32, #tpu.memory_space<vmem>>, vector<1x3x128xf32>
    %get3A_361 = vector.shape_cast %get3A_360 : vector<1x3x128xf32> to vector<3x128xf32>
    %add3A_362 = arith.constant 1792 : i32
    %add3A_363 = arith.addi %multiple_of3A, %add3A_362 : i32
    %get3A_364 = arith.constant 0 : index
    %get3A_365 = arith.constant 0 : index
    %get3A_366 = arith.index_cast %add3A_363 : i32 to index
    %get3A_367 = vector.load %arg3[%get3A_364, %get3A_365, %get3A_366] : memref<1x3x4096xf32, #tpu.memory_space<vmem>>, vector<1x3x128xf32>
    %get3A_368 = vector.shape_cast %get3A_367 : vector<1x3x128xf32> to vector<3x128xf32>
    %add3A_369 = arith.constant 1920 : i32
    %add3A_370 = arith.addi %multiple_of3A, %add3A_369 : i32
    %get3A_371 = arith.constant 0 : index
    %get3A_372 = arith.constant 0 : index
    %get3A_373 = arith.index_cast %add3A_370 : i32 to index
    %get3A_374 = vector.load %arg3[%get3A_371, %get3A_372, %get3A_373] : memref<1x3x4096xf32, #tpu.memory_space<vmem>>, vector<1x3x128xf32>
    %get3A_375 = vector.shape_cast %get3A_374 : vector<1x3x128xf32> to vector<3x128xf32>
    %slice3A_376 = vector.extract_strided_slice %get3A_354 {offsets = [0, 0], sizes = [1, 128], strides = [1, 1]} : vector<3x128xf32> to vector<1x128xf32>
    %sub3A_377 = vector.broadcast %slice3A : vector<512x1xf32> to vector<512x128xf32>
    %sub3A_378 = vector.broadcast %slice3A_376 : vector<1x128xf32> to vector<512x128xf32>
    %sub3A_379 = arith.subf %sub3A_377, %sub3A_378 : vector<512x128xf32>
    %slice3A_380 = vector.extract_strided_slice %get3A_354 {offsets = [1, 0], sizes = [1, 128], strides = [1, 1]} : vector<3x128xf32> to vector<1x128xf32>
    %sub3A_381 = vector.broadcast %slice3A_4 : vector<512x1xf32> to vector<512x128xf32>
    %sub3A_382 = vector.broadcast %slice3A_380 : vector<1x128xf32> to vector<512x128xf32>
    %sub3A_383 = arith.subf %sub3A_381, %sub3A_382 : vector<512x128xf32>
    %slice3A_384 = vector.extract_strided_slice %get3A_354 {offsets = [2, 0], sizes = [1, 128], strides = [1, 1]} : vector<3x128xf32> to vector<1x128xf32>
    %sub3A_385 = vector.broadcast %slice3A_5 : vector<512x1xf32> to vector<512x128xf32>
    %sub3A_386 = vector.broadcast %slice3A_384 : vector<1x128xf32> to vector<512x128xf32>
    %sub3A_387 = arith.subf %sub3A_385, %sub3A_386 : vector<512x128xf32>
    %mul3A_388 = arith.mulf %sub3A_379, %sub3A_379 : vector<512x128xf32>
    %mul3A_389 = arith.mulf %sub3A_383, %sub3A_383 : vector<512x128xf32>
    %add3A_390 = arith.addf %mul3A_388, %mul3A_389 : vector<512x128xf32>
    %mul3A_391 = arith.mulf %sub3A_387, %sub3A_387 : vector<512x128xf32>
    %add3A_392 = arith.addf %add3A_390, %mul3A_391 : vector<512x128xf32>
    %slice3A_393 = vector.extract_strided_slice %get3A_361 {offsets = [0, 0], sizes = [1, 128], strides = [1, 1]} : vector<3x128xf32> to vector<1x128xf32>
    %sub3A_394 = vector.broadcast %slice3A : vector<512x1xf32> to vector<512x128xf32>
    %sub3A_395 = vector.broadcast %slice3A_393 : vector<1x128xf32> to vector<512x128xf32>
    %sub3A_396 = arith.subf %sub3A_394, %sub3A_395 : vector<512x128xf32>
    %slice3A_397 = vector.extract_strided_slice %get3A_361 {offsets = [1, 0], sizes = [1, 128], strides = [1, 1]} : vector<3x128xf32> to vector<1x128xf32>
    %sub3A_398 = vector.broadcast %slice3A_4 : vector<512x1xf32> to vector<512x128xf32>
    %sub3A_399 = vector.broadcast %slice3A_397 : vector<1x128xf32> to vector<512x128xf32>
    %sub3A_400 = arith.subf %sub3A_398, %sub3A_399 : vector<512x128xf32>
    %slice3A_401 = vector.extract_strided_slice %get3A_361 {offsets = [2, 0], sizes = [1, 128], strides = [1, 1]} : vector<3x128xf32> to vector<1x128xf32>
    %sub3A_402 = vector.broadcast %slice3A_5 : vector<512x1xf32> to vector<512x128xf32>
    %sub3A_403 = vector.broadcast %slice3A_401 : vector<1x128xf32> to vector<512x128xf32>
    %sub3A_404 = arith.subf %sub3A_402, %sub3A_403 : vector<512x128xf32>
    %mul3A_405 = arith.mulf %sub3A_396, %sub3A_396 : vector<512x128xf32>
    %mul3A_406 = arith.mulf %sub3A_400, %sub3A_400 : vector<512x128xf32>
    %add3A_407 = arith.addf %mul3A_405, %mul3A_406 : vector<512x128xf32>
    %mul3A_408 = arith.mulf %sub3A_404, %sub3A_404 : vector<512x128xf32>
    %add3A_409 = arith.addf %add3A_407, %mul3A_408 : vector<512x128xf32>
    %slice3A_410 = vector.extract_strided_slice %get3A_368 {offsets = [0, 0], sizes = [1, 128], strides = [1, 1]} : vector<3x128xf32> to vector<1x128xf32>
    %sub3A_411 = vector.broadcast %slice3A : vector<512x1xf32> to vector<512x128xf32>
    %sub3A_412 = vector.broadcast %slice3A_410 : vector<1x128xf32> to vector<512x128xf32>
    %sub3A_413 = arith.subf %sub3A_411, %sub3A_412 : vector<512x128xf32>
    %slice3A_414 = vector.extract_strided_slice %get3A_368 {offsets = [1, 0], sizes = [1, 128], strides = [1, 1]} : vector<3x128xf32> to vector<1x128xf32>
    %sub3A_415 = vector.broadcast %slice3A_4 : vector<512x1xf32> to vector<512x128xf32>
    %sub3A_416 = vector.broadcast %slice3A_414 : vector<1x128xf32> to vector<512x128xf32>
    %sub3A_417 = arith.subf %sub3A_415, %sub3A_416 : vector<512x128xf32>
    %slice3A_418 = vector.extract_strided_slice %get3A_368 {offsets = [2, 0], sizes = [1, 128], strides = [1, 1]} : vector<3x128xf32> to vector<1x128xf32>
    %sub3A_419 = vector.broadcast %slice3A_5 : vector<512x1xf32> to vector<512x128xf32>
    %sub3A_420 = vector.broadcast %slice3A_418 : vector<1x128xf32> to vector<512x128xf32>
    %sub3A_421 = arith.subf %sub3A_419, %sub3A_420 : vector<512x128xf32>
    %mul3A_422 = arith.mulf %sub3A_413, %sub3A_413 : vector<512x128xf32>
    %mul3A_423 = arith.mulf %sub3A_417, %sub3A_417 : vector<512x128xf32>
    %add3A_424 = arith.addf %mul3A_422, %mul3A_423 : vector<512x128xf32>
    %mul3A_425 = arith.mulf %sub3A_421, %sub3A_421 : vector<512x128xf32>
    %add3A_426 = arith.addf %add3A_424, %mul3A_425 : vector<512x128xf32>
    %slice3A_427 = vector.extract_strided_slice %get3A_375 {offsets = [0, 0], sizes = [1, 128], strides = [1, 1]} : vector<3x128xf32> to vector<1x128xf32>
    %sub3A_428 = vector.broadcast %slice3A : vector<512x1xf32> to vector<512x128xf32>
    %sub3A_429 = vector.broadcast %slice3A_427 : vector<1x128xf32> to vector<512x128xf32>
    %sub3A_430 = arith.subf %sub3A_428, %sub3A_429 : vector<512x128xf32>
    %slice3A_431 = vector.extract_strided_slice %get3A_375 {offsets = [1, 0], sizes = [1, 128], strides = [1, 1]} : vector<3x128xf32> to vector<1x128xf32>
    %sub3A_432 = vector.broadcast %slice3A_4 : vector<512x1xf32> to vector<512x128xf32>
    %sub3A_433 = vector.broadcast %slice3A_431 : vector<1x128xf32> to vector<512x128xf32>
    %sub3A_434 = arith.subf %sub3A_432, %sub3A_433 : vector<512x128xf32>
    %slice3A_435 = vector.extract_strided_slice %get3A_375 {offsets = [2, 0], sizes = [1, 128], strides = [1, 1]} : vector<3x128xf32> to vector<1x128xf32>
    %sub3A_436 = vector.broadcast %slice3A_5 : vector<512x1xf32> to vector<512x128xf32>
    %sub3A_437 = vector.broadcast %slice3A_435 : vector<1x128xf32> to vector<512x128xf32>
    %sub3A_438 = arith.subf %sub3A_436, %sub3A_437 : vector<512x128xf32>
    %mul3A_439 = arith.mulf %sub3A_430, %sub3A_430 : vector<512x128xf32>
    %mul3A_440 = arith.mulf %sub3A_434, %sub3A_434 : vector<512x128xf32>
    %add3A_441 = arith.addf %mul3A_439, %mul3A_440 : vector<512x128xf32>
    %mul3A_442 = arith.mulf %sub3A_438, %sub3A_438 : vector<512x128xf32>
    %add3A_443 = arith.addf %add3A_441, %mul3A_442 : vector<512x128xf32>
    %min3A_444 = arith.minimumf %add3A_392, %add3A_409 : vector<512x128xf32>
    %max3A_445 = arith.maximumf %add3A_392, %add3A_409 : vector<512x128xf32>
    %min3A_446 = arith.minimumf %add3A_426, %add3A_443 : vector<512x128xf32>
    %max3A_447 = arith.maximumf %add3A_426, %add3A_443 : vector<512x128xf32>
    %min3A_448 = arith.minimumf %min3A_444, %min3A_446 : vector<512x128xf32>
    %max3A_449 = arith.maximumf %min3A_444, %min3A_446 : vector<512x128xf32>
    %min3A_450 = arith.minimumf %max3A_445, %max3A_447 : vector<512x128xf32>
    %min3A_451 = arith.minimumf %max3A_449, %min3A_450 : vector<512x128xf32>
    %max3A_452 = arith.maximumf %max3A_449, %min3A_450 : vector<512x128xf32>
    %min3A_453 = arith.minimumf %min3A_344, %max3A_452 : vector<512x128xf32>
    %min3A_454 = arith.minimumf %min3A_346, %min3A_451 : vector<512x128xf32>
    %min3A_455 = arith.minimumf %max3A_347, %min3A_448 : vector<512x128xf32>
    %min3A_456 = arith.minimumf %min3A_453, %min3A_454 : vector<512x128xf32>
    %max3A_457 = arith.maximumf %min3A_453, %min3A_454 : vector<512x128xf32>
    %min3A_458 = arith.minimumf %min3A_456, %min3A_455 : vector<512x128xf32>
    %max3A_459 = arith.maximumf %min3A_456, %min3A_455 : vector<512x128xf32>
    %min3A_460 = arith.minimumf %max3A_457, %max3A_459 : vector<512x128xf32>
    %max3A_461 = arith.maximumf %max3A_457, %max3A_459 : vector<512x128xf32>
    %add3A_462 = arith.constant 2048 : i32
    %add3A_463 = arith.addi %multiple_of3A, %add3A_462 : i32
    %get3A_464 = arith.constant 0 : index
    %get3A_465 = arith.constant 0 : index
    %get3A_466 = arith.index_cast %add3A_463 : i32 to index
    %get3A_467 = vector.load %arg3[%get3A_464, %get3A_465, %get3A_466] : memref<1x3x4096xf32, #tpu.memory_space<vmem>>, vector<1x3x128xf32>
    %get3A_468 = vector.shape_cast %get3A_467 : vector<1x3x128xf32> to vector<3x128xf32>
    %add3A_469 = arith.constant 2176 : i32
    %add3A_470 = arith.addi %multiple_of3A, %add3A_469 : i32
    %get3A_471 = arith.constant 0 : index
    %get3A_472 = arith.constant 0 : index
    %get3A_473 = arith.index_cast %add3A_470 : i32 to index
    %get3A_474 = vector.load %arg3[%get3A_471, %get3A_472, %get3A_473] : memref<1x3x4096xf32, #tpu.memory_space<vmem>>, vector<1x3x128xf32>
    %get3A_475 = vector.shape_cast %get3A_474 : vector<1x3x128xf32> to vector<3x128xf32>
    %add3A_476 = arith.constant 2304 : i32
    %add3A_477 = arith.addi %multiple_of3A, %add3A_476 : i32
    %get3A_478 = arith.constant 0 : index
    %get3A_479 = arith.constant 0 : index
    %get3A_480 = arith.index_cast %add3A_477 : i32 to index
    %get3A_481 = vector.load %arg3[%get3A_478, %get3A_479, %get3A_480] : memref<1x3x4096xf32, #tpu.memory_space<vmem>>, vector<1x3x128xf32>
    %get3A_482 = vector.shape_cast %get3A_481 : vector<1x3x128xf32> to vector<3x128xf32>
    %add3A_483 = arith.constant 2432 : i32
    %add3A_484 = arith.addi %multiple_of3A, %add3A_483 : i32
    %get3A_485 = arith.constant 0 : index
    %get3A_486 = arith.constant 0 : index
    %get3A_487 = arith.index_cast %add3A_484 : i32 to index
    %get3A_488 = vector.load %arg3[%get3A_485, %get3A_486, %get3A_487] : memref<1x3x4096xf32, #tpu.memory_space<vmem>>, vector<1x3x128xf32>
    %get3A_489 = vector.shape_cast %get3A_488 : vector<1x3x128xf32> to vector<3x128xf32>
    %slice3A_490 = vector.extract_strided_slice %get3A_468 {offsets = [0, 0], sizes = [1, 128], strides = [1, 1]} : vector<3x128xf32> to vector<1x128xf32>
    %sub3A_491 = vector.broadcast %slice3A : vector<512x1xf32> to vector<512x128xf32>
    %sub3A_492 = vector.broadcast %slice3A_490 : vector<1x128xf32> to vector<512x128xf32>
    %sub3A_493 = arith.subf %sub3A_491, %sub3A_492 : vector<512x128xf32>
    %slice3A_494 = vector.extract_strided_slice %get3A_468 {offsets = [1, 0], sizes = [1, 128], strides = [1, 1]} : vector<3x128xf32> to vector<1x128xf32>
    %sub3A_495 = vector.broadcast %slice3A_4 : vector<512x1xf32> to vector<512x128xf32>
    %sub3A_496 = vector.broadcast %slice3A_494 : vector<1x128xf32> to vector<512x128xf32>
    %sub3A_497 = arith.subf %sub3A_495, %sub3A_496 : vector<512x128xf32>
    %slice3A_498 = vector.extract_strided_slice %get3A_468 {offsets = [2, 0], sizes = [1, 128], strides = [1, 1]} : vector<3x128xf32> to vector<1x128xf32>
    %sub3A_499 = vector.broadcast %slice3A_5 : vector<512x1xf32> to vector<512x128xf32>
    %sub3A_500 = vector.broadcast %slice3A_498 : vector<1x128xf32> to vector<512x128xf32>
    %sub3A_501 = arith.subf %sub3A_499, %sub3A_500 : vector<512x128xf32>
    %mul3A_502 = arith.mulf %sub3A_493, %sub3A_493 : vector<512x128xf32>
    %mul3A_503 = arith.mulf %sub3A_497, %sub3A_497 : vector<512x128xf32>
    %add3A_504 = arith.addf %mul3A_502, %mul3A_503 : vector<512x128xf32>
    %mul3A_505 = arith.mulf %sub3A_501, %sub3A_501 : vector<512x128xf32>
    %add3A_506 = arith.addf %add3A_504, %mul3A_505 : vector<512x128xf32>
    %slice3A_507 = vector.extract_strided_slice %get3A_475 {offsets = [0, 0], sizes = [1, 128], strides = [1, 1]} : vector<3x128xf32> to vector<1x128xf32>
    %sub3A_508 = vector.broadcast %slice3A : vector<512x1xf32> to vector<512x128xf32>
    %sub3A_509 = vector.broadcast %slice3A_507 : vector<1x128xf32> to vector<512x128xf32>
    %sub3A_510 = arith.subf %sub3A_508, %sub3A_509 : vector<512x128xf32>
    %slice3A_511 = vector.extract_strided_slice %get3A_475 {offsets = [1, 0], sizes = [1, 128], strides = [1, 1]} : vector<3x128xf32> to vector<1x128xf32>
    %sub3A_512 = vector.broadcast %slice3A_4 : vector<512x1xf32> to vector<512x128xf32>
    %sub3A_513 = vector.broadcast %slice3A_511 : vector<1x128xf32> to vector<512x128xf32>
    %sub3A_514 = arith.subf %sub3A_512, %sub3A_513 : vector<512x128xf32>
    %slice3A_515 = vector.extract_strided_slice %get3A_475 {offsets = [2, 0], sizes = [1, 128], strides = [1, 1]} : vector<3x128xf32> to vector<1x128xf32>
    %sub3A_516 = vector.broadcast %slice3A_5 : vector<512x1xf32> to vector<512x128xf32>
    %sub3A_517 = vector.broadcast %slice3A_515 : vector<1x128xf32> to vector<512x128xf32>
    %sub3A_518 = arith.subf %sub3A_516, %sub3A_517 : vector<512x128xf32>
    %mul3A_519 = arith.mulf %sub3A_510, %sub3A_510 : vector<512x128xf32>
    %mul3A_520 = arith.mulf %sub3A_514, %sub3A_514 : vector<512x128xf32>
    %add3A_521 = arith.addf %mul3A_519, %mul3A_520 : vector<512x128xf32>
    %mul3A_522 = arith.mulf %sub3A_518, %sub3A_518 : vector<512x128xf32>
    %add3A_523 = arith.addf %add3A_521, %mul3A_522 : vector<512x128xf32>
    %slice3A_524 = vector.extract_strided_slice %get3A_482 {offsets = [0, 0], sizes = [1, 128], strides = [1, 1]} : vector<3x128xf32> to vector<1x128xf32>
    %sub3A_525 = vector.broadcast %slice3A : vector<512x1xf32> to vector<512x128xf32>
    %sub3A_526 = vector.broadcast %slice3A_524 : vector<1x128xf32> to vector<512x128xf32>
    %sub3A_527 = arith.subf %sub3A_525, %sub3A_526 : vector<512x128xf32>
    %slice3A_528 = vector.extract_strided_slice %get3A_482 {offsets = [1, 0], sizes = [1, 128], strides = [1, 1]} : vector<3x128xf32> to vector<1x128xf32>
    %sub3A_529 = vector.broadcast %slice3A_4 : vector<512x1xf32> to vector<512x128xf32>
    %sub3A_530 = vector.broadcast %slice3A_528 : vector<1x128xf32> to vector<512x128xf32>
    %sub3A_531 = arith.subf %sub3A_529, %sub3A_530 : vector<512x128xf32>
    %slice3A_532 = vector.extract_strided_slice %get3A_482 {offsets = [2, 0], sizes = [1, 128], strides = [1, 1]} : vector<3x128xf32> to vector<1x128xf32>
    %sub3A_533 = vector.broadcast %slice3A_5 : vector<512x1xf32> to vector<512x128xf32>
    %sub3A_534 = vector.broadcast %slice3A_532 : vector<1x128xf32> to vector<512x128xf32>
    %sub3A_535 = arith.subf %sub3A_533, %sub3A_534 : vector<512x128xf32>
    %mul3A_536 = arith.mulf %sub3A_527, %sub3A_527 : vector<512x128xf32>
    %mul3A_537 = arith.mulf %sub3A_531, %sub3A_531 : vector<512x128xf32>
    %add3A_538 = arith.addf %mul3A_536, %mul3A_537 : vector<512x128xf32>
    %mul3A_539 = arith.mulf %sub3A_535, %sub3A_535 : vector<512x128xf32>
    %add3A_540 = arith.addf %add3A_538, %mul3A_539 : vector<512x128xf32>
    %slice3A_541 = vector.extract_strided_slice %get3A_489 {offsets = [0, 0], sizes = [1, 128], strides = [1, 1]} : vector<3x128xf32> to vector<1x128xf32>
    %sub3A_542 = vector.broadcast %slice3A : vector<512x1xf32> to vector<512x128xf32>
    %sub3A_543 = vector.broadcast %slice3A_541 : vector<1x128xf32> to vector<512x128xf32>
    %sub3A_544 = arith.subf %sub3A_542, %sub3A_543 : vector<512x128xf32>
    %slice3A_545 = vector.extract_strided_slice %get3A_489 {offsets = [1, 0], sizes = [1, 128], strides = [1, 1]} : vector<3x128xf32> to vector<1x128xf32>
    %sub3A_546 = vector.broadcast %slice3A_4 : vector<512x1xf32> to vector<512x128xf32>
    %sub3A_547 = vector.broadcast %slice3A_545 : vector<1x128xf32> to vector<512x128xf32>
    %sub3A_548 = arith.subf %sub3A_546, %sub3A_547 : vector<512x128xf32>
    %slice3A_549 = vector.extract_strided_slice %get3A_489 {offsets = [2, 0], sizes = [1, 128], strides = [1, 1]} : vector<3x128xf32> to vector<1x128xf32>
    %sub3A_550 = vector.broadcast %slice3A_5 : vector<512x1xf32> to vector<512x128xf32>
    %sub3A_551 = vector.broadcast %slice3A_549 : vector<1x128xf32> to vector<512x128xf32>
    %sub3A_552 = arith.subf %sub3A_550, %sub3A_551 : vector<512x128xf32>
    %mul3A_553 = arith.mulf %sub3A_544, %sub3A_544 : vector<512x128xf32>
    %mul3A_554 = arith.mulf %sub3A_548, %sub3A_548 : vector<512x128xf32>
    %add3A_555 = arith.addf %mul3A_553, %mul3A_554 : vector<512x128xf32>
    %mul3A_556 = arith.mulf %sub3A_552, %sub3A_552 : vector<512x128xf32>
    %add3A_557 = arith.addf %add3A_555, %mul3A_556 : vector<512x128xf32>
    %min3A_558 = arith.minimumf %add3A_506, %add3A_523 : vector<512x128xf32>
    %max3A_559 = arith.maximumf %add3A_506, %add3A_523 : vector<512x128xf32>
    %min3A_560 = arith.minimumf %add3A_540, %add3A_557 : vector<512x128xf32>
    %max3A_561 = arith.maximumf %add3A_540, %add3A_557 : vector<512x128xf32>
    %min3A_562 = arith.minimumf %min3A_558, %min3A_560 : vector<512x128xf32>
    %max3A_563 = arith.maximumf %min3A_558, %min3A_560 : vector<512x128xf32>
    %min3A_564 = arith.minimumf %max3A_559, %max3A_561 : vector<512x128xf32>
    %min3A_565 = arith.minimumf %max3A_563, %min3A_564 : vector<512x128xf32>
    %max3A_566 = arith.maximumf %max3A_563, %min3A_564 : vector<512x128xf32>
    %min3A_567 = arith.minimumf %min3A_458, %max3A_566 : vector<512x128xf32>
    %min3A_568 = arith.minimumf %min3A_460, %min3A_565 : vector<512x128xf32>
    %min3A_569 = arith.minimumf %max3A_461, %min3A_562 : vector<512x128xf32>
    %min3A_570 = arith.minimumf %min3A_567, %min3A_568 : vector<512x128xf32>
    %max3A_571 = arith.maximumf %min3A_567, %min3A_568 : vector<512x128xf32>
    %min3A_572 = arith.minimumf %min3A_570, %min3A_569 : vector<512x128xf32>
    %max3A_573 = arith.maximumf %min3A_570, %min3A_569 : vector<512x128xf32>
    %min3A_574 = arith.minimumf %max3A_571, %max3A_573 : vector<512x128xf32>
    %max3A_575 = arith.maximumf %max3A_571, %max3A_573 : vector<512x128xf32>
    %add3A_576 = arith.constant 2560 : i32
    %add3A_577 = arith.addi %multiple_of3A, %add3A_576 : i32
    %get3A_578 = arith.constant 0 : index
    %get3A_579 = arith.constant 0 : index
    %get3A_580 = arith.index_cast %add3A_577 : i32 to index
    %get3A_581 = vector.load %arg3[%get3A_578, %get3A_579, %get3A_580] : memref<1x3x4096xf32, #tpu.memory_space<vmem>>, vector<1x3x128xf32>
    %get3A_582 = vector.shape_cast %get3A_581 : vector<1x3x128xf32> to vector<3x128xf32>
    %add3A_583 = arith.constant 2688 : i32
    %add3A_584 = arith.addi %multiple_of3A, %add3A_583 : i32
    %get3A_585 = arith.constant 0 : index
    %get3A_586 = arith.constant 0 : index
    %get3A_587 = arith.index_cast %add3A_584 : i32 to index
    %get3A_588 = vector.load %arg3[%get3A_585, %get3A_586, %get3A_587] : memref<1x3x4096xf32, #tpu.memory_space<vmem>>, vector<1x3x128xf32>
    %get3A_589 = vector.shape_cast %get3A_588 : vector<1x3x128xf32> to vector<3x128xf32>
    %add3A_590 = arith.constant 2816 : i32
    %add3A_591 = arith.addi %multiple_of3A, %add3A_590 : i32
    %get3A_592 = arith.constant 0 : index
    %get3A_593 = arith.constant 0 : index
    %get3A_594 = arith.index_cast %add3A_591 : i32 to index
    %get3A_595 = vector.load %arg3[%get3A_592, %get3A_593, %get3A_594] : memref<1x3x4096xf32, #tpu.memory_space<vmem>>, vector<1x3x128xf32>
    %get3A_596 = vector.shape_cast %get3A_595 : vector<1x3x128xf32> to vector<3x128xf32>
    %add3A_597 = arith.constant 2944 : i32
    %add3A_598 = arith.addi %multiple_of3A, %add3A_597 : i32
    %get3A_599 = arith.constant 0 : index
    %get3A_600 = arith.constant 0 : index
    %get3A_601 = arith.index_cast %add3A_598 : i32 to index
    %get3A_602 = vector.load %arg3[%get3A_599, %get3A_600, %get3A_601] : memref<1x3x4096xf32, #tpu.memory_space<vmem>>, vector<1x3x128xf32>
    %get3A_603 = vector.shape_cast %get3A_602 : vector<1x3x128xf32> to vector<3x128xf32>
    %slice3A_604 = vector.extract_strided_slice %get3A_582 {offsets = [0, 0], sizes = [1, 128], strides = [1, 1]} : vector<3x128xf32> to vector<1x128xf32>
    %sub3A_605 = vector.broadcast %slice3A : vector<512x1xf32> to vector<512x128xf32>
    %sub3A_606 = vector.broadcast %slice3A_604 : vector<1x128xf32> to vector<512x128xf32>
    %sub3A_607 = arith.subf %sub3A_605, %sub3A_606 : vector<512x128xf32>
    %slice3A_608 = vector.extract_strided_slice %get3A_582 {offsets = [1, 0], sizes = [1, 128], strides = [1, 1]} : vector<3x128xf32> to vector<1x128xf32>
    %sub3A_609 = vector.broadcast %slice3A_4 : vector<512x1xf32> to vector<512x128xf32>
    %sub3A_610 = vector.broadcast %slice3A_608 : vector<1x128xf32> to vector<512x128xf32>
    %sub3A_611 = arith.subf %sub3A_609, %sub3A_610 : vector<512x128xf32>
    %slice3A_612 = vector.extract_strided_slice %get3A_582 {offsets = [2, 0], sizes = [1, 128], strides = [1, 1]} : vector<3x128xf32> to vector<1x128xf32>
    %sub3A_613 = vector.broadcast %slice3A_5 : vector<512x1xf32> to vector<512x128xf32>
    %sub3A_614 = vector.broadcast %slice3A_612 : vector<1x128xf32> to vector<512x128xf32>
    %sub3A_615 = arith.subf %sub3A_613, %sub3A_614 : vector<512x128xf32>
    %mul3A_616 = arith.mulf %sub3A_607, %sub3A_607 : vector<512x128xf32>
    %mul3A_617 = arith.mulf %sub3A_611, %sub3A_611 : vector<512x128xf32>
    %add3A_618 = arith.addf %mul3A_616, %mul3A_617 : vector<512x128xf32>
    %mul3A_619 = arith.mulf %sub3A_615, %sub3A_615 : vector<512x128xf32>
    %add3A_620 = arith.addf %add3A_618, %mul3A_619 : vector<512x128xf32>
    %slice3A_621 = vector.extract_strided_slice %get3A_589 {offsets = [0, 0], sizes = [1, 128], strides = [1, 1]} : vector<3x128xf32> to vector<1x128xf32>
    %sub3A_622 = vector.broadcast %slice3A : vector<512x1xf32> to vector<512x128xf32>
    %sub3A_623 = vector.broadcast %slice3A_621 : vector<1x128xf32> to vector<512x128xf32>
    %sub3A_624 = arith.subf %sub3A_622, %sub3A_623 : vector<512x128xf32>
    %slice3A_625 = vector.extract_strided_slice %get3A_589 {offsets = [1, 0], sizes = [1, 128], strides = [1, 1]} : vector<3x128xf32> to vector<1x128xf32>
    %sub3A_626 = vector.broadcast %slice3A_4 : vector<512x1xf32> to vector<512x128xf32>
    %sub3A_627 = vector.broadcast %slice3A_625 : vector<1x128xf32> to vector<512x128xf32>
    %sub3A_628 = arith.subf %sub3A_626, %sub3A_627 : vector<512x128xf32>
    %slice3A_629 = vector.extract_strided_slice %get3A_589 {offsets = [2, 0], sizes = [1, 128], strides = [1, 1]} : vector<3x128xf32> to vector<1x128xf32>
    %sub3A_630 = vector.broadcast %slice3A_5 : vector<512x1xf32> to vector<512x128xf32>
    %sub3A_631 = vector.broadcast %slice3A_629 : vector<1x128xf32> to vector<512x128xf32>
    %sub3A_632 = arith.subf %sub3A_630, %sub3A_631 : vector<512x128xf32>
    %mul3A_633 = arith.mulf %sub3A_624, %sub3A_624 : vector<512x128xf32>
    %mul3A_634 = arith.mulf %sub3A_628, %sub3A_628 : vector<512x128xf32>
    %add3A_635 = arith.addf %mul3A_633, %mul3A_634 : vector<512x128xf32>
    %mul3A_636 = arith.mulf %sub3A_632, %sub3A_632 : vector<512x128xf32>
    %add3A_637 = arith.addf %add3A_635, %mul3A_636 : vector<512x128xf32>
    %slice3A_638 = vector.extract_strided_slice %get3A_596 {offsets = [0, 0], sizes = [1, 128], strides = [1, 1]} : vector<3x128xf32> to vector<1x128xf32>
    %sub3A_639 = vector.broadcast %slice3A : vector<512x1xf32> to vector<512x128xf32>
    %sub3A_640 = vector.broadcast %slice3A_638 : vector<1x128xf32> to vector<512x128xf32>
    %sub3A_641 = arith.subf %sub3A_639, %sub3A_640 : vector<512x128xf32>
    %slice3A_642 = vector.extract_strided_slice %get3A_596 {offsets = [1, 0], sizes = [1, 128], strides = [1, 1]} : vector<3x128xf32> to vector<1x128xf32>
    %sub3A_643 = vector.broadcast %slice3A_4 : vector<512x1xf32> to vector<512x128xf32>
    %sub3A_644 = vector.broadcast %slice3A_642 : vector<1x128xf32> to vector<512x128xf32>
    %sub3A_645 = arith.subf %sub3A_643, %sub3A_644 : vector<512x128xf32>
    %slice3A_646 = vector.extract_strided_slice %get3A_596 {offsets = [2, 0], sizes = [1, 128], strides = [1, 1]} : vector<3x128xf32> to vector<1x128xf32>
    %sub3A_647 = vector.broadcast %slice3A_5 : vector<512x1xf32> to vector<512x128xf32>
    %sub3A_648 = vector.broadcast %slice3A_646 : vector<1x128xf32> to vector<512x128xf32>
    %sub3A_649 = arith.subf %sub3A_647, %sub3A_648 : vector<512x128xf32>
    %mul3A_650 = arith.mulf %sub3A_641, %sub3A_641 : vector<512x128xf32>
    %mul3A_651 = arith.mulf %sub3A_645, %sub3A_645 : vector<512x128xf32>
    %add3A_652 = arith.addf %mul3A_650, %mul3A_651 : vector<512x128xf32>
    %mul3A_653 = arith.mulf %sub3A_649, %sub3A_649 : vector<512x128xf32>
    %add3A_654 = arith.addf %add3A_652, %mul3A_653 : vector<512x128xf32>
    %slice3A_655 = vector.extract_strided_slice %get3A_603 {offsets = [0, 0], sizes = [1, 128], strides = [1, 1]} : vector<3x128xf32> to vector<1x128xf32>
    %sub3A_656 = vector.broadcast %slice3A : vector<512x1xf32> to vector<512x128xf32>
    %sub3A_657 = vector.broadcast %slice3A_655 : vector<1x128xf32> to vector<512x128xf32>
    %sub3A_658 = arith.subf %sub3A_656, %sub3A_657 : vector<512x128xf32>
    %slice3A_659 = vector.extract_strided_slice %get3A_603 {offsets = [1, 0], sizes = [1, 128], strides = [1, 1]} : vector<3x128xf32> to vector<1x128xf32>
    %sub3A_660 = vector.broadcast %slice3A_4 : vector<512x1xf32> to vector<512x128xf32>
    %sub3A_661 = vector.broadcast %slice3A_659 : vector<1x128xf32> to vector<512x128xf32>
    %sub3A_662 = arith.subf %sub3A_660, %sub3A_661 : vector<512x128xf32>
    %slice3A_663 = vector.extract_strided_slice %get3A_603 {offsets = [2, 0], sizes = [1, 128], strides = [1, 1]} : vector<3x128xf32> to vector<1x128xf32>
    %sub3A_664 = vector.broadcast %slice3A_5 : vector<512x1xf32> to vector<512x128xf32>
    %sub3A_665 = vector.broadcast %slice3A_663 : vector<1x128xf32> to vector<512x128xf32>
    %sub3A_666 = arith.subf %sub3A_664, %sub3A_665 : vector<512x128xf32>
    %mul3A_667 = arith.mulf %sub3A_658, %sub3A_658 : vector<512x128xf32>
    %mul3A_668 = arith.mulf %sub3A_662, %sub3A_662 : vector<512x128xf32>
    %add3A_669 = arith.addf %mul3A_667, %mul3A_668 : vector<512x128xf32>
    %mul3A_670 = arith.mulf %sub3A_666, %sub3A_666 : vector<512x128xf32>
    %add3A_671 = arith.addf %add3A_669, %mul3A_670 : vector<512x128xf32>
    %min3A_672 = arith.minimumf %add3A_620, %add3A_637 : vector<512x128xf32>
    %max3A_673 = arith.maximumf %add3A_620, %add3A_637 : vector<512x128xf32>
    %min3A_674 = arith.minimumf %add3A_654, %add3A_671 : vector<512x128xf32>
    %max3A_675 = arith.maximumf %add3A_654, %add3A_671 : vector<512x128xf32>
    %min3A_676 = arith.minimumf %min3A_672, %min3A_674 : vector<512x128xf32>
    %max3A_677 = arith.maximumf %min3A_672, %min3A_674 : vector<512x128xf32>
    %min3A_678 = arith.minimumf %max3A_673, %max3A_675 : vector<512x128xf32>
    %min3A_679 = arith.minimumf %max3A_677, %min3A_678 : vector<512x128xf32>
    %max3A_680 = arith.maximumf %max3A_677, %min3A_678 : vector<512x128xf32>
    %min3A_681 = arith.minimumf %min3A_572, %max3A_680 : vector<512x128xf32>
    %min3A_682 = arith.minimumf %min3A_574, %min3A_679 : vector<512x128xf32>
    %min3A_683 = arith.minimumf %max3A_575, %min3A_676 : vector<512x128xf32>
    %min3A_684 = arith.minimumf %min3A_681, %min3A_682 : vector<512x128xf32>
    %max3A_685 = arith.maximumf %min3A_681, %min3A_682 : vector<512x128xf32>
    %min3A_686 = arith.minimumf %min3A_684, %min3A_683 : vector<512x128xf32>
    %max3A_687 = arith.maximumf %min3A_684, %min3A_683 : vector<512x128xf32>
    %min3A_688 = arith.minimumf %max3A_685, %max3A_687 : vector<512x128xf32>
    %max3A_689 = arith.maximumf %max3A_685, %max3A_687 : vector<512x128xf32>
    %add3A_690 = arith.constant 3072 : i32
    %add3A_691 = arith.addi %multiple_of3A, %add3A_690 : i32
    %get3A_692 = arith.constant 0 : index
    %get3A_693 = arith.constant 0 : index
    %get3A_694 = arith.index_cast %add3A_691 : i32 to index
    %get3A_695 = vector.load %arg3[%get3A_692, %get3A_693, %get3A_694] : memref<1x3x4096xf32, #tpu.memory_space<vmem>>, vector<1x3x128xf32>
    %get3A_696 = vector.shape_cast %get3A_695 : vector<1x3x128xf32> to vector<3x128xf32>
    %add3A_697 = arith.constant 3200 : i32
    %add3A_698 = arith.addi %multiple_of3A, %add3A_697 : i32
    %get3A_699 = arith.constant 0 : index
    %get3A_700 = arith.constant 0 : index
    %get3A_701 = arith.index_cast %add3A_698 : i32 to index
    %get3A_702 = vector.load %arg3[%get3A_699, %get3A_700, %get3A_701] : memref<1x3x4096xf32, #tpu.memory_space<vmem>>, vector<1x3x128xf32>
    %get3A_703 = vector.shape_cast %get3A_702 : vector<1x3x128xf32> to vector<3x128xf32>
    %add3A_704 = arith.constant 3328 : i32
    %add3A_705 = arith.addi %multiple_of3A, %add3A_704 : i32
    %get3A_706 = arith.constant 0 : index
    %get3A_707 = arith.constant 0 : index
    %get3A_708 = arith.index_cast %add3A_705 : i32 to index
    %get3A_709 = vector.load %arg3[%get3A_706, %get3A_707, %get3A_708] : memref<1x3x4096xf32, #tpu.memory_space<vmem>>, vector<1x3x128xf32>
    %get3A_710 = vector.shape_cast %get3A_709 : vector<1x3x128xf32> to vector<3x128xf32>
    %add3A_711 = arith.constant 3456 : i32
    %add3A_712 = arith.addi %multiple_of3A, %add3A_711 : i32
    %get3A_713 = arith.constant 0 : index
    %get3A_714 = arith.constant 0 : index
    %get3A_715 = arith.index_cast %add3A_712 : i32 to index
    %get3A_716 = vector.load %arg3[%get3A_713, %get3A_714, %get3A_715] : memref<1x3x4096xf32, #tpu.memory_space<vmem>>, vector<1x3x128xf32>
    %get3A_717 = vector.shape_cast %get3A_716 : vector<1x3x128xf32> to vector<3x128xf32>
    %slice3A_718 = vector.extract_strided_slice %get3A_696 {offsets = [0, 0], sizes = [1, 128], strides = [1, 1]} : vector<3x128xf32> to vector<1x128xf32>
    %sub3A_719 = vector.broadcast %slice3A : vector<512x1xf32> to vector<512x128xf32>
    %sub3A_720 = vector.broadcast %slice3A_718 : vector<1x128xf32> to vector<512x128xf32>
    %sub3A_721 = arith.subf %sub3A_719, %sub3A_720 : vector<512x128xf32>
    %slice3A_722 = vector.extract_strided_slice %get3A_696 {offsets = [1, 0], sizes = [1, 128], strides = [1, 1]} : vector<3x128xf32> to vector<1x128xf32>
    %sub3A_723 = vector.broadcast %slice3A_4 : vector<512x1xf32> to vector<512x128xf32>
    %sub3A_724 = vector.broadcast %slice3A_722 : vector<1x128xf32> to vector<512x128xf32>
    %sub3A_725 = arith.subf %sub3A_723, %sub3A_724 : vector<512x128xf32>
    %slice3A_726 = vector.extract_strided_slice %get3A_696 {offsets = [2, 0], sizes = [1, 128], strides = [1, 1]} : vector<3x128xf32> to vector<1x128xf32>
    %sub3A_727 = vector.broadcast %slice3A_5 : vector<512x1xf32> to vector<512x128xf32>
    %sub3A_728 = vector.broadcast %slice3A_726 : vector<1x128xf32> to vector<512x128xf32>
    %sub3A_729 = arith.subf %sub3A_727, %sub3A_728 : vector<512x128xf32>
    %mul3A_730 = arith.mulf %sub3A_721, %sub3A_721 : vector<512x128xf32>
    %mul3A_731 = arith.mulf %sub3A_725, %sub3A_725 : vector<512x128xf32>
    %add3A_732 = arith.addf %mul3A_730, %mul3A_731 : vector<512x128xf32>
    %mul3A_733 = arith.mulf %sub3A_729, %sub3A_729 : vector<512x128xf32>
    %add3A_734 = arith.addf %add3A_732, %mul3A_733 : vector<512x128xf32>
    %slice3A_735 = vector.extract_strided_slice %get3A_703 {offsets = [0, 0], sizes = [1, 128], strides = [1, 1]} : vector<3x128xf32> to vector<1x128xf32>
    %sub3A_736 = vector.broadcast %slice3A : vector<512x1xf32> to vector<512x128xf32>
    %sub3A_737 = vector.broadcast %slice3A_735 : vector<1x128xf32> to vector<512x128xf32>
    %sub3A_738 = arith.subf %sub3A_736, %sub3A_737 : vector<512x128xf32>
    %slice3A_739 = vector.extract_strided_slice %get3A_703 {offsets = [1, 0], sizes = [1, 128], strides = [1, 1]} : vector<3x128xf32> to vector<1x128xf32>
    %sub3A_740 = vector.broadcast %slice3A_4 : vector<512x1xf32> to vector<512x128xf32>
    %sub3A_741 = vector.broadcast %slice3A_739 : vector<1x128xf32> to vector<512x128xf32>
    %sub3A_742 = arith.subf %sub3A_740, %sub3A_741 : vector<512x128xf32>
    %slice3A_743 = vector.extract_strided_slice %get3A_703 {offsets = [2, 0], sizes = [1, 128], strides = [1, 1]} : vector<3x128xf32> to vector<1x128xf32>
    %sub3A_744 = vector.broadcast %slice3A_5 : vector<512x1xf32> to vector<512x128xf32>
    %sub3A_745 = vector.broadcast %slice3A_743 : vector<1x128xf32> to vector<512x128xf32>
    %sub3A_746 = arith.subf %sub3A_744, %sub3A_745 : vector<512x128xf32>
    %mul3A_747 = arith.mulf %sub3A_738, %sub3A_738 : vector<512x128xf32>
    %mul3A_748 = arith.mulf %sub3A_742, %sub3A_742 : vector<512x128xf32>
    %add3A_749 = arith.addf %mul3A_747, %mul3A_748 : vector<512x128xf32>
    %mul3A_750 = arith.mulf %sub3A_746, %sub3A_746 : vector<512x128xf32>
    %add3A_751 = arith.addf %add3A_749, %mul3A_750 : vector<512x128xf32>
    %slice3A_752 = vector.extract_strided_slice %get3A_710 {offsets = [0, 0], sizes = [1, 128], strides = [1, 1]} : vector<3x128xf32> to vector<1x128xf32>
    %sub3A_753 = vector.broadcast %slice3A : vector<512x1xf32> to vector<512x128xf32>
    %sub3A_754 = vector.broadcast %slice3A_752 : vector<1x128xf32> to vector<512x128xf32>
    %sub3A_755 = arith.subf %sub3A_753, %sub3A_754 : vector<512x128xf32>
    %slice3A_756 = vector.extract_strided_slice %get3A_710 {offsets = [1, 0], sizes = [1, 128], strides = [1, 1]} : vector<3x128xf32> to vector<1x128xf32>
    %sub3A_757 = vector.broadcast %slice3A_4 : vector<512x1xf32> to vector<512x128xf32>
    %sub3A_758 = vector.broadcast %slice3A_756 : vector<1x128xf32> to vector<512x128xf32>
    %sub3A_759 = arith.subf %sub3A_757, %sub3A_758 : vector<512x128xf32>
    %slice3A_760 = vector.extract_strided_slice %get3A_710 {offsets = [2, 0], sizes = [1, 128], strides = [1, 1]} : vector<3x128xf32> to vector<1x128xf32>
    %sub3A_761 = vector.broadcast %slice3A_5 : vector<512x1xf32> to vector<512x128xf32>
    %sub3A_762 = vector.broadcast %slice3A_760 : vector<1x128xf32> to vector<512x128xf32>
    %sub3A_763 = arith.subf %sub3A_761, %sub3A_762 : vector<512x128xf32>
    %mul3A_764 = arith.mulf %sub3A_755, %sub3A_755 : vector<512x128xf32>
    %mul3A_765 = arith.mulf %sub3A_759, %sub3A_759 : vector<512x128xf32>
    %add3A_766 = arith.addf %mul3A_764, %mul3A_765 : vector<512x128xf32>
    %mul3A_767 = arith.mulf %sub3A_763, %sub3A_763 : vector<512x128xf32>
    %add3A_768 = arith.addf %add3A_766, %mul3A_767 : vector<512x128xf32>
    %slice3A_769 = vector.extract_strided_slice %get3A_717 {offsets = [0, 0], sizes = [1, 128], strides = [1, 1]} : vector<3x128xf32> to vector<1x128xf32>
    %sub3A_770 = vector.broadcast %slice3A : vector<512x1xf32> to vector<512x128xf32>
    %sub3A_771 = vector.broadcast %slice3A_769 : vector<1x128xf32> to vector<512x128xf32>
    %sub3A_772 = arith.subf %sub3A_770, %sub3A_771 : vector<512x128xf32>
    %slice3A_773 = vector.extract_strided_slice %get3A_717 {offsets = [1, 0], sizes = [1, 128], strides = [1, 1]} : vector<3x128xf32> to vector<1x128xf32>
    %sub3A_774 = vector.broadcast %slice3A_4 : vector<512x1xf32> to vector<512x128xf32>
    %sub3A_775 = vector.broadcast %slice3A_773 : vector<1x128xf32> to vector<512x128xf32>
    %sub3A_776 = arith.subf %sub3A_774, %sub3A_775 : vector<512x128xf32>
    %slice3A_777 = vector.extract_strided_slice %get3A_717 {offsets = [2, 0], sizes = [1, 128], strides = [1, 1]} : vector<3x128xf32> to vector<1x128xf32>
    %sub3A_778 = vector.broadcast %slice3A_5 : vector<512x1xf32> to vector<512x128xf32>
    %sub3A_779 = vector.broadcast %slice3A_777 : vector<1x128xf32> to vector<512x128xf32>
    %sub3A_780 = arith.subf %sub3A_778, %sub3A_779 : vector<512x128xf32>
    %mul3A_781 = arith.mulf %sub3A_772, %sub3A_772 : vector<512x128xf32>
    %mul3A_782 = arith.mulf %sub3A_776, %sub3A_776 : vector<512x128xf32>
    %add3A_783 = arith.addf %mul3A_781, %mul3A_782 : vector<512x128xf32>
    %mul3A_784 = arith.mulf %sub3A_780, %sub3A_780 : vector<512x128xf32>
    %add3A_785 = arith.addf %add3A_783, %mul3A_784 : vector<512x128xf32>
    %min3A_786 = arith.minimumf %add3A_734, %add3A_751 : vector<512x128xf32>
    %max3A_787 = arith.maximumf %add3A_734, %add3A_751 : vector<512x128xf32>
    %min3A_788 = arith.minimumf %add3A_768, %add3A_785 : vector<512x128xf32>
    %max3A_789 = arith.maximumf %add3A_768, %add3A_785 : vector<512x128xf32>
    %min3A_790 = arith.minimumf %min3A_786, %min3A_788 : vector<512x128xf32>
    %max3A_791 = arith.maximumf %min3A_786, %min3A_788 : vector<512x128xf32>
    %min3A_792 = arith.minimumf %max3A_787, %max3A_789 : vector<512x128xf32>
    %min3A_793 = arith.minimumf %max3A_791, %min3A_792 : vector<512x128xf32>
    %max3A_794 = arith.maximumf %max3A_791, %min3A_792 : vector<512x128xf32>
    %min3A_795 = arith.minimumf %min3A_686, %max3A_794 : vector<512x128xf32>
    %min3A_796 = arith.minimumf %min3A_688, %min3A_793 : vector<512x128xf32>
    %min3A_797 = arith.minimumf %max3A_689, %min3A_790 : vector<512x128xf32>
    %min3A_798 = arith.minimumf %min3A_795, %min3A_796 : vector<512x128xf32>
    %max3A_799 = arith.maximumf %min3A_795, %min3A_796 : vector<512x128xf32>
    %min3A_800 = arith.minimumf %min3A_798, %min3A_797 : vector<512x128xf32>
    %max3A_801 = arith.maximumf %min3A_798, %min3A_797 : vector<512x128xf32>
    %min3A_802 = arith.minimumf %max3A_799, %max3A_801 : vector<512x128xf32>
    %max3A_803 = arith.maximumf %max3A_799, %max3A_801 : vector<512x128xf32>
    %add3A_804 = arith.constant 3584 : i32
    %add3A_805 = arith.addi %multiple_of3A, %add3A_804 : i32
    %get3A_806 = arith.constant 0 : index
    %get3A_807 = arith.constant 0 : index
    %get3A_808 = arith.index_cast %add3A_805 : i32 to index
    %get3A_809 = vector.load %arg3[%get3A_806, %get3A_807, %get3A_808] : memref<1x3x4096xf32, #tpu.memory_space<vmem>>, vector<1x3x128xf32>
    %get3A_810 = vector.shape_cast %get3A_809 : vector<1x3x128xf32> to vector<3x128xf32>
    %add3A_811 = arith.constant 3712 : i32
    %add3A_812 = arith.addi %multiple_of3A, %add3A_811 : i32
    %get3A_813 = arith.constant 0 : index
    %get3A_814 = arith.constant 0 : index
    %get3A_815 = arith.index_cast %add3A_812 : i32 to index
    %get3A_816 = vector.load %arg3[%get3A_813, %get3A_814, %get3A_815] : memref<1x3x4096xf32, #tpu.memory_space<vmem>>, vector<1x3x128xf32>
    %get3A_817 = vector.shape_cast %get3A_816 : vector<1x3x128xf32> to vector<3x128xf32>
    %add3A_818 = arith.constant 3840 : i32
    %add3A_819 = arith.addi %multiple_of3A, %add3A_818 : i32
    %get3A_820 = arith.constant 0 : index
    %get3A_821 = arith.constant 0 : index
    %get3A_822 = arith.index_cast %add3A_819 : i32 to index
    %get3A_823 = vector.load %arg3[%get3A_820, %get3A_821, %get3A_822] : memref<1x3x4096xf32, #tpu.memory_space<vmem>>, vector<1x3x128xf32>
    %get3A_824 = vector.shape_cast %get3A_823 : vector<1x3x128xf32> to vector<3x128xf32>
    %slice3A_825 = vector.extract_strided_slice %get3A_810 {offsets = [0, 0], sizes = [1, 128], strides = [1, 1]} : vector<3x128xf32> to vector<1x128xf32>
    %sub3A_826 = vector.broadcast %slice3A : vector<512x1xf32> to vector<512x128xf32>
    %sub3A_827 = vector.broadcast %slice3A_825 : vector<1x128xf32> to vector<512x128xf32>
    %sub3A_828 = arith.subf %sub3A_826, %sub3A_827 : vector<512x128xf32>
    %slice3A_829 = vector.extract_strided_slice %get3A_810 {offsets = [1, 0], sizes = [1, 128], strides = [1, 1]} : vector<3x128xf32> to vector<1x128xf32>
    %sub3A_830 = vector.broadcast %slice3A_4 : vector<512x1xf32> to vector<512x128xf32>
    %sub3A_831 = vector.broadcast %slice3A_829 : vector<1x128xf32> to vector<512x128xf32>
    %sub3A_832 = arith.subf %sub3A_830, %sub3A_831 : vector<512x128xf32>
    %slice3A_833 = vector.extract_strided_slice %get3A_810 {offsets = [2, 0], sizes = [1, 128], strides = [1, 1]} : vector<3x128xf32> to vector<1x128xf32>
    %sub3A_834 = vector.broadcast %slice3A_5 : vector<512x1xf32> to vector<512x128xf32>
    %sub3A_835 = vector.broadcast %slice3A_833 : vector<1x128xf32> to vector<512x128xf32>
    %sub3A_836 = arith.subf %sub3A_834, %sub3A_835 : vector<512x128xf32>
    %mul3A_837 = arith.mulf %sub3A_828, %sub3A_828 : vector<512x128xf32>
    %mul3A_838 = arith.mulf %sub3A_832, %sub3A_832 : vector<512x128xf32>
    %add3A_839 = arith.addf %mul3A_837, %mul3A_838 : vector<512x128xf32>
    %mul3A_840 = arith.mulf %sub3A_836, %sub3A_836 : vector<512x128xf32>
    %add3A_841 = arith.addf %add3A_839, %mul3A_840 : vector<512x128xf32>
    %slice3A_842 = vector.extract_strided_slice %get3A_817 {offsets = [0, 0], sizes = [1, 128], strides = [1, 1]} : vector<3x128xf32> to vector<1x128xf32>
    %sub3A_843 = vector.broadcast %slice3A : vector<512x1xf32> to vector<512x128xf32>
    %sub3A_844 = vector.broadcast %slice3A_842 : vector<1x128xf32> to vector<512x128xf32>
    %sub3A_845 = arith.subf %sub3A_843, %sub3A_844 : vector<512x128xf32>
    %slice3A_846 = vector.extract_strided_slice %get3A_817 {offsets = [1, 0], sizes = [1, 128], strides = [1, 1]} : vector<3x128xf32> to vector<1x128xf32>
    %sub3A_847 = vector.broadcast %slice3A_4 : vector<512x1xf32> to vector<512x128xf32>
    %sub3A_848 = vector.broadcast %slice3A_846 : vector<1x128xf32> to vector<512x128xf32>
    %sub3A_849 = arith.subf %sub3A_847, %sub3A_848 : vector<512x128xf32>
    %slice3A_850 = vector.extract_strided_slice %get3A_817 {offsets = [2, 0], sizes = [1, 128], strides = [1, 1]} : vector<3x128xf32> to vector<1x128xf32>
    %sub3A_851 = vector.broadcast %slice3A_5 : vector<512x1xf32> to vector<512x128xf32>
    %sub3A_852 = vector.broadcast %slice3A_850 : vector<1x128xf32> to vector<512x128xf32>
    %sub3A_853 = arith.subf %sub3A_851, %sub3A_852 : vector<512x128xf32>
    %mul3A_854 = arith.mulf %sub3A_845, %sub3A_845 : vector<512x128xf32>
    %mul3A_855 = arith.mulf %sub3A_849, %sub3A_849 : vector<512x128xf32>
    %add3A_856 = arith.addf %mul3A_854, %mul3A_855 : vector<512x128xf32>
    %mul3A_857 = arith.mulf %sub3A_853, %sub3A_853 : vector<512x128xf32>
    %add3A_858 = arith.addf %add3A_856, %mul3A_857 : vector<512x128xf32>
    %slice3A_859 = vector.extract_strided_slice %get3A_824 {offsets = [0, 0], sizes = [1, 128], strides = [1, 1]} : vector<3x128xf32> to vector<1x128xf32>
    %sub3A_860 = vector.broadcast %slice3A : vector<512x1xf32> to vector<512x128xf32>
    %sub3A_861 = vector.broadcast %slice3A_859 : vector<1x128xf32> to vector<512x128xf32>
    %sub3A_862 = arith.subf %sub3A_860, %sub3A_861 : vector<512x128xf32>
    %slice3A_863 = vector.extract_strided_slice %get3A_824 {offsets = [1, 0], sizes = [1, 128], strides = [1, 1]} : vector<3x128xf32> to vector<1x128xf32>
    %sub3A_864 = vector.broadcast %slice3A_4 : vector<512x1xf32> to vector<512x128xf32>
    %sub3A_865 = vector.broadcast %slice3A_863 : vector<1x128xf32> to vector<512x128xf32>
    %sub3A_866 = arith.subf %sub3A_864, %sub3A_865 : vector<512x128xf32>
    %slice3A_867 = vector.extract_strided_slice %get3A_824 {offsets = [2, 0], sizes = [1, 128], strides = [1, 1]} : vector<3x128xf32> to vector<1x128xf32>
    %sub3A_868 = vector.broadcast %slice3A_5 : vector<512x1xf32> to vector<512x128xf32>
    %sub3A_869 = vector.broadcast %slice3A_867 : vector<1x128xf32> to vector<512x128xf32>
    %sub3A_870 = arith.subf %sub3A_868, %sub3A_869 : vector<512x128xf32>
    %mul3A_871 = arith.mulf %sub3A_862, %sub3A_862 : vector<512x128xf32>
    %mul3A_872 = arith.mulf %sub3A_866, %sub3A_866 : vector<512x128xf32>
    %add3A_873 = arith.addf %mul3A_871, %mul3A_872 : vector<512x128xf32>
    %mul3A_874 = arith.mulf %sub3A_870, %sub3A_870 : vector<512x128xf32>
    %add3A_875 = arith.addf %add3A_873, %mul3A_874 : vector<512x128xf32>
    %slice3A_876 = vector.extract_strided_slice %get3A_21 {offsets = [0, 0], sizes = [1, 128], strides = [1, 1]} : vector<3x128xf32> to vector<1x128xf32>
    %sub3A_877 = vector.broadcast %slice3A : vector<512x1xf32> to vector<512x128xf32>
    %sub3A_878 = vector.broadcast %slice3A_876 : vector<1x128xf32> to vector<512x128xf32>
    %sub3A_879 = arith.subf %sub3A_877, %sub3A_878 : vector<512x128xf32>
    %slice3A_880 = vector.extract_strided_slice %get3A_21 {offsets = [1, 0], sizes = [1, 128], strides = [1, 1]} : vector<3x128xf32> to vector<1x128xf32>
    %sub3A_881 = vector.broadcast %slice3A_4 : vector<512x1xf32> to vector<512x128xf32>
    %sub3A_882 = vector.broadcast %slice3A_880 : vector<1x128xf32> to vector<512x128xf32>
    %sub3A_883 = arith.subf %sub3A_881, %sub3A_882 : vector<512x128xf32>
    %slice3A_884 = vector.extract_strided_slice %get3A_21 {offsets = [2, 0], sizes = [1, 128], strides = [1, 1]} : vector<3x128xf32> to vector<1x128xf32>
    %sub3A_885 = vector.broadcast %slice3A_5 : vector<512x1xf32> to vector<512x128xf32>
    %sub3A_886 = vector.broadcast %slice3A_884 : vector<1x128xf32> to vector<512x128xf32>
    %sub3A_887 = arith.subf %sub3A_885, %sub3A_886 : vector<512x128xf32>
    %mul3A_888 = arith.mulf %sub3A_879, %sub3A_879 : vector<512x128xf32>
    %mul3A_889 = arith.mulf %sub3A_883, %sub3A_883 : vector<512x128xf32>
    %add3A_890 = arith.addf %mul3A_888, %mul3A_889 : vector<512x128xf32>
    %mul3A_891 = arith.mulf %sub3A_887, %sub3A_887 : vector<512x128xf32>
    %add3A_892 = arith.addf %add3A_890, %mul3A_891 : vector<512x128xf32>
    %min3A_893 = arith.minimumf %add3A_841, %add3A_858 : vector<512x128xf32>
    %max3A_894 = arith.maximumf %add3A_841, %add3A_858 : vector<512x128xf32>
    %min3A_895 = arith.minimumf %add3A_875, %add3A_892 : vector<512x128xf32>
    %max3A_896 = arith.maximumf %add3A_875, %add3A_892 : vector<512x128xf32>
    %min3A_897 = arith.minimumf %min3A_893, %min3A_895 : vector<512x128xf32>
    %max3A_898 = arith.maximumf %min3A_893, %min3A_895 : vector<512x128xf32>
    %min3A_899 = arith.minimumf %max3A_894, %max3A_896 : vector<512x128xf32>
    %min3A_900 = arith.minimumf %max3A_898, %min3A_899 : vector<512x128xf32>
    %max3A_901 = arith.maximumf %max3A_898, %min3A_899 : vector<512x128xf32>
    %min3A_902 = arith.minimumf %min3A_800, %max3A_901 : vector<512x128xf32>
    %min3A_903 = arith.minimumf %min3A_802, %min3A_900 : vector<512x128xf32>
    %min3A_904 = arith.minimumf %max3A_803, %min3A_897 : vector<512x128xf32>
    %min3A_905 = arith.minimumf %min3A_902, %min3A_903 : vector<512x128xf32>
    %max3A_906 = arith.maximumf %min3A_902, %min3A_903 : vector<512x128xf32>
    %min3A_907 = arith.minimumf %min3A_905, %min3A_904 : vector<512x128xf32>
    %max3A_908 = arith.maximumf %min3A_905, %min3A_904 : vector<512x128xf32>
    %min3A_909 = arith.minimumf %max3A_906, %max3A_908 : vector<512x128xf32>
    %max3A_910 = arith.maximumf %max3A_906, %max3A_908 : vector<512x128xf32>
    %reduce_min3A = arith.constant dense<0x7F800000> : vector<512xf32>
    %reduce_min3A_911 = vector.multi_reduction <minimumf>, %min3A_907, %reduce_min3A [1] : vector<512x128xf32> to vector<512xf32>
    %broadcast_in_dim3A = vector.shape_cast %reduce_min3A_911 : vector<512xf32> to vector<512x1xf32>
    %le3A = vector.broadcast %broadcast_in_dim3A : vector<512x1xf32> to vector<512x128xf32>
    %le3A_912 = arith.cmpf ole, %min3A_907, %le3A : vector<512x128xf32>
    %select_n3A = arith.select %le3A_912, %min3A_909, %min3A_907 : vector<512x128xi1>, vector<512x128xf32>
    %select_n3A_913 = arith.select %le3A_912, %max3A_910, %min3A_909 : vector<512x128xi1>, vector<512x128xf32>
    %jit3A_914 = arith.constant 3.400000e+38 : f32
    %broadcast_in_dim3A_915 = vector.broadcast %jit3A_914 : f32 to vector<512x128xf32>
    %select_n3A_916 = arith.select %le3A_912, %broadcast_in_dim3A_915, %max3A_910 : vector<512x128xi1>, vector<512x128xf32>
    %reduce_min3A_917 = arith.constant dense<0x7F800000> : vector<512xf32>
    %reduce_min3A_918 = vector.multi_reduction <minimumf>, %select_n3A, %reduce_min3A_917 [1] : vector<512x128xf32> to vector<512xf32>
    %broadcast_in_dim3A_919 = vector.shape_cast %reduce_min3A_918 : vector<512xf32> to vector<512x1xf32>
    %le3A_920 = vector.broadcast %broadcast_in_dim3A_919 : vector<512x1xf32> to vector<512x128xf32>
    %le3A_921 = arith.cmpf ole, %select_n3A, %le3A_920 : vector<512x128xf32>
    %select_n3A_922 = arith.select %le3A_921, %select_n3A_913, %select_n3A : vector<512x128xi1>, vector<512x128xf32>
    %select_n3A_923 = arith.select %le3A_921, %select_n3A_916, %select_n3A_913 : vector<512x128xi1>, vector<512x128xf32>
    %jit3A_924 = arith.constant 3.400000e+38 : f32
    %broadcast_in_dim3A_925 = vector.broadcast %jit3A_924 : f32 to vector<512x128xf32>
    %select_n3A_926 = arith.select %le3A_921, %broadcast_in_dim3A_925, %select_n3A_916 : vector<512x128xi1>, vector<512x128xf32>
    %reduce_min3A_927 = arith.constant dense<0x7F800000> : vector<512xf32>
    %reduce_min3A_928 = vector.multi_reduction <minimumf>, %select_n3A_922, %reduce_min3A_927 [1] : vector<512x128xf32> to vector<512xf32>
    %broadcast_in_dim3A_929 = vector.shape_cast %reduce_min3A_928 : vector<512xf32> to vector<512x1xf32>
    %le3A_930 = vector.broadcast %broadcast_in_dim3A_929 : vector<512x1xf32> to vector<512x128xf32>
    %le3A_931 = arith.cmpf ole, %select_n3A_922, %le3A_930 : vector<512x128xf32>
    %select_n3A_932 = arith.select %le3A_931, %select_n3A_923, %select_n3A_922 : vector<512x128xi1>, vector<512x128xf32>
    %select_n3A_933 = arith.select %le3A_931, %select_n3A_926, %select_n3A_923 : vector<512x128xi1>, vector<512x128xf32>
    %jit3A_934 = arith.constant 3.400000e+38 : f32
    %broadcast_in_dim3A_935 = vector.broadcast %jit3A_934 : f32 to vector<512x128xf32>
    %select_n3A_936 = arith.select %le3A_931, %broadcast_in_dim3A_935, %select_n3A_926 : vector<512x128xi1>, vector<512x128xf32>
    %reduce_min3A_937 = arith.constant dense<0x7F800000> : vector<512xf32>
    %reduce_min3A_938 = vector.multi_reduction <minimumf>, %select_n3A_932, %reduce_min3A_937 [1] : vector<512x128xf32> to vector<512xf32>
    %broadcast_in_dim3A_939 = vector.shape_cast %reduce_min3A_938 : vector<512xf32> to vector<512x1xf32>
    %le3A_940 = vector.broadcast %broadcast_in_dim3A_939 : vector<512x1xf32> to vector<512x128xf32>
    %le3A_941 = arith.cmpf ole, %select_n3A_932, %le3A_940 : vector<512x128xf32>
    %select_n3A_942 = arith.select %le3A_941, %select_n3A_933, %select_n3A_932 : vector<512x128xi1>, vector<512x128xf32>
    %select_n3A_943 = arith.select %le3A_941, %select_n3A_936, %select_n3A_933 : vector<512x128xi1>, vector<512x128xf32>
    %jit3A_944 = arith.constant 3.400000e+38 : f32
    %broadcast_in_dim3A_945 = vector.broadcast %jit3A_944 : f32 to vector<512x128xf32>
    %select_n3A_946 = arith.select %le3A_941, %broadcast_in_dim3A_945, %select_n3A_936 : vector<512x128xi1>, vector<512x128xf32>
    %reduce_min3A_947 = arith.constant dense<0x7F800000> : vector<512xf32>
    %reduce_min3A_948 = vector.multi_reduction <minimumf>, %select_n3A_942, %reduce_min3A_947 [1] : vector<512x128xf32> to vector<512xf32>
    %broadcast_in_dim3A_949 = vector.shape_cast %reduce_min3A_948 : vector<512xf32> to vector<512x1xf32>
    %le3A_950 = vector.broadcast %broadcast_in_dim3A_949 : vector<512x1xf32> to vector<512x128xf32>
    %le3A_951 = arith.cmpf ole, %select_n3A_942, %le3A_950 : vector<512x128xf32>
    %select_n3A_952 = arith.select %le3A_951, %select_n3A_943, %select_n3A_942 : vector<512x128xi1>, vector<512x128xf32>
    %select_n3A_953 = arith.select %le3A_951, %select_n3A_946, %select_n3A_943 : vector<512x128xi1>, vector<512x128xf32>
    %jit3A_954 = arith.constant 3.400000e+38 : f32
    %broadcast_in_dim3A_955 = vector.broadcast %jit3A_954 : f32 to vector<512x128xf32>
    %select_n3A_956 = arith.select %le3A_951, %broadcast_in_dim3A_955, %select_n3A_946 : vector<512x128xi1>, vector<512x128xf32>
    %reduce_min3A_957 = arith.constant dense<0x7F800000> : vector<512xf32>
    %reduce_min3A_958 = vector.multi_reduction <minimumf>, %select_n3A_952, %reduce_min3A_957 [1] : vector<512x128xf32> to vector<512xf32>
    %broadcast_in_dim3A_959 = vector.shape_cast %reduce_min3A_958 : vector<512xf32> to vector<512x1xf32>
    %le3A_960 = vector.broadcast %broadcast_in_dim3A_959 : vector<512x1xf32> to vector<512x128xf32>
    %le3A_961 = arith.cmpf ole, %select_n3A_952, %le3A_960 : vector<512x128xf32>
    %select_n3A_962 = arith.select %le3A_961, %select_n3A_953, %select_n3A_952 : vector<512x128xi1>, vector<512x128xf32>
    %select_n3A_963 = arith.select %le3A_961, %select_n3A_956, %select_n3A_953 : vector<512x128xi1>, vector<512x128xf32>
    %jit3A_964 = arith.constant 3.400000e+38 : f32
    %broadcast_in_dim3A_965 = vector.broadcast %jit3A_964 : f32 to vector<512x128xf32>
    %select_n3A_966 = arith.select %le3A_961, %broadcast_in_dim3A_965, %select_n3A_956 : vector<512x128xi1>, vector<512x128xf32>
    %reduce_min3A_967 = arith.constant dense<0x7F800000> : vector<512xf32>
    %reduce_min3A_968 = vector.multi_reduction <minimumf>, %select_n3A_962, %reduce_min3A_967 [1] : vector<512x128xf32> to vector<512xf32>
    %broadcast_in_dim3A_969 = vector.shape_cast %reduce_min3A_968 : vector<512xf32> to vector<512x1xf32>
    %le3A_970 = vector.broadcast %broadcast_in_dim3A_969 : vector<512x1xf32> to vector<512x128xf32>
    %le3A_971 = arith.cmpf ole, %select_n3A_962, %le3A_970 : vector<512x128xf32>
    %select_n3A_972 = arith.select %le3A_971, %select_n3A_963, %select_n3A_962 : vector<512x128xi1>, vector<512x128xf32>
    %select_n3A_973 = arith.select %le3A_971, %select_n3A_966, %select_n3A_963 : vector<512x128xi1>, vector<512x128xf32>
    %jit3A_974 = arith.constant 3.400000e+38 : f32
    %broadcast_in_dim3A_975 = vector.broadcast %jit3A_974 : f32 to vector<512x128xf32>
    %select_n3A_976 = arith.select %le3A_971, %broadcast_in_dim3A_975, %select_n3A_966 : vector<512x128xi1>, vector<512x128xf32>
    %reduce_min3A_977 = arith.constant dense<0x7F800000> : vector<512xf32>
    %reduce_min3A_978 = vector.multi_reduction <minimumf>, %select_n3A_972, %reduce_min3A_977 [1] : vector<512x128xf32> to vector<512xf32>
    %broadcast_in_dim3A_979 = vector.shape_cast %reduce_min3A_978 : vector<512xf32> to vector<512x1xf32>
    %le3A_980 = vector.broadcast %broadcast_in_dim3A_979 : vector<512x1xf32> to vector<512x128xf32>
    %le3A_981 = arith.cmpf ole, %select_n3A_972, %le3A_980 : vector<512x128xf32>
    %select_n3A_982 = arith.select %le3A_981, %select_n3A_973, %select_n3A_972 : vector<512x128xi1>, vector<512x128xf32>
    %select_n3A_983 = arith.select %le3A_981, %select_n3A_976, %select_n3A_973 : vector<512x128xi1>, vector<512x128xf32>
    %jit3A_984 = arith.constant 3.400000e+38 : f32
    %broadcast_in_dim3A_985 = vector.broadcast %jit3A_984 : f32 to vector<512x128xf32>
    %select_n3A_986 = arith.select %le3A_981, %broadcast_in_dim3A_985, %select_n3A_976 : vector<512x128xi1>, vector<512x128xf32>
    %reduce_min3A_987 = arith.constant dense<0x7F800000> : vector<512xf32>
    %reduce_min3A_988 = vector.multi_reduction <minimumf>, %select_n3A_982, %reduce_min3A_987 [1] : vector<512x128xf32> to vector<512xf32>
    %broadcast_in_dim3A_989 = vector.shape_cast %reduce_min3A_988 : vector<512xf32> to vector<512x1xf32>
    %le3A_990 = vector.broadcast %broadcast_in_dim3A_989 : vector<512x1xf32> to vector<512x128xf32>
    %le3A_991 = arith.cmpf ole, %select_n3A_982, %le3A_990 : vector<512x128xf32>
    %select_n3A_992 = arith.select %le3A_991, %select_n3A_983, %select_n3A_982 : vector<512x128xi1>, vector<512x128xf32>
    %select_n3A_993 = arith.select %le3A_991, %select_n3A_986, %select_n3A_983 : vector<512x128xi1>, vector<512x128xf32>
    %jit3A_994 = arith.constant 3.400000e+38 : f32
    %broadcast_in_dim3A_995 = vector.broadcast %jit3A_994 : f32 to vector<512x128xf32>
    %select_n3A_996 = arith.select %le3A_991, %broadcast_in_dim3A_995, %select_n3A_986 : vector<512x128xi1>, vector<512x128xf32>
    %reduce_min3A_997 = arith.constant dense<0x7F800000> : vector<512xf32>
    %reduce_min3A_998 = vector.multi_reduction <minimumf>, %select_n3A_992, %reduce_min3A_997 [1] : vector<512x128xf32> to vector<512xf32>
    %broadcast_in_dim3A_999 = vector.shape_cast %reduce_min3A_998 : vector<512xf32> to vector<512x1xf32>
    %le3A_1000 = vector.broadcast %broadcast_in_dim3A_999 : vector<512x1xf32> to vector<512x128xf32>
    %le3A_1001 = arith.cmpf ole, %select_n3A_992, %le3A_1000 : vector<512x128xf32>
    %select_n3A_1002 = arith.select %le3A_1001, %select_n3A_993, %select_n3A_992 : vector<512x128xi1>, vector<512x128xf32>
    %select_n3A_1003 = arith.select %le3A_1001, %select_n3A_996, %select_n3A_993 : vector<512x128xi1>, vector<512x128xf32>
    %jit3A_1004 = arith.constant 3.400000e+38 : f32
    %broadcast_in_dim3A_1005 = vector.broadcast %jit3A_1004 : f32 to vector<512x128xf32>
    %select_n3A_1006 = arith.select %le3A_1001, %broadcast_in_dim3A_1005, %select_n3A_996 : vector<512x128xi1>, vector<512x128xf32>
    %reduce_min3A_1007 = arith.constant dense<0x7F800000> : vector<512xf32>
    %reduce_min3A_1008 = vector.multi_reduction <minimumf>, %select_n3A_1002, %reduce_min3A_1007 [1] : vector<512x128xf32> to vector<512xf32>
    %broadcast_in_dim3A_1009 = vector.shape_cast %reduce_min3A_1008 : vector<512xf32> to vector<512x1xf32>
    %le3A_1010 = vector.broadcast %broadcast_in_dim3A_1009 : vector<512x1xf32> to vector<512x128xf32>
    %le3A_1011 = arith.cmpf ole, %select_n3A_1002, %le3A_1010 : vector<512x128xf32>
    %select_n3A_1012 = arith.select %le3A_1011, %select_n3A_1003, %select_n3A_1002 : vector<512x128xi1>, vector<512x128xf32>
    %select_n3A_1013 = arith.select %le3A_1011, %select_n3A_1006, %select_n3A_1003 : vector<512x128xi1>, vector<512x128xf32>
    %jit3A_1014 = arith.constant 3.400000e+38 : f32
    %broadcast_in_dim3A_1015 = vector.broadcast %jit3A_1014 : f32 to vector<512x128xf32>
    %select_n3A_1016 = arith.select %le3A_1011, %broadcast_in_dim3A_1015, %select_n3A_1006 : vector<512x128xi1>, vector<512x128xf32>
    %reduce_min3A_1017 = arith.constant dense<0x7F800000> : vector<512xf32>
    %reduce_min3A_1018 = vector.multi_reduction <minimumf>, %select_n3A_1012, %reduce_min3A_1017 [1] : vector<512x128xf32> to vector<512xf32>
    %broadcast_in_dim3A_1019 = vector.shape_cast %reduce_min3A_1018 : vector<512xf32> to vector<512x1xf32>
    %le3A_1020 = vector.broadcast %broadcast_in_dim3A_1019 : vector<512x1xf32> to vector<512x128xf32>
    %le3A_1021 = arith.cmpf ole, %select_n3A_1012, %le3A_1020 : vector<512x128xf32>
    %select_n3A_1022 = arith.select %le3A_1021, %select_n3A_1013, %select_n3A_1012 : vector<512x128xi1>, vector<512x128xf32>
    %select_n3A_1023 = arith.select %le3A_1021, %select_n3A_1016, %select_n3A_1013 : vector<512x128xi1>, vector<512x128xf32>
    %jit3A_1024 = arith.constant 3.400000e+38 : f32
    %broadcast_in_dim3A_1025 = vector.broadcast %jit3A_1024 : f32 to vector<512x128xf32>
    %select_n3A_1026 = arith.select %le3A_1021, %broadcast_in_dim3A_1025, %select_n3A_1016 : vector<512x128xi1>, vector<512x128xf32>
    %reduce_min3A_1027 = arith.constant dense<0x7F800000> : vector<512xf32>
    %reduce_min3A_1028 = vector.multi_reduction <minimumf>, %select_n3A_1022, %reduce_min3A_1027 [1] : vector<512x128xf32> to vector<512xf32>
    %broadcast_in_dim3A_1029 = vector.shape_cast %reduce_min3A_1028 : vector<512xf32> to vector<512x1xf32>
    %le3A_1030 = vector.broadcast %broadcast_in_dim3A_1029 : vector<512x1xf32> to vector<512x128xf32>
    %le3A_1031 = arith.cmpf ole, %select_n3A_1022, %le3A_1030 : vector<512x128xf32>
    %select_n3A_1032 = arith.select %le3A_1031, %select_n3A_1023, %select_n3A_1022 : vector<512x128xi1>, vector<512x128xf32>
    %select_n3A_1033 = arith.select %le3A_1031, %select_n3A_1026, %select_n3A_1023 : vector<512x128xi1>, vector<512x128xf32>
    %jit3A_1034 = arith.constant 3.400000e+38 : f32
    %broadcast_in_dim3A_1035 = vector.broadcast %jit3A_1034 : f32 to vector<512x128xf32>
    %select_n3A_1036 = arith.select %le3A_1031, %broadcast_in_dim3A_1035, %select_n3A_1026 : vector<512x128xi1>, vector<512x128xf32>
    %reduce_min3A_1037 = arith.constant dense<0x7F800000> : vector<512xf32>
    %reduce_min3A_1038 = vector.multi_reduction <minimumf>, %select_n3A_1032, %reduce_min3A_1037 [1] : vector<512x128xf32> to vector<512xf32>
    %broadcast_in_dim3A_1039 = vector.shape_cast %reduce_min3A_1038 : vector<512xf32> to vector<512x1xf32>
    %le3A_1040 = vector.broadcast %broadcast_in_dim3A_1039 : vector<512x1xf32> to vector<512x128xf32>
    %le3A_1041 = arith.cmpf ole, %select_n3A_1032, %le3A_1040 : vector<512x128xf32>
    %select_n3A_1042 = arith.select %le3A_1041, %select_n3A_1033, %select_n3A_1032 : vector<512x128xi1>, vector<512x128xf32>
    %select_n3A_1043 = arith.select %le3A_1041, %select_n3A_1036, %select_n3A_1033 : vector<512x128xi1>, vector<512x128xf32>
    %reduce_min3A_1044 = arith.constant dense<0x7F800000> : vector<512xf32>
    %reduce_min3A_1045 = vector.multi_reduction <minimumf>, %select_n3A_1042, %reduce_min3A_1044 [1] : vector<512x128xf32> to vector<512xf32>
    %broadcast_in_dim3A_1046 = vector.shape_cast %reduce_min3A_1045 : vector<512xf32> to vector<512x1xf32>
    %le3A_1047 = vector.broadcast %broadcast_in_dim3A_1046 : vector<512x1xf32> to vector<512x128xf32>
    %le3A_1048 = arith.cmpf ole, %select_n3A_1042, %le3A_1047 : vector<512x128xf32>
    %select_n3A_1049 = arith.select %le3A_1048, %select_n3A_1043, %select_n3A_1042 : vector<512x128xi1>, vector<512x128xf32>
    %reduce_min3A_1050 = arith.constant dense<0x7F800000> : vector<512xf32>
    %reduce_min3A_1051 = vector.multi_reduction <minimumf>, %select_n3A_1049, %reduce_min3A_1050 [1] : vector<512x128xf32> to vector<512xf32>
    %broadcast_in_dim3A_1052 = vector.shape_cast %reduce_min3A_1051 : vector<512xf32> to vector<512x1xf32>
    %concatenate3A = tpu.concatenate %broadcast_in_dim3A, %broadcast_in_dim3A_919, %broadcast_in_dim3A_929, %broadcast_in_dim3A_939, %broadcast_in_dim3A_949, %broadcast_in_dim3A_959, %broadcast_in_dim3A_969, %broadcast_in_dim3A_979, %broadcast_in_dim3A_989, %broadcast_in_dim3A_999, %broadcast_in_dim3A_1009, %broadcast_in_dim3A_1019, %broadcast_in_dim3A_1029, %broadcast_in_dim3A_1039, %broadcast_in_dim3A_1046, %broadcast_in_dim3A_1052 in 1 : vector<512x1xf32>, vector<512x1xf32>, vector<512x1xf32>, vector<512x1xf32>, vector<512x1xf32>, vector<512x1xf32>, vector<512x1xf32>, vector<512x1xf32>, vector<512x1xf32>, vector<512x1xf32>, vector<512x1xf32>, vector<512x1xf32>, vector<512x1xf32>, vector<512x1xf32>, vector<512x1xf32>, vector<512x1xf32> -> vector<512x16xf32>
    %sqrt3A = math.sqrt %concatenate3A : vector<512x16xf32>
    %neg3A = arith.constant 0.000000e+00 : f32
    %neg3A_1053 = vector.broadcast %neg3A : f32 to vector<512x16xf32>
    %neg3A_1054 = arith.subf %neg3A_1053, %concatenate3A : vector<512x16xf32>
    %div3A = arith.constant 8.99999984E-4 : f32
    %div3A_1055 = vector.broadcast %div3A : f32 to vector<512x16xf32>
    %div3A_1056 = arith.divf %neg3A_1054, %div3A_1055 : vector<512x16xf32>
    %exp3A = math.exp %div3A_1056 : vector<512x16xf32>
    %sub3A_1057 = arith.constant 7.000000e-02 : f32
    %sub3A_1058 = vector.broadcast %sub3A_1057 : f32 to vector<512x16xf32>
    %sub3A_1059 = arith.subf %sub3A_1058, %sqrt3A : vector<512x16xf32>
    %mul3A_1060 = arith.mulf %sub3A_1059, %exp3A : vector<512x16xf32>
    %reduce_sum3A = arith.constant dense<0.000000e+00> : vector<512xf32>
    %reduce_sum3A_1061 = vector.multi_reduction <add>, %mul3A_1060, %reduce_sum3A [1] : vector<512x16xf32> to vector<512xf32>
    %broadcast_in_dim3A_1062 = vector.shape_cast %reduce_sum3A_1061 : vector<512xf32> to vector<512x1xf32>
    %slice3A_1063 = vector.extract_strided_slice %sqrt3A {offsets = [0, 15], sizes = [512, 1], strides = [1, 1]} : vector<512x16xf32> to vector<512x1xf32>
    %slice3A_1064 = vector.extract_strided_slice %get3A_14 {offsets = [0, 0], sizes = [1, 1], strides = [1, 1]} : vector<3x128xf32> to vector<1x1xf32>
    %slice3A_1065 = vector.extract_strided_slice %get3A_21 {offsets = [0, 127], sizes = [1, 1], strides = [1, 1]} : vector<3x128xf32> to vector<1x1xf32>
    %eq3A = arith.constant 0 : i32
    %eq3A_1066 = arith.cmpi eq, %multiple_of3A, %eq3A : i32
    %sub3A_1067 = vector.broadcast %slice3A_1064 : vector<1x1xf32> to vector<512x1xf32>
    %sub3A_1068 = arith.subf %slice3A, %sub3A_1067 : vector<512x1xf32>
    %ge3A = arith.cmpf oge, %sub3A_1068, %slice3A_1063 : vector<512x1xf32>
    %or3A = vector.broadcast %eq3A_1066 : i1 to vector<512x1xi1>
    %or3A_1069 = arith.ori %or3A, %ge3A : vector<512x1xi1>
    %eq3A_1070 = arith.constant 0 : i32
    %eq3A_1071 = arith.cmpi eq, %multiple_of3A, %eq3A_1070 : i32
    %sub3A_1072 = vector.broadcast %slice3A_1065 : vector<1x1xf32> to vector<512x1xf32>
    %sub3A_1073 = arith.subf %sub3A_1072, %slice3A : vector<512x1xf32>
    %ge3A_1074 = arith.cmpf oge, %sub3A_1073, %slice3A_1063 : vector<512x1xf32>
    %or3A_1075 = vector.broadcast %eq3A_1071 : i1 to vector<512x1xi1>
    %or3A_1076 = arith.ori %or3A_1075, %ge3A_1074 : vector<512x1xi1>
    %and3A = arith.andi %or3A_1069, %or3A_1076 : vector<512x1xi1>
    %jit3A_1077 = arith.constant 1.000000e+00 : f32
    %jit3A_1078 = arith.constant 0.000000e+00 : f32
    %broadcast_in_dim3A_1079 = vector.broadcast %jit3A_1077 : f32 to vector<512x1xf32>
    %broadcast_in_dim3A_1080 = vector.broadcast %jit3A_1078 : f32 to vector<512x1xf32>
    %select_n3A_1081 = arith.select %and3A, %broadcast_in_dim3A_1079, %broadcast_in_dim3A_1080 : vector<512x1xi1>, vector<512x1xf32>
    %concatenate3A_1082 = tpu.concatenate %broadcast_in_dim3A_1062, %select_n3A_1081 in 1 : vector<512x1xf32>, vector<512x1xf32> -> vector<512x2xf32>
    %swap3A = arith.constant 0 : index
    %swap3A_1083 = arith.constant 0 : index
    %swap3A_1084 = arith.constant 0 : index
    %swap3A_1085 = vector.load %arg4[%swap3A, %swap3A_1083, %swap3A_1084] : memref<1x512x2xf32, #tpu.memory_space<vmem>>, vector<1x512x2xf32>
    %swap3A_1086 = vector.shape_cast %swap3A_1085 : vector<1x512x2xf32> to vector<512x2xf32>
    %swap3A_1087 = vector.shape_cast %concatenate3A_1082 : vector<512x2xf32> to vector<1x512x2xf32>
    tpu.vector_store %arg4[%swap3A, %swap3A_1083, %swap3A_1084], %swap3A_1087 {strides = array<i32>} : memref<1x512x2xf32, #tpu.memory_space<vmem>>, vector<1x512x2xf32>,
    return
  }
  func.func @transform_0(%arg0: i32, %arg1: i32) -> (i32, i32, i32) {
    %c0_i32 = arith.constant 0 : i32
    %c0_i32_0 = arith.constant 0 : i32
    return %arg0, %arg1, %c0_i32 : i32, i32, i32
  }
  func.func @transform_1(%arg0: i32, %arg1: i32) -> (i32, i32, i32) {
    %c0_i32 = arith.constant 0 : i32
    %c0_i32_0 = arith.constant 0 : i32
    %c0_i32_1 = arith.constant 0 : i32
    return %arg0, %c0_i32, %c0_i32_0 : i32, i32, i32
  }
  func.func @transform_2(%arg0: i32, %arg1: i32) -> (i32, i32, i32) {
    %c0_i32 = arith.constant 0 : i32
    %c0_i32_0 = arith.constant 0 : i32
    return %arg0, %arg1, %c0_i32 : i32, i32, i32
  }
}

</mosaic_0001>

<sc_bundles>
// kernel: gather_offload_async_start
scs
__scs_entry_jumppad:
0x0: {  	(pc) =	sbr.rel $0x88, $3  }
0x1: {  	(tag) =	ssettag $0x0;
	lr =	simm.s32 $0x1  }
0x2: {  	[smem:$0x3FA0] =	sst lr;
	_ =	strace $0xD0000000  }
0x3: {  	_ = 	snop  }
0x4: {  	_ = 	snop  }
0x5: {  	_ = 	snop  }
0x6: {  	_ = 	snop  }
0x7: {  	_ = 	snop  }
__scs_overlays_trampoline_lowered:
0x8: {  	[smem:$0x3FAF] =	sst s0  }
0x9: {  	[smem:$0x3FB0] =	sst s1  }
0xa: {  	[smem:$0x3FB1] =	sst s2  }
0xb: {  	[smem:$0x3FB2] =	sst s3  }
0xc: {  	[smem:$0x3FB3] =	sst s4  }
0xd: {  	[smem:$0x3FB4] =	sst s5  }
0xe: {  	[smem:$0x3FB5] =	sst s6  }
0xf: {  	[smem:$0x3FB6] =	sst s7  }
0x10: {  	[smem:$0x3FB7] =	sst s8  }
0x11: {  	[smem:$0x3FB8] =	sst s9;
	s0 =	simm.s32 @!p0 $0x0  }
0x12: {  	s1 =	sld [smem:$0x3F9E];
	s0 =	simm.s32 @p0 $0x1  }
0x13: {  	[smem:$0x3FB9] =	sst s0;
	s0 =	simm.s32 @!p1 $0x0  }
0x14: {  	s2 =	sld [smem:$0x3F9D];
	s0 =	simm.s32 @p1 $0x1  }
0x15: {  	[smem:$0x3FBA] =	sst s0;
	s0 =	simm.s32 @!p2 $0x0  }
0x16: {  	s3 =	sld [smem:$0x3FDB];
	s0 =	simm.s32 @p2 $0x1  }
0x17: {  	s4 =	simm.s32 $0x1BF5;
	[smem:$0x3FBC] =	sst s0  }
0x18: {  	s0 =	sld [smem:$0x3F9F];
	_ =	swait.ge [sflag:s4], $0x0  }
0x19: {  	s7 =	sld [smem:$0x3FA0]  }
0x1a: {  	s8 =	sadd.s32 $0xFFFFE003, lr  }
0x1b: {  	s9 =	sadd.s32 $0xFFFFFEF7, lr;
	s5 =	simm.s32 $0xFFFFFFFF;
	p2 =	slt.u32 s8, $0xFFFFF086  }
0x1c: {  	p1 =	slt.u32 s9, $0xF7A;
	s5 =	simm.s32 @!p2 $0x0  }
0x1d: {  	s5 =	simm.s32 @p1 $0x1;
	p0 =	seq.s32 s7, s2  }
0x1e: {  	s7 =	smul.u32 @!p0 $0xF7A, s2;
	p2 =	seq.s32 @!p0 s5, $0x0  }
0x1f: {  	s9 =	smul.u32 $0xF7A, s1;
	s8 =	simm.s32 @!p0 $0x1BF5;
	p2 =	por !p2, p0  }
0x20: {  	[sflag:s8] =	ssyncset.s32 @!p0 $0xFFFFF086;
	s6 =	sadd.s32 @!p0 s3, s7;
	s7 =	simm.s32 @!p0 $0x108  }
0x21: {  	s3 =	sadd.s32 s3, s9;
	s6 =	sadd.s32 @!p0 $0x88, s6;
	s7 =	simm.s32 @p2 $0x1082  }
0x22: {  	[simem:s7], [sflag:s8] =	dma.local @!p0 [hbm:s6], $0xF7A  }
0x23: {  	s9 =	sor.u32 $0xD0000000, s2;
	s6 =	simm.s32 $0x108;
	_ =	swait.ge @!p0 [sflag:s8], $0x0  }
0x24: {  	s3 =	sadd.s32 $0x88, s3;
	s6 =	simm.s32 @!p1 $0x1082;
	[sflag:s4] =	ssyncset.s32 $0xFFFFF086  }
0x25: {  	[simem:s6], [sflag:s4] =	dma.local [hbm:s3], $0xF7A  }
0x26: {  	[smem:$0x3FA0] =	sst s1;
	(tag) =	ssettag s2;
	_ =	strace s9  }
0x27: {  	s1 =	sld [smem:$0x3FB0]  }
0x28: {  	s2 =	sld [smem:$0x3FB1]  }
0x29: {  	s4 =	sld [smem:$0x3FB3]  }
0x2a: {  	p0 =	seq.s32 s5, $0x0;
	s5 =	sld [smem:$0x3FB4]  }
0x2b: {  	s6 =	sld [smem:$0x3FB5]  }
0x2c: {  	s7 =	sld [smem:$0x3FB6]  }
0x2d: {  	s3 =	simm.s32 $0x108;
	s8 =	sld [smem:$0x3FB7]  }
0x2e: {  	s3 =	simm.s32 @!p0 $0x1082;
	s9 =	sld [smem:$0x3FB8]  }
0x2f: {  	lr =	sadd.s32 s0, s3;
	s0 =	sld [smem:$0x3FAF]  }
0x30: {  	s3 =	sld [smem:$0x3FB2]  }
0x31: {  	[smem:$0x3FBB] =	sst s10  }
0x32: {  	s10 =	sld [smem:$0x3FB9];
	_ =	sdelay $0x3  }
0x33: {  	p0 =	seq.s32 s10, $0x1;
	s10 =	sld [smem:$0x3FBB];
	_ =	sdelay $0x3  }
0x34: {  	[smem:$0x3FBB] =	sst s10  }
0x35: {  	s10 =	sld [smem:$0x3FBA];
	_ =	sdelay $0x3  }
0x36: {  	p1 =	seq.s32 s10, $0x1;
	s10 =	sld [smem:$0x3FBB];
	_ =	sdelay $0x3  }
0x37: {  	[smem:$0x3FBB] =	sst s10  }
0x38: {  	s10 =	sld [smem:$0x3FBC]  }
0x39: {  	_ = 	snop;
	(pc) =	sbr.ind lr, $3  }
0x3a: {  	_ = 	snop  }
0x3b: {  	_ = 	snop  }
0x3c: {  	p2 =	seq.s32 s10, $0x1;
	s10 =	sld [smem:$0x3FBB]  }
0x3d: {  	_ =	shalt  }
0x3e: {  	_ =	shalt  }
0x3f: {  	_ =	shalt  }
0x40: {  	_ =	shalt  }
0x41: {  	_ =	shalt  }
0x42: {  	_ =	shalt  }
0x43: {  	_ =	shalt  }
0x44: {  	_ =	shalt  }
0x45: {  	_ =	shalt  }
0x46: {  	_ =	shalt  }
0x47: {  	_ =	shalt  }
0x48: {  	_ =	shalt  }
0x49: {  	_ =	shalt  }
0x4a: {  	_ =	shalt  }
0x4b: {  	_ =	shalt  }
0x4c: {  	_ =	shalt  }
0x4d: {  	_ =	shalt  }
0x4e: {  	_ =	shalt  }
0x4f: {  	_ =	shalt  }
0x50: {  	_ =	shalt  }
0x51: {  	_ =	shalt  }
0x52: {  	_ =	shalt  }
0x53: {  	_ =	shalt  }
0x54: {  	_ =	shalt  }
0x55: {  	_ =	shalt  }
0x56: {  	_ =	shalt  }
0x57: {  	_ =	shalt  }
0x58: {  	_ =	shalt  }
0x59: {  	_ =	shalt  }
0x5a: {  	_ =	shalt  }
0x5b: {  	_ =	shalt  }
0x5c: {  	_ =	shalt  }
0x5d: {  	_ =	shalt  }
0x5e: {  	_ =	shalt  }
0x5f: {  	_ =	shalt  }
0x60: {  	_ =	shalt  }
0x61: {  	_ =	shalt  }
0x62: {  	_ =	shalt  }
0x63: {  	_ =	shalt  }
0x64: {  	_ =	shalt  }
0x65: {  	_ =	shalt  }
0x66: {  	_ =	shalt  }
0x67: {  	_ =	shalt  }
0x68: {  	_ =	shalt  }
0x69: {  	_ =	shalt  }
0x6a: {  	_ =	shalt  }
0x6b: {  	_ =	shalt  }
0x6c: {  	_ =	shalt  }
0x6d: {  	_ =	shalt  }
0x6e: {  	_ =	shalt  }
0x6f: {  	_ =	shalt  }
0x70: {  	_ =	shalt  }
0x71: {  	_ =	shalt  }
0x72: {  	_ =	shalt  }
0x73: {  	_ =	shalt  }
0x74: {  	_ =	shalt  }
0x75: {  	_ =	shalt  }
0x76: {  	_ =	shalt  }
0x77: {  	_ =	shalt  }
0x78: {  	_ =	shalt  }
0x79: {  	_ =	shalt  }
0x7a: {  	_ =	shalt  }
0x7b: {  	_ =	shalt  }
0x7c: {  	_ =	shalt  }
0x7d: {  	_ =	shalt  }
0x7e: {  	_ =	shalt  }
0x7f: {  	_ =	shalt  }
0x80: {  	_ =	shalt  }
0x81: {  	_ =	shalt  }
0x82: {  	_ =	shalt  }
0x83: {  	_ =	shalt  }
0x84: {  	_ =	shalt  }
0x85: {  	_ =	shalt  }
0x86: {  	_ =	shalt  }
0x87: {  	_ =	shalt  }
.Lfunc_end0:
.L_simem_size_0:
called_computation_lowered:
.L_overlay_start_0:
0x88: {  	s2 =	sld [smem:$0x3FD9]  }
0x89: {  	s3 =	sld [smem:$0x3FFE];
	_ =	sdelay $0x1  }
0x8a: {  	s1 =	srdreg.scid  }
0x8b: {  	s0 =	sand.u32 $0x1, s1  }
0x8c: {  	s16 =	sshll.u32 s0, $0xA;
	s2 =	sadd.s32 s3, s2  }
0x8d: {  	s2 =	sadd.s32 s2, s16  }
0x8e: {  	[smem:$0x3FC7] =	sst s2  }
0x8f: {  	_ = 	snop  }
0x90: {  	(tm) =	ssettm $0x1  }
0x91: {  	s17 =	sld [smem:$0x3FFB];
	_ =	sdelay $0x3  }
0x92: {  	_ =	strace s17  }
0x93: {  	s2 =	sld [smem:$0x3FFC];
	_ =	sdelay $0x3  }
0x94: {  	_ =	strace s2  }
0x95: {  	s2 =	sld [smem:$0x3FFD];
	_ =	sdelay $0x3  }
0x96: {  	_ =	strace s2  }
0x97: {  	_ =	strace $0x8FFFFFFF  }
0x98: {  	s18 =	sld [smem:$0x3FDB];
	_ =	sdelay $0x1  }
0x99: {  	s19 =	simm.s32 $_scs_section_size  }
0x9a: {  	s4 =	simm.s32 $_size__tile_overlayer_lowered;
	s5 =	simm.s32 $_tile_overlayer_lowered  }
0x9b: {  	s22 =	simm.s32 $0x1BFF;
	s21 =	sshll.u32 s5, $0x1;
	s2 =	sadd.s32 s19, s18  }
0x9c: {  	s6 =	simm.s32 $0x0;
	s20 =	sshll.u32 s4, $0x1;
	s4 =	sadd.s32 s21, s2  }
0x9d: {  	[timem:s6], [sflag:s22] =	dma.local [hbm:s4], s20  }
0x9e: {  	_ =	swait.ge [sflag:s22], s20  }
0x9f: {  	s3 =	ssub.s32 $0x0, s20;
	[sflag:s22] =	ssyncset.done $0x0  }
0xa0: {  	[sflag:s22] =	ssyncadd.s32 s3;
	_ =	sdelay $0x1  }
0xa1: {  	s23 =	simm.s32 $0x1B8B  }
0xa2: {  	_ =	swait.ge [sflag:s23], $0x1  }
0xa3: {  	[sflag:s23] =	ssyncset.done $0x0  }
0xa4: {  	s25 =	simm.s32 $0x1B8E;
	s24 =	sld [smem:$0x3FFE];
	[sflag:s23] =	ssyncadd.s32 $0xFFFFFFFF  }
0xa5: {  	s26 =	simm.s32 $execute0_lowered;
	[smem:$0x3FD2] =	sst s25  }
0xa6: {  	s4 =	sshll.u32 s26, $0x1;
	_ =	strace $0x80000046;
	[dreg:$0x1] =	wrdreg $0xFFFFFFFF  }
0xa7: {  	s28 =	simm.s32 $_size_execute0_lowered;
	s2 =	sadd.s32 s2, s4;
	[dreg:$0x0] =	wrdreg $0x0  }
0xa8: {  	s4 =	sshll.u32 s28, $0x1;
	[dreg:$0x2] =	wrdreg s2  }
0xa9: {  	[dreg:$0x3] =	wrdreg s4  }
0xaa: {  	[dreg:$0x4] =	wrdreg $0xC0  }
0xab: {  	_ =	task [dreg:s6], $0x5FFFF  }
0xac: {  	[dreg:$0x1] =	wrdreg $0xFFFFFFFF  }
0xad: {  	[dreg:$0x0] =	wrdreg $0x60  }
0xae: {  	[dreg:$0x2] =	wrdreg s24  }
0xaf: {  	[dreg:$0x3] =	wrdreg $0x9  }
0xb0: {  	_ =	task.clear_ibuf [dreg:s6], $0x4FFFF;
	_ =	strace $0x90000046  }
0xb1: {  	s29 =	simm.s32 $0x9;
	_ =	strace $0x80000048  }
0xb2: {  	_ =	swait.ge [sflag:s29], $0x1  }
0xb3: {  	[sflag:s29] =	ssyncadd.s32 $0xFFFFFFFF  }
0xb4: {  	_ =	strace $0x90000048  }
0xb5: {  	_ =	sfence  }
0xb6: {  	s30 =	sld [smem:$0x0];
	_ =	sdelay $0x2  }
0xb7: {  	s31 =	sshll.u32 s1, $0xD;
	s1 =	sshrl.u32 s1, $0x2  }
0xb8: {  	s3 =	sand.u32 $0x4000, s31;
	s1 =	sadd.s32 s1, s30  }
0xb9: {  	s0 =	sor.u32 s3, s0;
	s1 =	sshll.u32 s1, $0x11  }
0xba: {  	s0 =	sor.u32 s1, s0  }
0xbb: {  	s0 =	sadd.s32 $0x8F2B, s0  }
0xbc: {  	[sflag:s0] =	ssyncadd.remote.s32 $0x1  }
0xbd: {  	_ =	sfence.sel $0xFFFF  }
0xbe: {  	[dreg:$0x0] =	wrdreg $0xFFFFFFFF;
	(pc) =	sbr.abs _section_cstart, $3  }
0xbf: {  	[dreg:$0x1] =	wrdreg $0xFFFFFFFF  }
0xc0: {  	_ =	task.clear_ibuf [dreg:s6], $0x2FFFF;
	_ =	strace $0x9FFFFFFF  }
0xc1: {  	(tm) =	ssettm $0x7FFFFFFF  }
tec
execute0_lowered:
.L_overlay_start_1:
0x0: {  	(tag) =	ssettag $0x1  }
0x1: {  	s2 =	rddreg [dreg:$0x0]  }
0x2: {  	s0 =	rddreg [dreg:$0x1]  }
0x3: {  	s1 =	srdreg.scid;
	_ =	strace $0x80000047;
	s4 =	simm.s32 $0x1  }
0x4: {  	s9 =	simm.s32 $0x3;
	s11 =	simm.s32 $0x0;
	s5 =	sshll.u32 s1, $0x4  }
.Ltmp0:
0x5: {  	s1 =	stileid.u32;
	s5 =	sand.u32 $0x10, s5;
	(pc) =	sbr.rel .LBB2_1-.Ltmp0, $4  }
0x6: {  	p0 =	por $0x0, $0x0;
	s3 =	sadd.s32 $0x40000, s2;
	s6 =	sor.u32 s1, s5  }
0x7: {  	[sflag:s4] =	ssyncpa.u1 $0x0;
	s5 =	simm.s32 $0x2;
	s6 =	sshll.u32 s6, $0x9  }
0x8: {  	s7 =	sadd.s32 $0x40800, s2;
	[sflag:s5] =	ssyncpa.u1 $0x0;
	s8 =	sadd.s32 $0x200, s6  }
0x9: {  	vm0 =	vmmov $0xff;
	vm1 =	vcmask $0x3F20;
	[sflag:s9] =	ssyncpa.u1 $0x0;
	s10 =	smov.u32 s6;
	s9 =	simm.s32 $0x0  }
.LBB2_7:
0xa: {  	p1 =	slt.u32 s9, $0x2;
	s11 =	sadd.s32 $0x100, s10  }
0xb: {  	s13 =	smov.u32 s6;
	s9 =	sadd.s32 $0x1, s9;
	p2 =	slt.s32 s11, s8  }
0xc: {  	s13 =	smov.u32 @p2 s11;
	p2 =	sne.s32 s9, $0x4  }
.Ltmp1:
0xd: {  	_ = 	snop;
	(pc) =	sbr.rel @!p2 .LBB2_8-.Ltmp1, $4  }
0xe: {  	s12 =	simm.s32 @!p1 $0x3  }
0xf: {  	_ =	swait.ge @!p1 [sflag:s12], $0x8000  }
0x10: {  	p0 =	por !p0, !p0;
	[sflag:s12] =	ssyncset.done @!p1 $0x0  }
0x11: {  	s11 =	smov.u32 s10;
	s10 =	smov.u32 s13;
	[sflag:s12] =	ssyncadd.s32 @!p1 $0xFFFF8000  }
.LBB2_1:
0x12: {  	p1 =	sgt.u32 s9, $0x1  }
0x13: {  	s12 =	sshll.u32 @!p1 s9, $0x8;
	s13 =	sshrl.u32 @!p1 s10, $0x3  }
0x14: {  	s14 =	sand.u32 @!p1 $0x7, s10;
	s12 =	sxor.u32 @!p1 $0x100, s12;
	s13 =	sadd.s32 @!p1 s3, s13  }
0x15: {  	[tilespmem:s12], [sflag:$0x2] =	stream.linear.gather @!p1 [hbm4b:s13+s14], $0x100, $0x38;
	[tilespmem:$0x10200] =	vst v63  }
0x16: {  	p1 =	seq.s32 s9, $0x0  }
0x17: {  	p2 =	seq.s32 @!p1 s9, $0x3  }
0x18: {  	p1 =	por p1, p2  }
.Ltmp2:
0x19: {  	_ = 	snop;
	(pc) =	sbr.rel @p1 .LBB2_7-.Ltmp2, $1  }
0x1a: {  	_ =	sdelay $0x3  }
0x1b: {  	s12 =	simm.s32 $0x1  }
0x1c: {  	_ =	swait.ge [sflag:s5], $0x100;
	s12 =	simm.s32 @!p0 $0x0  }
0x1d: {  	[sflag:s5] =	ssyncset.done $0x0;
	s14 =	sshll.u32 s12, $0x8  }
0x1e: {  	[sflag:s5] =	ssyncadd.s32 $0xFFFFFF00;
	s13 =	sadd.s32 $0x0, s14  }
0x1f: {  	v0 =	vld.msk [tilespmem:s13+$0x0 ss:$0x1], $0xffff;
	_ =	sdelay $0x4  }
0x20: {  	v1 =	vshll.u32 v0, $0x5  }
0x21: {  	vm2 =	veq.s32 v0, $0x80000000;
	v0 =	vshll.u32 v0, $0x13;
	v1 =	vand.u32 $0x7FF80, v1  }
0x22: {  	v0 =	vand.u32 $0x180000, v0;
	v1 =	vsel vm2, $0xFFFFFF80, v1  }
0x23: {  	v0 =	vsel vm2, $0xFFF80000, v0;
	v2 =	vand.u32 $0xFFFFFC00, v1  }
0x24: {  	v1 =	vand.u32 $0x380, v1;
	v0 =	vadd.s32 v0, v2  }
0x25: {  	v0 =	vor.u32 v1, v0  }
0x26: {  	v0 =	vshrl.u32 v0, $0x3;
	_ =	sdelay $0x2  }
0x27: {  	s12 =	sshll.u32 s12, $0xF  }
0x28: {  	s12 =	sor.u32 $0x200, s12  }
0x29: {  	[tilespmem:s12], [sflag:$0x1] =	stream.indirect_vreg.gather [hbm:s2], $0x80, v0, vm0, $0x38;
	[tilespmem:$0x10200] =	vst v63  }
0x2a: {  	s15 =	sadd.s32 $0x10, s14;
	s13 =	sadd.s32 $0x400, s12  }
0x2b: {  	[tilespmem:s13], [sflag:$0x1] =	stream.indirect_vreg.gather [hbm:s2], $0x80, v0, vm1, $0x38;
	[tilespmem:$0x10200] =	vst v63  }
0x2c: {  	s16 =	simm.s32 $0x80;
	v0 =	vld.msk [tilespmem:s15+$0x0 ss:$0x1], $0xffff;
	s15 =	smov.u32 s12  }
.LBB2_3:
0x2d: {  	p1 =	sne.s32 s16, $0x3C0;
	_ =	sdelay $0x4  }
0x2e: {  	v1 =	vshll.u32 v0, $0x5  }
0x2f: {  	vm2 =	veq.s32 v0, $0x80000000;
	v0 =	vshll.u32 v0, $0x13;
	v1 =	vand.u32 $0x7FF80, v1  }
0x30: {  	v0 =	vand.u32 $0x180000, v0;
	v1 =	vsel vm2, $0xFFFFFF80, v1  }
0x31: {  	v0 =	vsel vm2, $0xFFF80000, v0;
	v2 =	vand.u32 $0xFFFFFC00, v1  }
0x32: {  	v1 =	vand.u32 $0x380, v1;
	v0 =	vadd.s32 v0, v2  }
0x33: {  	v0 =	vor.u32 v1, v0  }
0x34: {  	v0 =	vshrl.u32 v0, $0x3;
	_ =	sdelay $0x3  }
.Ltmp3:
0x35: {  	s17 =	sshra.s32 s16, $0x2;
	s15 =	sadd.s32 $0x800, s15;
	(pc) =	sbr.rel @p1 .LBB2_3-.Ltmp3, $4  }
0x36: {  	[tilespmem:s15], [sflag:$0x1] =	stream.indirect_vreg.gather [hbm:s2], $0x80, v0, vm0, $0x38;
	[tilespmem:$0x10200] =	vst v63  }
0x37: {  	s17 =	sadd.s32 s17, s14;
	s18 =	sadd.s32 $0x400, s15  }
0x38: {  	[tilespmem:s18], [sflag:$0x1] =	stream.indirect_vreg.gather [hbm:s2], $0x80, v0, vm1, $0x38;
	[tilespmem:$0x10200] =	vst v63  }
0x39: {  	s16 =	sadd.s32 $0x40, s16;
	v0 =	vld.msk [tilespmem:s17+$0x0 ss:$0x1], $0xffff  }
0x3a: {  	_ =	sdelay $0x3  }
0x3b: {  	v1 =	vshll.u32 v0, $0x5  }
0x3c: {  	vm2 =	veq.s32 v0, $0x80000000;
	v63 =	vshll.u32 v0, $0x13;
	v1 =	vand.u32 $0x7FF80, v1  }
0x3d: {  	v0 =	vand.u32 $0x180000, v63;
	v1 =	vsel vm2, $0xFFFFFF80, v1  }
0x3e: {  	v0 =	vsel vm2, $0xFFF80000, v0;
	v2 =	vand.u32 $0xFFFFFC00, v1  }
0x3f: {  	v1 =	vand.u32 $0x380, v1;
	v0 =	vadd.s32 v0, v2  }
0x40: {  	v0 =	vor.u32 v1, v0  }
0x41: {  	v0 =	vshrl.u32 v0, $0x3;
	_ =	sdelay $0x3  }
0x42: {  	s14 =	sadd.s32 $0x800, s15  }
0x43: {  	[tilespmem:s14], [sflag:$0x1] =	stream.indirect_vreg.gather [hbm:s2], $0x80, v0, vm0, $0x38;
	[tilespmem:$0x10200] =	vst v63  }
0x44: {  	s14 =	sadd.s32 $0x400, s14  }
0x45: {  	[tilespmem:s14], [sflag:$0x1] =	stream.indirect_vreg.gather [hbm:s2], $0x80, v0, vm1, $0x38;
	[tilespmem:$0x10200] =	vst v63  }
0x46: {  	s11 =	sshll.u32 s11, $0x4;
	_ =	swait.ge [sflag:s4], $0x8000  }
0x47: {  	s11 =	sadd.s32 s11, s7;
	[sflag:s4] =	ssyncset.done $0x0  }
0x48: {  	s15 =	sadd.s32 $0x0, s11;
	s14 =	simm.s32 $0x80;
	[sflag:s4] =	ssyncadd.s32 $0xFFFF8000  }
.LBB2_5:
0x49: {  	[hbm:s15] =	stream.linear.scatter [tilespmem:s12], [sflag:$0x3], $0x400, $0x38;
	[tilespmem:$0x10200] =	vst v63  }
0x4a: {  	s15 =	smov.u32 s14;
	s12 =	smov.u32 s13;
	p1 =	sne.s32 s14, $0xF80  }
.Ltmp4:
0x4b: {  	s14 =	sadd.s32 $0x80, s14;
	(pc) =	sbr.rel @p1 .LBB2_5-.Ltmp4, $2  }
0x4c: {  	_ =	sdelay $0x2  }
0x4d: {  	s13 =	sadd.s32 $0x400, s13;
	s15 =	sadd.s32 s15, s11  }
.Ltmp5:
0x4e: {  	(pc) =	sbr.rel .LBB2_7-.Ltmp5, $2  }
0x4f: {  	_ =	sdelay $0x2  }
0x50: {  	[hbm:s15] =	stream.linear.scatter [tilespmem:s12], [sflag:$0x3], $0x400, $0x38;
	[tilespmem:$0x10200] =	vst v63  }
.LBB2_8:
0x51: {  	_ =	sfence.sel $0x180000  }
0x52: {  	s2 =	simm.s32 $0x2;
	[bflag:$0x0] =	sbarrier.arrive $0xFFFF  }
0x53: {  	s30 =	simm.s32 $0x3;
	[sflag:s2] =	ssyncpa.u1 $0x1  }
0x54: {  	s31 =	simm.s32 $0x1;
	[sflag:s30] =	ssyncpa.u1 $0x1  }
0x55: {  	[sflag:s31] =	ssyncpa.u1 $0x1  }
0x56: {  	p0 =	sne.s32 s1, $0x0;
	_ =	strace $0x90000047  }
0x57: {  	s0 =	sadd.s32 @!p0 $0x100000, s0;
	[bflag:$0x2] =	sbarrier.arrive $0xFFFF  }
0x58: {  	[sflag:s0] =	ssyncadd.tile.s32 @!p0 $0x1;
	_ =	shalt  }
.Lfunc_end2:
_tile_overlayer_lowered:
.L_overlay_start_2:
0x59: {  	(tag) =	ssettag $0x2  }
0x5a: {  	s0 =	rddreg [dreg:$0x0];
	s2 =	stileid.u32  }
0x5b: {  	s1 =	rddreg [dreg:$0x1];
	p0 =	sne.s32 s2, $0x0  }
0x5c: {  	s3 =	rddreg [dreg:$0x2];
	[bflag:$0x3] =	sbarrier.arrive $0xFFFF;
	s2 =	simm.s32 @!p0 $0x1C01  }
0x5d: {  	[timem:s3], [sflag:s2] =	dma.local @!p0 [hbm:s0], s1  }
0x5e: {  	s0 =	simm.s32 @!p0 $0x1  }
0x5f: {  	_ =	swait.ge @!p0 [sflag:s0], s1  }
0x60: {  	s1 =	ssub.s32 @!p0 $0x0, s1;
	[sflag:s0] =	ssyncset.done @!p0 $0x0  }
0x61: {  	[sflag:s0] =	ssyncadd.s32 @!p0 s1  }
0x62: {  	[bflag:$0x3] =	sbarrier.arrive $0xFFFF  }
0x63: {  	_ =	shalt  }

</sc_bundles>
